<compile_context>
chip_gen: v7x
topology: tpu7x:2x2x1
jax: 0.10.2.dev20260603
libtpu: 0.0.44.dev20260713+nightly
codegen_flags: <defaults>
</compile_context>

<pallas_src>
import functools

import jax
import jax.numpy as jnp
from jax import lax
from jax.experimental import pallas as pl
from jax.experimental.pallas import tpu as pltpu
from jax.experimental.pallas import tpu_sc as plsc

B = 16384
EMB = 32

_info = plsc.get_sparse_core_info()
_NC, _NS = _info.num_cores, _info.num_subcores
_NW = _NC * _NS
_BPW = B // _NW
_G = 16
_NG = _BPW // _G

_mesh = plsc.VectorSubcoreMesh(core_axis_name="c", subcore_axis_name="s")


@functools.partial(
    pl.kernel,
    mesh=_mesh,
    out_type=(
        jax.ShapeDtypeStruct((B, EMB), jnp.float32),
        jax.ShapeDtypeStruct((B, EMB), jnp.float32),
    ),
    scratch_types=[
        pltpu.VMEM((_BPW,), jnp.int32),
        pltpu.VMEM((_BPW,), jnp.int32),
        pltpu.VMEM((_G, 8, EMB), jnp.float32),
        pltpu.VMEM((_G, 8, EMB), jnp.float32),
        pltpu.VMEM((_G, EMB), jnp.float32),
        pltpu.VMEM((_G, EMB), jnp.float32),
        pltpu.SemaphoreType.DMA,
        pltpu.SemaphoreType.DMA,
    ],
)
def _sc_gather(uid_hbm, mid_hbm, utab_hbm, mtab_hbm, uout_hbm, mout_hbm,
               uidx_v, midx_v, ubuf_v, mbuf_v, urows_v, mrows_v, usem, msem):
    wid = lax.axis_index("s") * _NC + lax.axis_index("c")
    base = wid * _BPW
    pltpu.sync_copy(uid_hbm.at[pl.ds(base, _BPW)], uidx_v)
    pltpu.sync_copy(mid_hbm.at[pl.ds(base, _BPW)], midx_v)

    def group(g, carry):
        uids = uidx_v[pl.ds(g * _G, _G)]
        mids = midx_v[pl.ds(g * _G, _G)]
        utids = lax.shift_right_logical(uids, 3)
        mtids = lax.shift_right_logical(mids, 3)
        uphs = lax.bitwise_and(uids, 7)
        mphs = lax.bitwise_and(mids, 7)
        ucps = [
            pltpu.async_copy(utab_hbm.at[pl.ds(utids[k], 1)],
                             ubuf_v.at[pl.ds(k, 1)], usem)
            for k in range(_G)
        ]
        mcps = [
            pltpu.async_copy(mtab_hbm.at[pl.ds(mtids[k], 1)],
                             mbuf_v.at[pl.ds(k, 1)], msem)
            for k in range(_G)
        ]
        for cp in ucps:
            cp.wait()
        for k in range(_G):
            ph = uphs[k]
            urows_v[k, pl.ds(0, 16)] = ubuf_v[k, ph, pl.ds(0, 16)]
            urows_v[k, pl.ds(16, 16)] = ubuf_v[k, ph, pl.ds(16, 16)]
        pltpu.sync_copy(urows_v, uout_hbm.at[pl.ds(base + g * _G, _G)])
        for cp in mcps:
            cp.wait()
        for k in range(_G):
            ph = mphs[k]
            mrows_v[k, pl.ds(0, 16)] = mbuf_v[k, ph, pl.ds(0, 16)]
            mrows_v[k, pl.ds(16, 16)] = mbuf_v[k, ph, pl.ds(16, 16)]
        pltpu.sync_copy(mrows_v, mout_hbm.at[pl.ds(base + g * _G, _G)])
        return carry

    lax.fori_loop(0, _NG, group, 0)


_NB = 16
_BLK = B // _NB


def _mlp_body(u_ref, m_ref, r_ref, w0u_ref, w0m_ref, b0_ref, w1_ref, b1_ref,
              w2t_ref, b2_ref, out_ref):
    u = u_ref[...]
    m = m_ref[...]
    h = jnp.dot(u, w0u_ref[...], preferred_element_type=jnp.float32)
    h = h + jnp.dot(m, w0m_ref[...], preferred_element_type=jnp.float32)
    h = jnp.maximum(h + b0_ref[...], 0.0)
    h = jnp.dot(h, w1_ref[...], preferred_element_type=jnp.float32)
    h = jnp.maximum(h + b1_ref[...], 0.0)
    o = jnp.sum(h * w2t_ref[...], axis=1) + b2_ref[0]
    d = r_ref[0, 0, :] - o
    part = jnp.sum(d * d)

    @pl.when(pl.program_id(0) == 0)
    def _():
        out_ref[0] = 0.0

    out_ref[0] = out_ref[0] + part


def _mlp_loss(u, m, r3, w0u, w0m, b0r, w1, b1r, w2t, b2):
    return pl.pallas_call(
        _mlp_body,
        grid=(_NB,),
        in_specs=[
            pl.BlockSpec((_BLK, EMB), lambda i: (i, 0)),
            pl.BlockSpec((_BLK, EMB), lambda i: (i, 0)),
            pl.BlockSpec((1, 1, _BLK), lambda i: (i, 0, 0)),
            pl.BlockSpec((EMB, 256), lambda i: (0, 0)),
            pl.BlockSpec((EMB, 256), lambda i: (0, 0)),
            pl.BlockSpec((1, 256), lambda i: (0, 0)),
            pl.BlockSpec((256, 64), lambda i: (0, 0)),
            pl.BlockSpec((1, 64), lambda i: (0, 0)),
            pl.BlockSpec((1, 64), lambda i: (0, 0)),
            pl.BlockSpec(memory_space=pltpu.SMEM),
        ],
        out_specs=pl.BlockSpec(memory_space=pltpu.SMEM),
        out_shape=jax.ShapeDtypeStruct((1,), jnp.float32),
    )(u, m, r3, w0u, w0m, b0r, w1, b1r, w2t, b2)


def kernel(user_id, movie_id, user_rating, user_table, movie_table,
           W0, b0, W1, b1, W2, b2):
    uid = user_id.astype(jnp.int32)
    mid = movie_id.astype(jnp.int32)
    u, m = _sc_gather(
        uid, mid,
        user_table.reshape(-1, 8, EMB),
        movie_table.reshape(-1, 8, EMB),
    )
    loss = _mlp_loss(
        u, m,
        user_rating.reshape(_NB, 1, _BLK),
        W0[:EMB], W0[EMB:],
        b0.reshape(1, 256),
        W1,
        b1.reshape(1, 64),
        W2.reshape(1, 64),
        b2,
    )
    return loss[0] / jnp.float32(B)

# --- scband reference (transcript-rebuilt; emitter-appended) ---
"""Pipeline reference for scband-ncfmodel-25675314495635 (READ-ONLY COPY).

The authoritative reference and input builder live on the scoring server;
editing this copy changes nothing except your own understanding.
"""

import jax, jax.numpy as jnp
import numpy as np

USER_VOCAB = 1000000
MOVIE_VOCAB = 100000
EMB = 32
B = 16384


def setup_inputs(seed: int = 0) -> dict:
    key = jax.random.key(seed)
    ks = jax.random.split(key, 12)
    user_id = jax.random.randint(ks[0], (B,), 0, USER_VOCAB)
    movie_id = jax.random.randint(ks[1], (B,), 0, MOVIE_VOCAB)
    user_rating = jax.random.uniform(ks[2], (B,), dtype=jnp.float32) * 5.0
    # Embedding tables: RandomNormal(mean=-1, stddev=1)
    user_table = jax.random.normal(ks[3], (USER_VOCAB, EMB), dtype=jnp.float32) - 1.0
    movie_table = jax.random.normal(ks[4], (MOVIE_VOCAB, EMB), dtype=jnp.float32) - 1.0
    # Dense layers: RandomNormal(0.0, 0.1)
    W0 = jax.random.normal(ks[5], (2 * EMB, 256), dtype=jnp.float32) * 0.1
    b0 = jax.random.normal(ks[6], (256,), dtype=jnp.float32) * 0.1
    W1 = jax.random.normal(ks[7], (256, 64), dtype=jnp.float32) * 0.1
    b1 = jax.random.normal(ks[8], (64,), dtype=jnp.float32) * 0.1
    W2 = jax.random.normal(ks[9], (64, 1), dtype=jnp.float32) * 0.1
    b2 = jax.random.normal(ks[10], (1,), dtype=jnp.float32) * 0.1
    return {
        "user_id": user_id,
        "movie_id": movie_id,
        "user_rating": user_rating,
        "user_table": user_table,
        "movie_table": movie_table,
        "W0": W0, "b0": b0,
        "W1": W1, "b1": b1,
        "W2": W2, "b2": b2,
    }


def reference(user_id, movie_id, user_rating, user_table, movie_table, W0, b0, W1, b1, W2, b2):
    # tf.unique -> lookup unique ids -> tf.gather back (faithful to original)
    n = user_id.shape[0]
    user_val, user_idx = jnp.unique(user_id, return_inverse=True, size=n, fill_value=0)
    user_w_unique = jnp.take(user_table, user_val, axis=0)
    user_w = jnp.take(user_w_unique, user_idx.reshape(-1), axis=0)
    movie_val, movie_idx = jnp.unique(movie_id, return_inverse=True, size=n, fill_value=0)
    movie_w_unique = jnp.take(movie_table, movie_val, axis=0)
    movie_w = jnp.take(movie_w_unique, movie_idx.reshape(-1), axis=0)
    embeddings = jnp.concatenate([user_w, movie_w], axis=1)
    dnn = jax.nn.relu(embeddings @ W0 + b0)
    dnn = jax.nn.relu(dnn @ W1 + b1)
    dnn = dnn @ W2 + b2
    out = dnn.reshape(-1)
    loss = jnp.mean((user_rating - out) ** 2)
    return loss

if __name__ == "__main__":
    import jax
    _d = setup_inputs()
    print(jax.jit(kernel)(*tuple(_d.values())))

</pallas_src>

<mosaic_0001>
#map = affine_map<(d0, d1) -> (0)>
#map1 = affine_map<(d0, d1) -> (0, 0, 0)>
#map2 = affine_map<(d0, d1) -> (0, 0)>
module attributes {stable_mosaic.version = 14 : i64} {
  func.func @_sc_gather(%arg0: i32, %arg1: i32, %arg2: memref<16384xi32, #tpu.memory_space<hbm>>, %arg3: memref<16384xi32, #tpu.memory_space<hbm>>, %arg4: memref<125000x8x32xf32, #tpu.memory_space<hbm>>, %arg5: memref<12500x8x32xf32, #tpu.memory_space<hbm>>, %arg6: memref<16384x32xf32, #tpu.memory_space<hbm>>, %arg7: memref<16384x32xf32, #tpu.memory_space<hbm>>, %arg8: memref<512xi32, #tpu.memory_space<vmem>>, %arg9: memref<512xi32, #tpu.memory_space<vmem>>, %arg10: memref<16x8x32xf32, #tpu.memory_space<vmem>>, %arg11: memref<16x8x32xf32, #tpu.memory_space<vmem>>, %arg12: memref<16x32xf32, #tpu.memory_space<vmem>>, %arg13: memref<16x32xf32, #tpu.memory_space<vmem>>, %arg14: memref<!tpu.dma_semaphore, #tpu.memory_space<semaphore_mem>>, %arg15: memref<!tpu.dma_semaphore, #tpu.memory_space<semaphore_mem>>) attributes {dimension_semantics = [#tpu.dimension_semantics<core_parallel>, #tpu.dimension_semantics<subcore_parallel>], iteration_bounds = array<i64: 2, 16>, scalar_prefetch = 0 : i64, scratch_operands = 8 : i64, tpu.core_type = #tpu.core_type<sc_vector_subcore>, window_params = [{transform_indices = #map}, {transform_indices = #map}, {transform_indices = #map1}, {transform_indices = #map1}, {transform_indices = #map2}, {transform_indices = #map2}]} {
    %mul3A = arith.constant 2 : i32
    %mul3A_0 = arith.muli %arg1, %mul3A : i32
    %add3A = arith.addi %mul3A_0, %arg0 : i32
    %mul3A_1 = arith.constant 512 : i32
    %mul3A_2 = arith.muli %add3A, %mul3A_1 : i32
    "tpu.region"() ({
      %run_scoped3A = tpu.sem_alloc : memref<!tpu.dma_semaphore, #tpu.memory_space<semaphore_mem>>
      %dma_start3A = tpu.memref_slice %arg2[%mul3A_2] : memref<16384xi32, #tpu.memory_space<hbm>> -> memref<512xi32, #tpu.memory_space<hbm>>
      %dma_start3A_8 = tpu.memref_slice %arg2[%mul3A_2] : memref<16384xi32, #tpu.memory_space<hbm>> -> memref<512xi32, #tpu.memory_space<hbm>>
      tpu.enqueue_dma source(%dma_start3A_8 : memref<512xi32, #tpu.memory_space<hbm>>) target(%arg8 : memref<512xi32, #tpu.memory_space<vmem>>) target_semaphore(%run_scoped3A : memref<!tpu.dma_semaphore, #tpu.memory_space<semaphore_mem>>)
      %dma_wait3A = tpu.memref_slice %arg2[%mul3A_2] : memref<16384xi32, #tpu.memory_space<hbm>> -> memref<512xi32, #tpu.memory_space<hbm>>
      %dma_wait3A_9 = tpu.memref_slice %arg2[%mul3A_2] : memref<16384xi32, #tpu.memory_space<hbm>> -> memref<512xi32, #tpu.memory_space<hbm>>
      tpu.wait_dma2 semaphore(%run_scoped3A : memref<!tpu.dma_semaphore, #tpu.memory_space<semaphore_mem>>) src(%dma_wait3A_9 : memref<512xi32, #tpu.memory_space<hbm>>) dst(%arg8 : memref<512xi32, #tpu.memory_space<vmem>>)
      tpu.yield
    }) : () -> ()
    "tpu.region"() ({
      %run_scoped3A = tpu.sem_alloc : memref<!tpu.dma_semaphore, #tpu.memory_space<semaphore_mem>>
      %dma_start3A = tpu.memref_slice %arg3[%mul3A_2] : memref<16384xi32, #tpu.memory_space<hbm>> -> memref<512xi32, #tpu.memory_space<hbm>>
      %dma_start3A_8 = tpu.memref_slice %arg3[%mul3A_2] : memref<16384xi32, #tpu.memory_space<hbm>> -> memref<512xi32, #tpu.memory_space<hbm>>
      tpu.enqueue_dma source(%dma_start3A_8 : memref<512xi32, #tpu.memory_space<hbm>>) target(%arg9 : memref<512xi32, #tpu.memory_space<vmem>>) target_semaphore(%run_scoped3A : memref<!tpu.dma_semaphore, #tpu.memory_space<semaphore_mem>>)
      %dma_wait3A = tpu.memref_slice %arg3[%mul3A_2] : memref<16384xi32, #tpu.memory_space<hbm>> -> memref<512xi32, #tpu.memory_space<hbm>>
      %dma_wait3A_9 = tpu.memref_slice %arg3[%mul3A_2] : memref<16384xi32, #tpu.memory_space<hbm>> -> memref<512xi32, #tpu.memory_space<hbm>>
      tpu.wait_dma2 semaphore(%run_scoped3A : memref<!tpu.dma_semaphore, #tpu.memory_space<semaphore_mem>>) src(%dma_wait3A_9 : memref<512xi32, #tpu.memory_space<hbm>>) dst(%arg9 : memref<512xi32, #tpu.memory_space<vmem>>)
      tpu.yield
    }) : () -> ()
    %scan3A = arith.constant 0 : i32
    %scan3A_3 = arith.constant 0 : i32
    %scan3A_4 = arith.constant 32 : i32
    %scan3A_5 = arith.addi %scan3A_3, %scan3A_4 : i32
    %scan3A_6 = arith.constant 1 : i32
    scf.for %scan3A_8 = %scan3A_3 to %scan3A_5 step %scan3A_6  : i32 {
      %mul3A_9 = arith.constant 16 : i32
      %mul3A_10 = arith.muli %scan3A_8, %mul3A_9 : i32
      %get3A = arith.index_cast %mul3A_10 : i32 to index
      %get3A_11 = tpu.vector_load %arg8[%get3A] {strides = array<i32>} : memref<512xi32, #tpu.memory_space<vmem>>, vector<16xi32>,
      %get3A_12 = vector.shape_cast %get3A_11 : vector<16xi32> to vector<16xi32>
      %mul3A_13 = arith.constant 16 : i32
      %mul3A_14 = arith.muli %scan3A_8, %mul3A_13 : i32
      %get3A_15 = arith.index_cast %mul3A_14 : i32 to index
      %get3A_16 = tpu.vector_load %arg9[%get3A_15] {strides = array<i32>} : memref<512xi32, #tpu.memory_space<vmem>>, vector<16xi32>,
      %get3A_17 = vector.shape_cast %get3A_16 : vector<16xi32> to vector<16xi32>
      %shift_right_logical3A = arith.constant 3 : i32
      %shift_right_logical3A_18 = vector.broadcast %shift_right_logical3A : i32 to vector<16xi32>
      %shift_right_logical3A_19 = arith.shrui %get3A_12, %shift_right_logical3A_18 : vector<16xi32>
      %shift_right_logical3A_20 = arith.constant 3 : i32
      %shift_right_logical3A_21 = vector.broadcast %shift_right_logical3A_20 : i32 to vector<16xi32>
      %shift_right_logical3A_22 = arith.shrui %get3A_17, %shift_right_logical3A_21 : vector<16xi32>
      %and3A = arith.constant 7 : i32
      %and3A_23 = vector.broadcast %and3A : i32 to vector<16xi32>
      %and3A_24 = arith.andi %get3A_12, %and3A_23 : vector<16xi32>
      %and3A_25 = arith.constant 7 : i32
      %and3A_26 = vector.broadcast %and3A_25 : i32 to vector<16xi32>
      %and3A_27 = arith.andi %get3A_17, %and3A_26 : vector<16xi32>
      %slice3A = vector.extract_strided_slice %shift_right_logical3A_19 {offsets = [0], sizes = [1], strides = [1]} : vector<16xi32> to vector<1xi32>
      %squeeze3A = vector.extract %slice3A[0] : i32 from vector<1xi32>
      %dma_start3A = arith.constant 0 : i32
      %dma_start3A_28 = arith.constant 0 : i32
      %dma_start3A_29 = arith.constant 0 : i32
      %dma_start3A_30 = tpu.memref_slice %arg10[%dma_start3A, %dma_start3A_28, %dma_start3A_29] : memref<16x8x32xf32, #tpu.memory_space<vmem>> -> memref<1x8x32xf32, #tpu.memory_space<vmem>>
      %dma_start3A_31 = arith.constant 0 : i32
      %dma_start3A_32 = arith.constant 0 : i32
      %dma_start3A_33 = tpu.memref_slice %arg4[%squeeze3A, %dma_start3A_31, %dma_start3A_32] : memref<125000x8x32xf32, #tpu.memory_space<hbm>> -> memref<1x8x32xf32, #tpu.memory_space<hbm>>
      %dma_start3A_34 = arith.constant 0 : i32
      %dma_start3A_35 = arith.constant 0 : i32
      %dma_start3A_36 = arith.constant 0 : i32
      %dma_start3A_37 = tpu.memref_slice %arg10[%dma_start3A_34, %dma_start3A_35, %dma_start3A_36] : memref<16x8x32xf32, #tpu.memory_space<vmem>> -> memref<1x8x32xf32, #tpu.memory_space<vmem>>
      %dma_start3A_38 = arith.constant 0 : i32
      %dma_start3A_39 = arith.constant 0 : i32
      %dma_start3A_40 = tpu.memref_slice %arg4[%squeeze3A, %dma_start3A_38, %dma_start3A_39] : memref<125000x8x32xf32, #tpu.memory_space<hbm>> -> memref<1x8x32xf32, #tpu.memory_space<hbm>>
      tpu.enqueue_dma source(%dma_start3A_40 : memref<1x8x32xf32, #tpu.memory_space<hbm>>) target(%dma_start3A_37 : memref<1x8x32xf32, #tpu.memory_space<vmem>>) target_semaphore(%arg14 : memref<!tpu.dma_semaphore, #tpu.memory_space<semaphore_mem>>)
      %slice3A_41 = vector.extract_strided_slice %shift_right_logical3A_19 {offsets = [1], sizes = [1], strides = [1]} : vector<16xi32> to vector<1xi32>
      %squeeze3A_42 = vector.extract %slice3A_41[0] : i32 from vector<1xi32>
      %dma_start3A_43 = arith.constant 1 : i32
      %dma_start3A_44 = arith.constant 0 : i32
      %dma_start3A_45 = arith.constant 0 : i32
      %dma_start3A_46 = tpu.memref_slice %arg10[%dma_start3A_43, %dma_start3A_44, %dma_start3A_45] : memref<16x8x32xf32, #tpu.memory_space<vmem>> -> memref<1x8x32xf32, #tpu.memory_space<vmem>>
      %dma_start3A_47 = arith.constant 0 : i32
      %dma_start3A_48 = arith.constant 0 : i32
      %dma_start3A_49 = tpu.memref_slice %arg4[%squeeze3A_42, %dma_start3A_47, %dma_start3A_48] : memref<125000x8x32xf32, #tpu.memory_space<hbm>> -> memref<1x8x32xf32, #tpu.memory_space<hbm>>
      %dma_start3A_50 = arith.constant 1 : i32
      %dma_start3A_51 = arith.constant 0 : i32
      %dma_start3A_52 = arith.constant 0 : i32
      %dma_start3A_53 = tpu.memref_slice %arg10[%dma_start3A_50, %dma_start3A_51, %dma_start3A_52] : memref<16x8x32xf32, #tpu.memory_space<vmem>> -> memref<1x8x32xf32, #tpu.memory_space<vmem>>
      %dma_start3A_54 = arith.constant 0 : i32
      %dma_start3A_55 = arith.constant 0 : i32
      %dma_start3A_56 = tpu.memref_slice %arg4[%squeeze3A_42, %dma_start3A_54, %dma_start3A_55] : memref<125000x8x32xf32, #tpu.memory_space<hbm>> -> memref<1x8x32xf32, #tpu.memory_space<hbm>>
      tpu.enqueue_dma source(%dma_start3A_56 : memref<1x8x32xf32, #tpu.memory_space<hbm>>) target(%dma_start3A_53 : memref<1x8x32xf32, #tpu.memory_space<vmem>>) target_semaphore(%arg14 : memref<!tpu.dma_semaphore, #tpu.memory_space<semaphore_mem>>)
      %slice3A_57 = vector.extract_strided_slice %shift_right_logical3A_19 {offsets = [2], sizes = [1], strides = [1]} : vector<16xi32> to vector<1xi32>
      %squeeze3A_58 = vector.extract %slice3A_57[0] : i32 from vector<1xi32>
      %dma_start3A_59 = arith.constant 2 : i32
      %dma_start3A_60 = arith.constant 0 : i32
      %dma_start3A_61 = arith.constant 0 : i32
      %dma_start3A_62 = tpu.memref_slice %arg10[%dma_start3A_59, %dma_start3A_60, %dma_start3A_61] : memref<16x8x32xf32, #tpu.memory_space<vmem>> -> memref<1x8x32xf32, #tpu.memory_space<vmem>>
      %dma_start3A_63 = arith.constant 0 : i32
      %dma_start3A_64 = arith.constant 0 : i32
      %dma_start3A_65 = tpu.memref_slice %arg4[%squeeze3A_58, %dma_start3A_63, %dma_start3A_64] : memref<125000x8x32xf32, #tpu.memory_space<hbm>> -> memref<1x8x32xf32, #tpu.memory_space<hbm>>
      %dma_start3A_66 = arith.constant 2 : i32
      %dma_start3A_67 = arith.constant 0 : i32
      %dma_start3A_68 = arith.constant 0 : i32
      %dma_start3A_69 = tpu.memref_slice %arg10[%dma_start3A_66, %dma_start3A_67, %dma_start3A_68] : memref<16x8x32xf32, #tpu.memory_space<vmem>> -> memref<1x8x32xf32, #tpu.memory_space<vmem>>
      %dma_start3A_70 = arith.constant 0 : i32
      %dma_start3A_71 = arith.constant 0 : i32
      %dma_start3A_72 = tpu.memref_slice %arg4[%squeeze3A_58, %dma_start3A_70, %dma_start3A_71] : memref<125000x8x32xf32, #tpu.memory_space<hbm>> -> memref<1x8x32xf32, #tpu.memory_space<hbm>>
      tpu.enqueue_dma source(%dma_start3A_72 : memref<1x8x32xf32, #tpu.memory_space<hbm>>) target(%dma_start3A_69 : memref<1x8x32xf32, #tpu.memory_space<vmem>>) target_semaphore(%arg14 : memref<!tpu.dma_semaphore, #tpu.memory_space<semaphore_mem>>)
      %slice3A_73 = vector.extract_strided_slice %shift_right_logical3A_19 {offsets = [3], sizes = [1], strides = [1]} : vector<16xi32> to vector<1xi32>
      %squeeze3A_74 = vector.extract %slice3A_73[0] : i32 from vector<1xi32>
      %dma_start3A_75 = arith.constant 3 : i32
      %dma_start3A_76 = arith.constant 0 : i32
      %dma_start3A_77 = arith.constant 0 : i32
      %dma_start3A_78 = tpu.memref_slice %arg10[%dma_start3A_75, %dma_start3A_76, %dma_start3A_77] : memref<16x8x32xf32, #tpu.memory_space<vmem>> -> memref<1x8x32xf32, #tpu.memory_space<vmem>>
      %dma_start3A_79 = arith.constant 0 : i32
      %dma_start3A_80 = arith.constant 0 : i32
      %dma_start3A_81 = tpu.memref_slice %arg4[%squeeze3A_74, %dma_start3A_79, %dma_start3A_80] : memref<125000x8x32xf32, #tpu.memory_space<hbm>> -> memref<1x8x32xf32, #tpu.memory_space<hbm>>
      %dma_start3A_82 = arith.constant 3 : i32
      %dma_start3A_83 = arith.constant 0 : i32
      %dma_start3A_84 = arith.constant 0 : i32
      %dma_start3A_85 = tpu.memref_slice %arg10[%dma_start3A_82, %dma_start3A_83, %dma_start3A_84] : memref<16x8x32xf32, #tpu.memory_space<vmem>> -> memref<1x8x32xf32, #tpu.memory_space<vmem>>
      %dma_start3A_86 = arith.constant 0 : i32
      %dma_start3A_87 = arith.constant 0 : i32
      %dma_start3A_88 = tpu.memref_slice %arg4[%squeeze3A_74, %dma_start3A_86, %dma_start3A_87] : memref<125000x8x32xf32, #tpu.memory_space<hbm>> -> memref<1x8x32xf32, #tpu.memory_space<hbm>>
      tpu.enqueue_dma source(%dma_start3A_88 : memref<1x8x32xf32, #tpu.memory_space<hbm>>) target(%dma_start3A_85 : memref<1x8x32xf32, #tpu.memory_space<vmem>>) target_semaphore(%arg14 : memref<!tpu.dma_semaphore, #tpu.memory_space<semaphore_mem>>)
      %slice3A_89 = vector.extract_strided_slice %shift_right_logical3A_19 {offsets = [4], sizes = [1], strides = [1]} : vector<16xi32> to vector<1xi32>
      %squeeze3A_90 = vector.extract %slice3A_89[0] : i32 from vector<1xi32>
      %dma_start3A_91 = arith.constant 4 : i32
      %dma_start3A_92 = arith.constant 0 : i32
      %dma_start3A_93 = arith.constant 0 : i32
      %dma_start3A_94 = tpu.memref_slice %arg10[%dma_start3A_91, %dma_start3A_92, %dma_start3A_93] : memref<16x8x32xf32, #tpu.memory_space<vmem>> -> memref<1x8x32xf32, #tpu.memory_space<vmem>>
      %dma_start3A_95 = arith.constant 0 : i32
      %dma_start3A_96 = arith.constant 0 : i32
      %dma_start3A_97 = tpu.memref_slice %arg4[%squeeze3A_90, %dma_start3A_95, %dma_start3A_96] : memref<125000x8x32xf32, #tpu.memory_space<hbm>> -> memref<1x8x32xf32, #tpu.memory_space<hbm>>
      %dma_start3A_98 = arith.constant 4 : i32
      %dma_start3A_99 = arith.constant 0 : i32
      %dma_start3A_100 = arith.constant 0 : i32
      %dma_start3A_101 = tpu.memref_slice %arg10[%dma_start3A_98, %dma_start3A_99, %dma_start3A_100] : memref<16x8x32xf32, #tpu.memory_space<vmem>> -> memref<1x8x32xf32, #tpu.memory_space<vmem>>
      %dma_start3A_102 = arith.constant 0 : i32
      %dma_start3A_103 = arith.constant 0 : i32
      %dma_start3A_104 = tpu.memref_slice %arg4[%squeeze3A_90, %dma_start3A_102, %dma_start3A_103] : memref<125000x8x32xf32, #tpu.memory_space<hbm>> -> memref<1x8x32xf32, #tpu.memory_space<hbm>>
      tpu.enqueue_dma source(%dma_start3A_104 : memref<1x8x32xf32, #tpu.memory_space<hbm>>) target(%dma_start3A_101 : memref<1x8x32xf32, #tpu.memory_space<vmem>>) target_semaphore(%arg14 : memref<!tpu.dma_semaphore, #tpu.memory_space<semaphore_mem>>)
      %slice3A_105 = vector.extract_strided_slice %shift_right_logical3A_19 {offsets = [5], sizes = [1], strides = [1]} : vector<16xi32> to vector<1xi32>
      %squeeze3A_106 = vector.extract %slice3A_105[0] : i32 from vector<1xi32>
      %dma_start3A_107 = arith.constant 5 : i32
      %dma_start3A_108 = arith.constant 0 : i32
      %dma_start3A_109 = arith.constant 0 : i32
      %dma_start3A_110 = tpu.memref_slice %arg10[%dma_start3A_107, %dma_start3A_108, %dma_start3A_109] : memref<16x8x32xf32, #tpu.memory_space<vmem>> -> memref<1x8x32xf32, #tpu.memory_space<vmem>>
      %dma_start3A_111 = arith.constant 0 : i32
      %dma_start3A_112 = arith.constant 0 : i32
      %dma_start3A_113 = tpu.memref_slice %arg4[%squeeze3A_106, %dma_start3A_111, %dma_start3A_112] : memref<125000x8x32xf32, #tpu.memory_space<hbm>> -> memref<1x8x32xf32, #tpu.memory_space<hbm>>
      %dma_start3A_114 = arith.constant 5 : i32
      %dma_start3A_115 = arith.constant 0 : i32
      %dma_start3A_116 = arith.constant 0 : i32
      %dma_start3A_117 = tpu.memref_slice %arg10[%dma_start3A_114, %dma_start3A_115, %dma_start3A_116] : memref<16x8x32xf32, #tpu.memory_space<vmem>> -> memref<1x8x32xf32, #tpu.memory_space<vmem>>
      %dma_start3A_118 = arith.constant 0 : i32
      %dma_start3A_119 = arith.constant 0 : i32
      %dma_start3A_120 = tpu.memref_slice %arg4[%squeeze3A_106, %dma_start3A_118, %dma_start3A_119] : memref<125000x8x32xf32, #tpu.memory_space<hbm>> -> memref<1x8x32xf32, #tpu.memory_space<hbm>>
      tpu.enqueue_dma source(%dma_start3A_120 : memref<1x8x32xf32, #tpu.memory_space<hbm>>) target(%dma_start3A_117 : memref<1x8x32xf32, #tpu.memory_space<vmem>>) target_semaphore(%arg14 : memref<!tpu.dma_semaphore, #tpu.memory_space<semaphore_mem>>)
      %slice3A_121 = vector.extract_strided_slice %shift_right_logical3A_19 {offsets = [6], sizes = [1], strides = [1]} : vector<16xi32> to vector<1xi32>
      %squeeze3A_122 = vector.extract %slice3A_121[0] : i32 from vector<1xi32>
      %dma_start3A_123 = arith.constant 6 : i32
      %dma_start3A_124 = arith.constant 0 : i32
      %dma_start3A_125 = arith.constant 0 : i32
      %dma_start3A_126 = tpu.memref_slice %arg10[%dma_start3A_123, %dma_start3A_124, %dma_start3A_125] : memref<16x8x32xf32, #tpu.memory_space<vmem>> -> memref<1x8x32xf32, #tpu.memory_space<vmem>>
      %dma_start3A_127 = arith.constant 0 : i32
      %dma_start3A_128 = arith.constant 0 : i32
      %dma_start3A_129 = tpu.memref_slice %arg4[%squeeze3A_122, %dma_start3A_127, %dma_start3A_128] : memref<125000x8x32xf32, #tpu.memory_space<hbm>> -> memref<1x8x32xf32, #tpu.memory_space<hbm>>
      %dma_start3A_130 = arith.constant 6 : i32
      %dma_start3A_131 = arith.constant 0 : i32
      %dma_start3A_132 = arith.constant 0 : i32
      %dma_start3A_133 = tpu.memref_slice %arg10[%dma_start3A_130, %dma_start3A_131, %dma_start3A_132] : memref<16x8x32xf32, #tpu.memory_space<vmem>> -> memref<1x8x32xf32, #tpu.memory_space<vmem>>
      %dma_start3A_134 = arith.constant 0 : i32
      %dma_start3A_135 = arith.constant 0 : i32
      %dma_start3A_136 = tpu.memref_slice %arg4[%squeeze3A_122, %dma_start3A_134, %dma_start3A_135] : memref<125000x8x32xf32, #tpu.memory_space<hbm>> -> memref<1x8x32xf32, #tpu.memory_space<hbm>>
      tpu.enqueue_dma source(%dma_start3A_136 : memref<1x8x32xf32, #tpu.memory_space<hbm>>) target(%dma_start3A_133 : memref<1x8x32xf32, #tpu.memory_space<vmem>>) target_semaphore(%arg14 : memref<!tpu.dma_semaphore, #tpu.memory_space<semaphore_mem>>)
      %slice3A_137 = vector.extract_strided_slice %shift_right_logical3A_19 {offsets = [7], sizes = [1], strides = [1]} : vector<16xi32> to vector<1xi32>
      %squeeze3A_138 = vector.extract %slice3A_137[0] : i32 from vector<1xi32>
      %dma_start3A_139 = arith.constant 7 : i32
      %dma_start3A_140 = arith.constant 0 : i32
      %dma_start3A_141 = arith.constant 0 : i32
      %dma_start3A_142 = tpu.memref_slice %arg10[%dma_start3A_139, %dma_start3A_140, %dma_start3A_141] : memref<16x8x32xf32, #tpu.memory_space<vmem>> -> memref<1x8x32xf32, #tpu.memory_space<vmem>>
      %dma_start3A_143 = arith.constant 0 : i32
      %dma_start3A_144 = arith.constant 0 : i32
      %dma_start3A_145 = tpu.memref_slice %arg4[%squeeze3A_138, %dma_start3A_143, %dma_start3A_144] : memref<125000x8x32xf32, #tpu.memory_space<hbm>> -> memref<1x8x32xf32, #tpu.memory_space<hbm>>
      %dma_start3A_146 = arith.constant 7 : i32
      %dma_start3A_147 = arith.constant 0 : i32
      %dma_start3A_148 = arith.constant 0 : i32
      %dma_start3A_149 = tpu.memref_slice %arg10[%dma_start3A_146, %dma_start3A_147, %dma_start3A_148] : memref<16x8x32xf32, #tpu.memory_space<vmem>> -> memref<1x8x32xf32, #tpu.memory_space<vmem>>
      %dma_start3A_150 = arith.constant 0 : i32
      %dma_start3A_151 = arith.constant 0 : i32
      %dma_start3A_152 = tpu.memref_slice %arg4[%squeeze3A_138, %dma_start3A_150, %dma_start3A_151] : memref<125000x8x32xf32, #tpu.memory_space<hbm>> -> memref<1x8x32xf32, #tpu.memory_space<hbm>>
      tpu.enqueue_dma source(%dma_start3A_152 : memref<1x8x32xf32, #tpu.memory_space<hbm>>) target(%dma_start3A_149 : memref<1x8x32xf32, #tpu.memory_space<vmem>>) target_semaphore(%arg14 : memref<!tpu.dma_semaphore, #tpu.memory_space<semaphore_mem>>)
      %slice3A_153 = vector.extract_strided_slice %shift_right_logical3A_19 {offsets = [8], sizes = [1], strides = [1]} : vector<16xi32> to vector<1xi32>
      %squeeze3A_154 = vector.extract %slice3A_153[0] : i32 from vector<1xi32>
      %dma_start3A_155 = arith.constant 8 : i32
      %dma_start3A_156 = arith.constant 0 : i32
      %dma_start3A_157 = arith.constant 0 : i32
      %dma_start3A_158 = tpu.memref_slice %arg10[%dma_start3A_155, %dma_start3A_156, %dma_start3A_157] : memref<16x8x32xf32, #tpu.memory_space<vmem>> -> memref<1x8x32xf32, #tpu.memory_space<vmem>>
      %dma_start3A_159 = arith.constant 0 : i32
      %dma_start3A_160 = arith.constant 0 : i32
      %dma_start3A_161 = tpu.memref_slice %arg4[%squeeze3A_154, %dma_start3A_159, %dma_start3A_160] : memref<125000x8x32xf32, #tpu.memory_space<hbm>> -> memref<1x8x32xf32, #tpu.memory_space<hbm>>
      %dma_start3A_162 = arith.constant 8 : i32
      %dma_start3A_163 = arith.constant 0 : i32
      %dma_start3A_164 = arith.constant 0 : i32
      %dma_start3A_165 = tpu.memref_slice %arg10[%dma_start3A_162, %dma_start3A_163, %dma_start3A_164] : memref<16x8x32xf32, #tpu.memory_space<vmem>> -> memref<1x8x32xf32, #tpu.memory_space<vmem>>
      %dma_start3A_166 = arith.constant 0 : i32
      %dma_start3A_167 = arith.constant 0 : i32
      %dma_start3A_168 = tpu.memref_slice %arg4[%squeeze3A_154, %dma_start3A_166, %dma_start3A_167] : memref<125000x8x32xf32, #tpu.memory_space<hbm>> -> memref<1x8x32xf32, #tpu.memory_space<hbm>>
      tpu.enqueue_dma source(%dma_start3A_168 : memref<1x8x32xf32, #tpu.memory_space<hbm>>) target(%dma_start3A_165 : memref<1x8x32xf32, #tpu.memory_space<vmem>>) target_semaphore(%arg14 : memref<!tpu.dma_semaphore, #tpu.memory_space<semaphore_mem>>)
      %slice3A_169 = vector.extract_strided_slice %shift_right_logical3A_19 {offsets = [9], sizes = [1], strides = [1]} : vector<16xi32> to vector<1xi32>
      %squeeze3A_170 = vector.extract %slice3A_169[0] : i32 from vector<1xi32>
      %dma_start3A_171 = arith.constant 9 : i32
      %dma_start3A_172 = arith.constant 0 : i32
      %dma_start3A_173 = arith.constant 0 : i32
      %dma_start3A_174 = tpu.memref_slice %arg10[%dma_start3A_171, %dma_start3A_172, %dma_start3A_173] : memref<16x8x32xf32, #tpu.memory_space<vmem>> -> memref<1x8x32xf32, #tpu.memory_space<vmem>>
      %dma_start3A_175 = arith.constant 0 : i32
      %dma_start3A_176 = arith.constant 0 : i32
      %dma_start3A_177 = tpu.memref_slice %arg4[%squeeze3A_170, %dma_start3A_175, %dma_start3A_176] : memref<125000x8x32xf32, #tpu.memory_space<hbm>> -> memref<1x8x32xf32, #tpu.memory_space<hbm>>
      %dma_start3A_178 = arith.constant 9 : i32
      %dma_start3A_179 = arith.constant 0 : i32
      %dma_start3A_180 = arith.constant 0 : i32
      %dma_start3A_181 = tpu.memref_slice %arg10[%dma_start3A_178, %dma_start3A_179, %dma_start3A_180] : memref<16x8x32xf32, #tpu.memory_space<vmem>> -> memref<1x8x32xf32, #tpu.memory_space<vmem>>
      %dma_start3A_182 = arith.constant 0 : i32
      %dma_start3A_183 = arith.constant 0 : i32
      %dma_start3A_184 = tpu.memref_slice %arg4[%squeeze3A_170, %dma_start3A_182, %dma_start3A_183] : memref<125000x8x32xf32, #tpu.memory_space<hbm>> -> memref<1x8x32xf32, #tpu.memory_space<hbm>>
      tpu.enqueue_dma source(%dma_start3A_184 : memref<1x8x32xf32, #tpu.memory_space<hbm>>) target(%dma_start3A_181 : memref<1x8x32xf32, #tpu.memory_space<vmem>>) target_semaphore(%arg14 : memref<!tpu.dma_semaphore, #tpu.memory_space<semaphore_mem>>)
      %slice3A_185 = vector.extract_strided_slice %shift_right_logical3A_19 {offsets = [10], sizes = [1], strides = [1]} : vector<16xi32> to vector<1xi32>
      %squeeze3A_186 = vector.extract %slice3A_185[0] : i32 from vector<1xi32>
      %dma_start3A_187 = arith.constant 10 : i32
      %dma_start3A_188 = arith.constant 0 : i32
      %dma_start3A_189 = arith.constant 0 : i32
      %dma_start3A_190 = tpu.memref_slice %arg10[%dma_start3A_187, %dma_start3A_188, %dma_start3A_189] : memref<16x8x32xf32, #tpu.memory_space<vmem>> -> memref<1x8x32xf32, #tpu.memory_space<vmem>>
      %dma_start3A_191 = arith.constant 0 : i32
      %dma_start3A_192 = arith.constant 0 : i32
      %dma_start3A_193 = tpu.memref_slice %arg4[%squeeze3A_186, %dma_start3A_191, %dma_start3A_192] : memref<125000x8x32xf32, #tpu.memory_space<hbm>> -> memref<1x8x32xf32, #tpu.memory_space<hbm>>
      %dma_start3A_194 = arith.constant 10 : i32
      %dma_start3A_195 = arith.constant 0 : i32
      %dma_start3A_196 = arith.constant 0 : i32
      %dma_start3A_197 = tpu.memref_slice %arg10[%dma_start3A_194, %dma_start3A_195, %dma_start3A_196] : memref<16x8x32xf32, #tpu.memory_space<vmem>> -> memref<1x8x32xf32, #tpu.memory_space<vmem>>
      %dma_start3A_198 = arith.constant 0 : i32
      %dma_start3A_199 = arith.constant 0 : i32
      %dma_start3A_200 = tpu.memref_slice %arg4[%squeeze3A_186, %dma_start3A_198, %dma_start3A_199] : memref<125000x8x32xf32, #tpu.memory_space<hbm>> -> memref<1x8x32xf32, #tpu.memory_space<hbm>>
      tpu.enqueue_dma source(%dma_start3A_200 : memref<1x8x32xf32, #tpu.memory_space<hbm>>) target(%dma_start3A_197 : memref<1x8x32xf32, #tpu.memory_space<vmem>>) target_semaphore(%arg14 : memref<!tpu.dma_semaphore, #tpu.memory_space<semaphore_mem>>)
      %slice3A_201 = vector.extract_strided_slice %shift_right_logical3A_19 {offsets = [11], sizes = [1], strides = [1]} : vector<16xi32> to vector<1xi32>
      %squeeze3A_202 = vector.extract %slice3A_201[0] : i32 from vector<1xi32>
      %dma_start3A_203 = arith.constant 11 : i32
      %dma_start3A_204 = arith.constant 0 : i32
      %dma_start3A_205 = arith.constant 0 : i32
      %dma_start3A_206 = tpu.memref_slice %arg10[%dma_start3A_203, %dma_start3A_204, %dma_start3A_205] : memref<16x8x32xf32, #tpu.memory_space<vmem>> -> memref<1x8x32xf32, #tpu.memory_space<vmem>>
      %dma_start3A_207 = arith.constant 0 : i32
      %dma_start3A_208 = arith.constant 0 : i32
      %dma_start3A_209 = tpu.memref_slice %arg4[%squeeze3A_202, %dma_start3A_207, %dma_start3A_208] : memref<125000x8x32xf32, #tpu.memory_space<hbm>> -> memref<1x8x32xf32, #tpu.memory_space<hbm>>
      %dma_start3A_210 = arith.constant 11 : i32
      %dma_start3A_211 = arith.constant 0 : i32
      %dma_start3A_212 = arith.constant 0 : i32
      %dma_start3A_213 = tpu.memref_slice %arg10[%dma_start3A_210, %dma_start3A_211, %dma_start3A_212] : memref<16x8x32xf32, #tpu.memory_space<vmem>> -> memref<1x8x32xf32, #tpu.memory_space<vmem>>
      %dma_start3A_214 = arith.constant 0 : i32
      %dma_start3A_215 = arith.constant 0 : i32
      %dma_start3A_216 = tpu.memref_slice %arg4[%squeeze3A_202, %dma_start3A_214, %dma_start3A_215] : memref<125000x8x32xf32, #tpu.memory_space<hbm>> -> memref<1x8x32xf32, #tpu.memory_space<hbm>>
      tpu.enqueue_dma source(%dma_start3A_216 : memref<1x8x32xf32, #tpu.memory_space<hbm>>) target(%dma_start3A_213 : memref<1x8x32xf32, #tpu.memory_space<vmem>>) target_semaphore(%arg14 : memref<!tpu.dma_semaphore, #tpu.memory_space<semaphore_mem>>)
      %slice3A_217 = vector.extract_strided_slice %shift_right_logical3A_19 {offsets = [12], sizes = [1], strides = [1]} : vector<16xi32> to vector<1xi32>
      %squeeze3A_218 = vector.extract %slice3A_217[0] : i32 from vector<1xi32>
      %dma_start3A_219 = arith.constant 12 : i32
      %dma_start3A_220 = arith.constant 0 : i32
      %dma_start3A_221 = arith.constant 0 : i32
      %dma_start3A_222 = tpu.memref_slice %arg10[%dma_start3A_219, %dma_start3A_220, %dma_start3A_221] : memref<16x8x32xf32, #tpu.memory_space<vmem>> -> memref<1x8x32xf32, #tpu.memory_space<vmem>>
      %dma_start3A_223 = arith.constant 0 : i32
      %dma_start3A_224 = arith.constant 0 : i32
      %dma_start3A_225 = tpu.memref_slice %arg4[%squeeze3A_218, %dma_start3A_223, %dma_start3A_224] : memref<125000x8x32xf32, #tpu.memory_space<hbm>> -> memref<1x8x32xf32, #tpu.memory_space<hbm>>
      %dma_start3A_226 = arith.constant 12 : i32
      %dma_start3A_227 = arith.constant 0 : i32
      %dma_start3A_228 = arith.constant 0 : i32
      %dma_start3A_229 = tpu.memref_slice %arg10[%dma_start3A_226, %dma_start3A_227, %dma_start3A_228] : memref<16x8x32xf32, #tpu.memory_space<vmem>> -> memref<1x8x32xf32, #tpu.memory_space<vmem>>
      %dma_start3A_230 = arith.constant 0 : i32
      %dma_start3A_231 = arith.constant 0 : i32
      %dma_start3A_232 = tpu.memref_slice %arg4[%squeeze3A_218, %dma_start3A_230, %dma_start3A_231] : memref<125000x8x32xf32, #tpu.memory_space<hbm>> -> memref<1x8x32xf32, #tpu.memory_space<hbm>>
      tpu.enqueue_dma source(%dma_start3A_232 : memref<1x8x32xf32, #tpu.memory_space<hbm>>) target(%dma_start3A_229 : memref<1x8x32xf32, #tpu.memory_space<vmem>>) target_semaphore(%arg14 : memref<!tpu.dma_semaphore, #tpu.memory_space<semaphore_mem>>)
      %slice3A_233 = vector.extract_strided_slice %shift_right_logical3A_19 {offsets = [13], sizes = [1], strides = [1]} : vector<16xi32> to vector<1xi32>
      %squeeze3A_234 = vector.extract %slice3A_233[0] : i32 from vector<1xi32>
      %dma_start3A_235 = arith.constant 13 : i32
      %dma_start3A_236 = arith.constant 0 : i32
      %dma_start3A_237 = arith.constant 0 : i32
      %dma_start3A_238 = tpu.memref_slice %arg10[%dma_start3A_235, %dma_start3A_236, %dma_start3A_237] : memref<16x8x32xf32, #tpu.memory_space<vmem>> -> memref<1x8x32xf32, #tpu.memory_space<vmem>>
      %dma_start3A_239 = arith.constant 0 : i32
      %dma_start3A_240 = arith.constant 0 : i32
      %dma_start3A_241 = tpu.memref_slice %arg4[%squeeze3A_234, %dma_start3A_239, %dma_start3A_240] : memref<125000x8x32xf32, #tpu.memory_space<hbm>> -> memref<1x8x32xf32, #tpu.memory_space<hbm>>
      %dma_start3A_242 = arith.constant 13 : i32
      %dma_start3A_243 = arith.constant 0 : i32
      %dma_start3A_244 = arith.constant 0 : i32
      %dma_start3A_245 = tpu.memref_slice %arg10[%dma_start3A_242, %dma_start3A_243, %dma_start3A_244] : memref<16x8x32xf32, #tpu.memory_space<vmem>> -> memref<1x8x32xf32, #tpu.memory_space<vmem>>
      %dma_start3A_246 = arith.constant 0 : i32
      %dma_start3A_247 = arith.constant 0 : i32
      %dma_start3A_248 = tpu.memref_slice %arg4[%squeeze3A_234, %dma_start3A_246, %dma_start3A_247] : memref<125000x8x32xf32, #tpu.memory_space<hbm>> -> memref<1x8x32xf32, #tpu.memory_space<hbm>>
      tpu.enqueue_dma source(%dma_start3A_248 : memref<1x8x32xf32, #tpu.memory_space<hbm>>) target(%dma_start3A_245 : memref<1x8x32xf32, #tpu.memory_space<vmem>>) target_semaphore(%arg14 : memref<!tpu.dma_semaphore, #tpu.memory_space<semaphore_mem>>)
      %slice3A_249 = vector.extract_strided_slice %shift_right_logical3A_19 {offsets = [14], sizes = [1], strides = [1]} : vector<16xi32> to vector<1xi32>
      %squeeze3A_250 = vector.extract %slice3A_249[0] : i32 from vector<1xi32>
      %dma_start3A_251 = arith.constant 14 : i32
      %dma_start3A_252 = arith.constant 0 : i32
      %dma_start3A_253 = arith.constant 0 : i32
      %dma_start3A_254 = tpu.memref_slice %arg10[%dma_start3A_251, %dma_start3A_252, %dma_start3A_253] : memref<16x8x32xf32, #tpu.memory_space<vmem>> -> memref<1x8x32xf32, #tpu.memory_space<vmem>>
      %dma_start3A_255 = arith.constant 0 : i32
      %dma_start3A_256 = arith.constant 0 : i32
      %dma_start3A_257 = tpu.memref_slice %arg4[%squeeze3A_250, %dma_start3A_255, %dma_start3A_256] : memref<125000x8x32xf32, #tpu.memory_space<hbm>> -> memref<1x8x32xf32, #tpu.memory_space<hbm>>
      %dma_start3A_258 = arith.constant 14 : i32
      %dma_start3A_259 = arith.constant 0 : i32
      %dma_start3A_260 = arith.constant 0 : i32
      %dma_start3A_261 = tpu.memref_slice %arg10[%dma_start3A_258, %dma_start3A_259, %dma_start3A_260] : memref<16x8x32xf32, #tpu.memory_space<vmem>> -> memref<1x8x32xf32, #tpu.memory_space<vmem>>
      %dma_start3A_262 = arith.constant 0 : i32
      %dma_start3A_263 = arith.constant 0 : i32
      %dma_start3A_264 = tpu.memref_slice %arg4[%squeeze3A_250, %dma_start3A_262, %dma_start3A_263] : memref<125000x8x32xf32, #tpu.memory_space<hbm>> -> memref<1x8x32xf32, #tpu.memory_space<hbm>>
      tpu.enqueue_dma source(%dma_start3A_264 : memref<1x8x32xf32, #tpu.memory_space<hbm>>) target(%dma_start3A_261 : memref<1x8x32xf32, #tpu.memory_space<vmem>>) target_semaphore(%arg14 : memref<!tpu.dma_semaphore, #tpu.memory_space<semaphore_mem>>)
      %slice3A_265 = vector.extract_strided_slice %shift_right_logical3A_19 {offsets = [15], sizes = [1], strides = [1]} : vector<16xi32> to vector<1xi32>
      %squeeze3A_266 = vector.extract %slice3A_265[0] : i32 from vector<1xi32>
      %dma_start3A_267 = arith.constant 15 : i32
      %dma_start3A_268 = arith.constant 0 : i32
      %dma_start3A_269 = arith.constant 0 : i32
      %dma_start3A_270 = tpu.memref_slice %arg10[%dma_start3A_267, %dma_start3A_268, %dma_start3A_269] : memref<16x8x32xf32, #tpu.memory_space<vmem>> -> memref<1x8x32xf32, #tpu.memory_space<vmem>>
      %dma_start3A_271 = arith.constant 0 : i32
      %dma_start3A_272 = arith.constant 0 : i32
      %dma_start3A_273 = tpu.memref_slice %arg4[%squeeze3A_266, %dma_start3A_271, %dma_start3A_272] : memref<125000x8x32xf32, #tpu.memory_space<hbm>> -> memref<1x8x32xf32, #tpu.memory_space<hbm>>
      %dma_start3A_274 = arith.constant 15 : i32
      %dma_start3A_275 = arith.constant 0 : i32
      %dma_start3A_276 = arith.constant 0 : i32
      %dma_start3A_277 = tpu.memref_slice %arg10[%dma_start3A_274, %dma_start3A_275, %dma_start3A_276] : memref<16x8x32xf32, #tpu.memory_space<vmem>> -> memref<1x8x32xf32, #tpu.memory_space<vmem>>
      %dma_start3A_278 = arith.constant 0 : i32
      %dma_start3A_279 = arith.constant 0 : i32
      %dma_start3A_280 = tpu.memref_slice %arg4[%squeeze3A_266, %dma_start3A_278, %dma_start3A_279] : memref<125000x8x32xf32, #tpu.memory_space<hbm>> -> memref<1x8x32xf32, #tpu.memory_space<hbm>>
      tpu.enqueue_dma source(%dma_start3A_280 : memref<1x8x32xf32, #tpu.memory_space<hbm>>) target(%dma_start3A_277 : memref<1x8x32xf32, #tpu.memory_space<vmem>>) target_semaphore(%arg14 : memref<!tpu.dma_semaphore, #tpu.memory_space<semaphore_mem>>)
      %slice3A_281 = vector.extract_strided_slice %shift_right_logical3A_22 {offsets = [0], sizes = [1], strides = [1]} : vector<16xi32> to vector<1xi32>
      %squeeze3A_282 = vector.extract %slice3A_281[0] : i32 from vector<1xi32>
      %dma_start3A_283 = arith.constant 0 : i32
      %dma_start3A_284 = arith.constant 0 : i32
      %dma_start3A_285 = arith.constant 0 : i32
      %dma_start3A_286 = tpu.memref_slice %arg11[%dma_start3A_283, %dma_start3A_284, %dma_start3A_285] : memref<16x8x32xf32, #tpu.memory_space<vmem>> -> memref<1x8x32xf32, #tpu.memory_space<vmem>>
      %dma_start3A_287 = arith.constant 0 : i32
      %dma_start3A_288 = arith.constant 0 : i32
      %dma_start3A_289 = tpu.memref_slice %arg5[%squeeze3A_282, %dma_start3A_287, %dma_start3A_288] : memref<12500x8x32xf32, #tpu.memory_space<hbm>> -> memref<1x8x32xf32, #tpu.memory_space<hbm>>
      %dma_start3A_290 = arith.constant 0 : i32
      %dma_start3A_291 = arith.constant 0 : i32
      %dma_start3A_292 = arith.constant 0 : i32
      %dma_start3A_293 = tpu.memref_slice %arg11[%dma_start3A_290, %dma_start3A_291, %dma_start3A_292] : memref<16x8x32xf32, #tpu.memory_space<vmem>> -> memref<1x8x32xf32, #tpu.memory_space<vmem>>
      %dma_start3A_294 = arith.constant 0 : i32
      %dma_start3A_295 = arith.constant 0 : i32
      %dma_start3A_296 = tpu.memref_slice %arg5[%squeeze3A_282, %dma_start3A_294, %dma_start3A_295] : memref<12500x8x32xf32, #tpu.memory_space<hbm>> -> memref<1x8x32xf32, #tpu.memory_space<hbm>>
      tpu.enqueue_dma source(%dma_start3A_296 : memref<1x8x32xf32, #tpu.memory_space<hbm>>) target(%dma_start3A_293 : memref<1x8x32xf32, #tpu.memory_space<vmem>>) target_semaphore(%arg15 : memref<!tpu.dma_semaphore, #tpu.memory_space<semaphore_mem>>)
      %slice3A_297 = vector.extract_strided_slice %shift_right_logical3A_22 {offsets = [1], sizes = [1], strides = [1]} : vector<16xi32> to vector<1xi32>
      %squeeze3A_298 = vector.extract %slice3A_297[0] : i32 from vector<1xi32>
      %dma_start3A_299 = arith.constant 1 : i32
      %dma_start3A_300 = arith.constant 0 : i32
      %dma_start3A_301 = arith.constant 0 : i32
      %dma_start3A_302 = tpu.memref_slice %arg11[%dma_start3A_299, %dma_start3A_300, %dma_start3A_301] : memref<16x8x32xf32, #tpu.memory_space<vmem>> -> memref<1x8x32xf32, #tpu.memory_space<vmem>>
      %dma_start3A_303 = arith.constant 0 : i32
      %dma_start3A_304 = arith.constant 0 : i32
      %dma_start3A_305 = tpu.memref_slice %arg5[%squeeze3A_298, %dma_start3A_303, %dma_start3A_304] : memref<12500x8x32xf32, #tpu.memory_space<hbm>> -> memref<1x8x32xf32, #tpu.memory_space<hbm>>
      %dma_start3A_306 = arith.constant 1 : i32
      %dma_start3A_307 = arith.constant 0 : i32
      %dma_start3A_308 = arith.constant 0 : i32
      %dma_start3A_309 = tpu.memref_slice %arg11[%dma_start3A_306, %dma_start3A_307, %dma_start3A_308] : memref<16x8x32xf32, #tpu.memory_space<vmem>> -> memref<1x8x32xf32, #tpu.memory_space<vmem>>
      %dma_start3A_310 = arith.constant 0 : i32
      %dma_start3A_311 = arith.constant 0 : i32
      %dma_start3A_312 = tpu.memref_slice %arg5[%squeeze3A_298, %dma_start3A_310, %dma_start3A_311] : memref<12500x8x32xf32, #tpu.memory_space<hbm>> -> memref<1x8x32xf32, #tpu.memory_space<hbm>>
      tpu.enqueue_dma source(%dma_start3A_312 : memref<1x8x32xf32, #tpu.memory_space<hbm>>) target(%dma_start3A_309 : memref<1x8x32xf32, #tpu.memory_space<vmem>>) target_semaphore(%arg15 : memref<!tpu.dma_semaphore, #tpu.memory_space<semaphore_mem>>)
      %slice3A_313 = vector.extract_strided_slice %shift_right_logical3A_22 {offsets = [2], sizes = [1], strides = [1]} : vector<16xi32> to vector<1xi32>
      %squeeze3A_314 = vector.extract %slice3A_313[0] : i32 from vector<1xi32>
      %dma_start3A_315 = arith.constant 2 : i32
      %dma_start3A_316 = arith.constant 0 : i32
      %dma_start3A_317 = arith.constant 0 : i32
      %dma_start3A_318 = tpu.memref_slice %arg11[%dma_start3A_315, %dma_start3A_316, %dma_start3A_317] : memref<16x8x32xf32, #tpu.memory_space<vmem>> -> memref<1x8x32xf32, #tpu.memory_space<vmem>>
      %dma_start3A_319 = arith.constant 0 : i32
      %dma_start3A_320 = arith.constant 0 : i32
      %dma_start3A_321 = tpu.memref_slice %arg5[%squeeze3A_314, %dma_start3A_319, %dma_start3A_320] : memref<12500x8x32xf32, #tpu.memory_space<hbm>> -> memref<1x8x32xf32, #tpu.memory_space<hbm>>
      %dma_start3A_322 = arith.constant 2 : i32
      %dma_start3A_323 = arith.constant 0 : i32
      %dma_start3A_324 = arith.constant 0 : i32
      %dma_start3A_325 = tpu.memref_slice %arg11[%dma_start3A_322, %dma_start3A_323, %dma_start3A_324] : memref<16x8x32xf32, #tpu.memory_space<vmem>> -> memref<1x8x32xf32, #tpu.memory_space<vmem>>
      %dma_start3A_326 = arith.constant 0 : i32
      %dma_start3A_327 = arith.constant 0 : i32
      %dma_start3A_328 = tpu.memref_slice %arg5[%squeeze3A_314, %dma_start3A_326, %dma_start3A_327] : memref<12500x8x32xf32, #tpu.memory_space<hbm>> -> memref<1x8x32xf32, #tpu.memory_space<hbm>>
      tpu.enqueue_dma source(%dma_start3A_328 : memref<1x8x32xf32, #tpu.memory_space<hbm>>) target(%dma_start3A_325 : memref<1x8x32xf32, #tpu.memory_space<vmem>>) target_semaphore(%arg15 : memref<!tpu.dma_semaphore, #tpu.memory_space<semaphore_mem>>)
      %slice3A_329 = vector.extract_strided_slice %shift_right_logical3A_22 {offsets = [3], sizes = [1], strides = [1]} : vector<16xi32> to vector<1xi32>
      %squeeze3A_330 = vector.extract %slice3A_329[0] : i32 from vector<1xi32>
      %dma_start3A_331 = arith.constant 3 : i32
      %dma_start3A_332 = arith.constant 0 : i32
      %dma_start3A_333 = arith.constant 0 : i32
      %dma_start3A_334 = tpu.memref_slice %arg11[%dma_start3A_331, %dma_start3A_332, %dma_start3A_333] : memref<16x8x32xf32, #tpu.memory_space<vmem>> -> memref<1x8x32xf32, #tpu.memory_space<vmem>>
      %dma_start3A_335 = arith.constant 0 : i32
      %dma_start3A_336 = arith.constant 0 : i32
      %dma_start3A_337 = tpu.memref_slice %arg5[%squeeze3A_330, %dma_start3A_335, %dma_start3A_336] : memref<12500x8x32xf32, #tpu.memory_space<hbm>> -> memref<1x8x32xf32, #tpu.memory_space<hbm>>
      %dma_start3A_338 = arith.constant 3 : i32
      %dma_start3A_339 = arith.constant 0 : i32
      %dma_start3A_340 = arith.constant 0 : i32
      %dma_start3A_341 = tpu.memref_slice %arg11[%dma_start3A_338, %dma_start3A_339, %dma_start3A_340] : memref<16x8x32xf32, #tpu.memory_space<vmem>> -> memref<1x8x32xf32, #tpu.memory_space<vmem>>
      %dma_start3A_342 = arith.constant 0 : i32
      %dma_start3A_343 = arith.constant 0 : i32
      %dma_start3A_344 = tpu.memref_slice %arg5[%squeeze3A_330, %dma_start3A_342, %dma_start3A_343] : memref<12500x8x32xf32, #tpu.memory_space<hbm>> -> memref<1x8x32xf32, #tpu.memory_space<hbm>>
      tpu.enqueue_dma source(%dma_start3A_344 : memref<1x8x32xf32, #tpu.memory_space<hbm>>) target(%dma_start3A_341 : memref<1x8x32xf32, #tpu.memory_space<vmem>>) target_semaphore(%arg15 : memref<!tpu.dma_semaphore, #tpu.memory_space<semaphore_mem>>)
      %slice3A_345 = vector.extract_strided_slice %shift_right_logical3A_22 {offsets = [4], sizes = [1], strides = [1]} : vector<16xi32> to vector<1xi32>
      %squeeze3A_346 = vector.extract %slice3A_345[0] : i32 from vector<1xi32>
      %dma_start3A_347 = arith.constant 4 : i32
      %dma_start3A_348 = arith.constant 0 : i32
      %dma_start3A_349 = arith.constant 0 : i32
      %dma_start3A_350 = tpu.memref_slice %arg11[%dma_start3A_347, %dma_start3A_348, %dma_start3A_349] : memref<16x8x32xf32, #tpu.memory_space<vmem>> -> memref<1x8x32xf32, #tpu.memory_space<vmem>>
      %dma_start3A_351 = arith.constant 0 : i32
      %dma_start3A_352 = arith.constant 0 : i32
      %dma_start3A_353 = tpu.memref_slice %arg5[%squeeze3A_346, %dma_start3A_351, %dma_start3A_352] : memref<12500x8x32xf32, #tpu.memory_space<hbm>> -> memref<1x8x32xf32, #tpu.memory_space<hbm>>
      %dma_start3A_354 = arith.constant 4 : i32
      %dma_start3A_355 = arith.constant 0 : i32
      %dma_start3A_356 = arith.constant 0 : i32
      %dma_start3A_357 = tpu.memref_slice %arg11[%dma_start3A_354, %dma_start3A_355, %dma_start3A_356] : memref<16x8x32xf32, #tpu.memory_space<vmem>> -> memref<1x8x32xf32, #tpu.memory_space<vmem>>
      %dma_start3A_358 = arith.constant 0 : i32
      %dma_start3A_359 = arith.constant 0 : i32
      %dma_start3A_360 = tpu.memref_slice %arg5[%squeeze3A_346, %dma_start3A_358, %dma_start3A_359] : memref<12500x8x32xf32, #tpu.memory_space<hbm>> -> memref<1x8x32xf32, #tpu.memory_space<hbm>>
      tpu.enqueue_dma source(%dma_start3A_360 : memref<1x8x32xf32, #tpu.memory_space<hbm>>) target(%dma_start3A_357 : memref<1x8x32xf32, #tpu.memory_space<vmem>>) target_semaphore(%arg15 : memref<!tpu.dma_semaphore, #tpu.memory_space<semaphore_mem>>)
      %slice3A_361 = vector.extract_strided_slice %shift_right_logical3A_22 {offsets = [5], sizes = [1], strides = [1]} : vector<16xi32> to vector<1xi32>
      %squeeze3A_362 = vector.extract %slice3A_361[0] : i32 from vector<1xi32>
      %dma_start3A_363 = arith.constant 5 : i32
      %dma_start3A_364 = arith.constant 0 : i32
      %dma_start3A_365 = arith.constant 0 : i32
      %dma_start3A_366 = tpu.memref_slice %arg11[%dma_start3A_363, %dma_start3A_364, %dma_start3A_365] : memref<16x8x32xf32, #tpu.memory_space<vmem>> -> memref<1x8x32xf32, #tpu.memory_space<vmem>>
      %dma_start3A_367 = arith.constant 0 : i32
      %dma_start3A_368 = arith.constant 0 : i32
      %dma_start3A_369 = tpu.memref_slice %arg5[%squeeze3A_362, %dma_start3A_367, %dma_start3A_368] : memref<12500x8x32xf32, #tpu.memory_space<hbm>> -> memref<1x8x32xf32, #tpu.memory_space<hbm>>
      %dma_start3A_370 = arith.constant 5 : i32
      %dma_start3A_371 = arith.constant 0 : i32
      %dma_start3A_372 = arith.constant 0 : i32
      %dma_start3A_373 = tpu.memref_slice %arg11[%dma_start3A_370, %dma_start3A_371, %dma_start3A_372] : memref<16x8x32xf32, #tpu.memory_space<vmem>> -> memref<1x8x32xf32, #tpu.memory_space<vmem>>
      %dma_start3A_374 = arith.constant 0 : i32
      %dma_start3A_375 = arith.constant 0 : i32
      %dma_start3A_376 = tpu.memref_slice %arg5[%squeeze3A_362, %dma_start3A_374, %dma_start3A_375] : memref<12500x8x32xf32, #tpu.memory_space<hbm>> -> memref<1x8x32xf32, #tpu.memory_space<hbm>>
      tpu.enqueue_dma source(%dma_start3A_376 : memref<1x8x32xf32, #tpu.memory_space<hbm>>) target(%dma_start3A_373 : memref<1x8x32xf32, #tpu.memory_space<vmem>>) target_semaphore(%arg15 : memref<!tpu.dma_semaphore, #tpu.memory_space<semaphore_mem>>)
      %slice3A_377 = vector.extract_strided_slice %shift_right_logical3A_22 {offsets = [6], sizes = [1], strides = [1]} : vector<16xi32> to vector<1xi32>
      %squeeze3A_378 = vector.extract %slice3A_377[0] : i32 from vector<1xi32>
      %dma_start3A_379 = arith.constant 6 : i32
      %dma_start3A_380 = arith.constant 0 : i32
      %dma_start3A_381 = arith.constant 0 : i32
      %dma_start3A_382 = tpu.memref_slice %arg11[%dma_start3A_379, %dma_start3A_380, %dma_start3A_381] : memref<16x8x32xf32, #tpu.memory_space<vmem>> -> memref<1x8x32xf32, #tpu.memory_space<vmem>>
      %dma_start3A_383 = arith.constant 0 : i32
      %dma_start3A_384 = arith.constant 0 : i32
      %dma_start3A_385 = tpu.memref_slice %arg5[%squeeze3A_378, %dma_start3A_383, %dma_start3A_384] : memref<12500x8x32xf32, #tpu.memory_space<hbm>> -> memref<1x8x32xf32, #tpu.memory_space<hbm>>
      %dma_start3A_386 = arith.constant 6 : i32
      %dma_start3A_387 = arith.constant 0 : i32
      %dma_start3A_388 = arith.constant 0 : i32
      %dma_start3A_389 = tpu.memref_slice %arg11[%dma_start3A_386, %dma_start3A_387, %dma_start3A_388] : memref<16x8x32xf32, #tpu.memory_space<vmem>> -> memref<1x8x32xf32, #tpu.memory_space<vmem>>
      %dma_start3A_390 = arith.constant 0 : i32
      %dma_start3A_391 = arith.constant 0 : i32
      %dma_start3A_392 = tpu.memref_slice %arg5[%squeeze3A_378, %dma_start3A_390, %dma_start3A_391] : memref<12500x8x32xf32, #tpu.memory_space<hbm>> -> memref<1x8x32xf32, #tpu.memory_space<hbm>>
      tpu.enqueue_dma source(%dma_start3A_392 : memref<1x8x32xf32, #tpu.memory_space<hbm>>) target(%dma_start3A_389 : memref<1x8x32xf32, #tpu.memory_space<vmem>>) target_semaphore(%arg15 : memref<!tpu.dma_semaphore, #tpu.memory_space<semaphore_mem>>)
      %slice3A_393 = vector.extract_strided_slice %shift_right_logical3A_22 {offsets = [7], sizes = [1], strides = [1]} : vector<16xi32> to vector<1xi32>
      %squeeze3A_394 = vector.extract %slice3A_393[0] : i32 from vector<1xi32>
      %dma_start3A_395 = arith.constant 7 : i32
      %dma_start3A_396 = arith.constant 0 : i32
      %dma_start3A_397 = arith.constant 0 : i32
      %dma_start3A_398 = tpu.memref_slice %arg11[%dma_start3A_395, %dma_start3A_396, %dma_start3A_397] : memref<16x8x32xf32, #tpu.memory_space<vmem>> -> memref<1x8x32xf32, #tpu.memory_space<vmem>>
      %dma_start3A_399 = arith.constant 0 : i32
      %dma_start3A_400 = arith.constant 0 : i32
      %dma_start3A_401 = tpu.memref_slice %arg5[%squeeze3A_394, %dma_start3A_399, %dma_start3A_400] : memref<12500x8x32xf32, #tpu.memory_space<hbm>> -> memref<1x8x32xf32, #tpu.memory_space<hbm>>
      %dma_start3A_402 = arith.constant 7 : i32
      %dma_start3A_403 = arith.constant 0 : i32
      %dma_start3A_404 = arith.constant 0 : i32
      %dma_start3A_405 = tpu.memref_slice %arg11[%dma_start3A_402, %dma_start3A_403, %dma_start3A_404] : memref<16x8x32xf32, #tpu.memory_space<vmem>> -> memref<1x8x32xf32, #tpu.memory_space<vmem>>
      %dma_start3A_406 = arith.constant 0 : i32
      %dma_start3A_407 = arith.constant 0 : i32
      %dma_start3A_408 = tpu.memref_slice %arg5[%squeeze3A_394, %dma_start3A_406, %dma_start3A_407] : memref<12500x8x32xf32, #tpu.memory_space<hbm>> -> memref<1x8x32xf32, #tpu.memory_space<hbm>>
      tpu.enqueue_dma source(%dma_start3A_408 : memref<1x8x32xf32, #tpu.memory_space<hbm>>) target(%dma_start3A_405 : memref<1x8x32xf32, #tpu.memory_space<vmem>>) target_semaphore(%arg15 : memref<!tpu.dma_semaphore, #tpu.memory_space<semaphore_mem>>)
      %slice3A_409 = vector.extract_strided_slice %shift_right_logical3A_22 {offsets = [8], sizes = [1], strides = [1]} : vector<16xi32> to vector<1xi32>
      %squeeze3A_410 = vector.extract %slice3A_409[0] : i32 from vector<1xi32>
      %dma_start3A_411 = arith.constant 8 : i32
      %dma_start3A_412 = arith.constant 0 : i32
      %dma_start3A_413 = arith.constant 0 : i32
      %dma_start3A_414 = tpu.memref_slice %arg11[%dma_start3A_411, %dma_start3A_412, %dma_start3A_413] : memref<16x8x32xf32, #tpu.memory_space<vmem>> -> memref<1x8x32xf32, #tpu.memory_space<vmem>>
      %dma_start3A_415 = arith.constant 0 : i32
      %dma_start3A_416 = arith.constant 0 : i32
      %dma_start3A_417 = tpu.memref_slice %arg5[%squeeze3A_410, %dma_start3A_415, %dma_start3A_416] : memref<12500x8x32xf32, #tpu.memory_space<hbm>> -> memref<1x8x32xf32, #tpu.memory_space<hbm>>
      %dma_start3A_418 = arith.constant 8 : i32
      %dma_start3A_419 = arith.constant 0 : i32
      %dma_start3A_420 = arith.constant 0 : i32
      %dma_start3A_421 = tpu.memref_slice %arg11[%dma_start3A_418, %dma_start3A_419, %dma_start3A_420] : memref<16x8x32xf32, #tpu.memory_space<vmem>> -> memref<1x8x32xf32, #tpu.memory_space<vmem>>
      %dma_start3A_422 = arith.constant 0 : i32
      %dma_start3A_423 = arith.constant 0 : i32
      %dma_start3A_424 = tpu.memref_slice %arg5[%squeeze3A_410, %dma_start3A_422, %dma_start3A_423] : memref<12500x8x32xf32, #tpu.memory_space<hbm>> -> memref<1x8x32xf32, #tpu.memory_space<hbm>>
      tpu.enqueue_dma source(%dma_start3A_424 : memref<1x8x32xf32, #tpu.memory_space<hbm>>) target(%dma_start3A_421 : memref<1x8x32xf32, #tpu.memory_space<vmem>>) target_semaphore(%arg15 : memref<!tpu.dma_semaphore, #tpu.memory_space<semaphore_mem>>)
      %slice3A_425 = vector.extract_strided_slice %shift_right_logical3A_22 {offsets = [9], sizes = [1], strides = [1]} : vector<16xi32> to vector<1xi32>
      %squeeze3A_426 = vector.extract %slice3A_425[0] : i32 from vector<1xi32>
      %dma_start3A_427 = arith.constant 9 : i32
      %dma_start3A_428 = arith.constant 0 : i32
      %dma_start3A_429 = arith.constant 0 : i32
      %dma_start3A_430 = tpu.memref_slice %arg11[%dma_start3A_427, %dma_start3A_428, %dma_start3A_429] : memref<16x8x32xf32, #tpu.memory_space<vmem>> -> memref<1x8x32xf32, #tpu.memory_space<vmem>>
      %dma_start3A_431 = arith.constant 0 : i32
      %dma_start3A_432 = arith.constant 0 : i32
      %dma_start3A_433 = tpu.memref_slice %arg5[%squeeze3A_426, %dma_start3A_431, %dma_start3A_432] : memref<12500x8x32xf32, #tpu.memory_space<hbm>> -> memref<1x8x32xf32, #tpu.memory_space<hbm>>
      %dma_start3A_434 = arith.constant 9 : i32
      %dma_start3A_435 = arith.constant 0 : i32
      %dma_start3A_436 = arith.constant 0 : i32
      %dma_start3A_437 = tpu.memref_slice %arg11[%dma_start3A_434, %dma_start3A_435, %dma_start3A_436] : memref<16x8x32xf32, #tpu.memory_space<vmem>> -> memref<1x8x32xf32, #tpu.memory_space<vmem>>
      %dma_start3A_438 = arith.constant 0 : i32
      %dma_start3A_439 = arith.constant 0 : i32
      %dma_start3A_440 = tpu.memref_slice %arg5[%squeeze3A_426, %dma_start3A_438, %dma_start3A_439] : memref<12500x8x32xf32, #tpu.memory_space<hbm>> -> memref<1x8x32xf32, #tpu.memory_space<hbm>>
      tpu.enqueue_dma source(%dma_start3A_440 : memref<1x8x32xf32, #tpu.memory_space<hbm>>) target(%dma_start3A_437 : memref<1x8x32xf32, #tpu.memory_space<vmem>>) target_semaphore(%arg15 : memref<!tpu.dma_semaphore, #tpu.memory_space<semaphore_mem>>)
      %slice3A_441 = vector.extract_strided_slice %shift_right_logical3A_22 {offsets = [10], sizes = [1], strides = [1]} : vector<16xi32> to vector<1xi32>
      %squeeze3A_442 = vector.extract %slice3A_441[0] : i32 from vector<1xi32>
      %dma_start3A_443 = arith.constant 10 : i32
      %dma_start3A_444 = arith.constant 0 : i32
      %dma_start3A_445 = arith.constant 0 : i32
      %dma_start3A_446 = tpu.memref_slice %arg11[%dma_start3A_443, %dma_start3A_444, %dma_start3A_445] : memref<16x8x32xf32, #tpu.memory_space<vmem>> -> memref<1x8x32xf32, #tpu.memory_space<vmem>>
      %dma_start3A_447 = arith.constant 0 : i32
      %dma_start3A_448 = arith.constant 0 : i32
      %dma_start3A_449 = tpu.memref_slice %arg5[%squeeze3A_442, %dma_start3A_447, %dma_start3A_448] : memref<12500x8x32xf32, #tpu.memory_space<hbm>> -> memref<1x8x32xf32, #tpu.memory_space<hbm>>
      %dma_start3A_450 = arith.constant 10 : i32
      %dma_start3A_451 = arith.constant 0 : i32
      %dma_start3A_452 = arith.constant 0 : i32
      %dma_start3A_453 = tpu.memref_slice %arg11[%dma_start3A_450, %dma_start3A_451, %dma_start3A_452] : memref<16x8x32xf32, #tpu.memory_space<vmem>> -> memref<1x8x32xf32, #tpu.memory_space<vmem>>
      %dma_start3A_454 = arith.constant 0 : i32
      %dma_start3A_455 = arith.constant 0 : i32
      %dma_start3A_456 = tpu.memref_slice %arg5[%squeeze3A_442, %dma_start3A_454, %dma_start3A_455] : memref<12500x8x32xf32, #tpu.memory_space<hbm>> -> memref<1x8x32xf32, #tpu.memory_space<hbm>>
      tpu.enqueue_dma source(%dma_start3A_456 : memref<1x8x32xf32, #tpu.memory_space<hbm>>) target(%dma_start3A_453 : memref<1x8x32xf32, #tpu.memory_space<vmem>>) target_semaphore(%arg15 : memref<!tpu.dma_semaphore, #tpu.memory_space<semaphore_mem>>)
      %slice3A_457 = vector.extract_strided_slice %shift_right_logical3A_22 {offsets = [11], sizes = [1], strides = [1]} : vector<16xi32> to vector<1xi32>
      %squeeze3A_458 = vector.extract %slice3A_457[0] : i32 from vector<1xi32>
      %dma_start3A_459 = arith.constant 11 : i32
      %dma_start3A_460 = arith.constant 0 : i32
      %dma_start3A_461 = arith.constant 0 : i32
      %dma_start3A_462 = tpu.memref_slice %arg11[%dma_start3A_459, %dma_start3A_460, %dma_start3A_461] : memref<16x8x32xf32, #tpu.memory_space<vmem>> -> memref<1x8x32xf32, #tpu.memory_space<vmem>>
      %dma_start3A_463 = arith.constant 0 : i32
      %dma_start3A_464 = arith.constant 0 : i32
      %dma_start3A_465 = tpu.memref_slice %arg5[%squeeze3A_458, %dma_start3A_463, %dma_start3A_464] : memref<12500x8x32xf32, #tpu.memory_space<hbm>> -> memref<1x8x32xf32, #tpu.memory_space<hbm>>
      %dma_start3A_466 = arith.constant 11 : i32
      %dma_start3A_467 = arith.constant 0 : i32
      %dma_start3A_468 = arith.constant 0 : i32
      %dma_start3A_469 = tpu.memref_slice %arg11[%dma_start3A_466, %dma_start3A_467, %dma_start3A_468] : memref<16x8x32xf32, #tpu.memory_space<vmem>> -> memref<1x8x32xf32, #tpu.memory_space<vmem>>
      %dma_start3A_470 = arith.constant 0 : i32
      %dma_start3A_471 = arith.constant 0 : i32
      %dma_start3A_472 = tpu.memref_slice %arg5[%squeeze3A_458, %dma_start3A_470, %dma_start3A_471] : memref<12500x8x32xf32, #tpu.memory_space<hbm>> -> memref<1x8x32xf32, #tpu.memory_space<hbm>>
      tpu.enqueue_dma source(%dma_start3A_472 : memref<1x8x32xf32, #tpu.memory_space<hbm>>) target(%dma_start3A_469 : memref<1x8x32xf32, #tpu.memory_space<vmem>>) target_semaphore(%arg15 : memref<!tpu.dma_semaphore, #tpu.memory_space<semaphore_mem>>)
      %slice3A_473 = vector.extract_strided_slice %shift_right_logical3A_22 {offsets = [12], sizes = [1], strides = [1]} : vector<16xi32> to vector<1xi32>
      %squeeze3A_474 = vector.extract %slice3A_473[0] : i32 from vector<1xi32>
      %dma_start3A_475 = arith.constant 12 : i32
      %dma_start3A_476 = arith.constant 0 : i32
      %dma_start3A_477 = arith.constant 0 : i32
      %dma_start3A_478 = tpu.memref_slice %arg11[%dma_start3A_475, %dma_start3A_476, %dma_start3A_477] : memref<16x8x32xf32, #tpu.memory_space<vmem>> -> memref<1x8x32xf32, #tpu.memory_space<vmem>>
      %dma_start3A_479 = arith.constant 0 : i32
      %dma_start3A_480 = arith.constant 0 : i32
      %dma_start3A_481 = tpu.memref_slice %arg5[%squeeze3A_474, %dma_start3A_479, %dma_start3A_480] : memref<12500x8x32xf32, #tpu.memory_space<hbm>> -> memref<1x8x32xf32, #tpu.memory_space<hbm>>
      %dma_start3A_482 = arith.constant 12 : i32
      %dma_start3A_483 = arith.constant 0 : i32
      %dma_start3A_484 = arith.constant 0 : i32
      %dma_start3A_485 = tpu.memref_slice %arg11[%dma_start3A_482, %dma_start3A_483, %dma_start3A_484] : memref<16x8x32xf32, #tpu.memory_space<vmem>> -> memref<1x8x32xf32, #tpu.memory_space<vmem>>
      %dma_start3A_486 = arith.constant 0 : i32
      %dma_start3A_487 = arith.constant 0 : i32
      %dma_start3A_488 = tpu.memref_slice %arg5[%squeeze3A_474, %dma_start3A_486, %dma_start3A_487] : memref<12500x8x32xf32, #tpu.memory_space<hbm>> -> memref<1x8x32xf32, #tpu.memory_space<hbm>>
      tpu.enqueue_dma source(%dma_start3A_488 : memref<1x8x32xf32, #tpu.memory_space<hbm>>) target(%dma_start3A_485 : memref<1x8x32xf32, #tpu.memory_space<vmem>>) target_semaphore(%arg15 : memref<!tpu.dma_semaphore, #tpu.memory_space<semaphore_mem>>)
      %slice3A_489 = vector.extract_strided_slice %shift_right_logical3A_22 {offsets = [13], sizes = [1], strides = [1]} : vector<16xi32> to vector<1xi32>
      %squeeze3A_490 = vector.extract %slice3A_489[0] : i32 from vector<1xi32>
      %dma_start3A_491 = arith.constant 13 : i32
      %dma_start3A_492 = arith.constant 0 : i32
      %dma_start3A_493 = arith.constant 0 : i32
      %dma_start3A_494 = tpu.memref_slice %arg11[%dma_start3A_491, %dma_start3A_492, %dma_start3A_493] : memref<16x8x32xf32, #tpu.memory_space<vmem>> -> memref<1x8x32xf32, #tpu.memory_space<vmem>>
      %dma_start3A_495 = arith.constant 0 : i32
      %dma_start3A_496 = arith.constant 0 : i32
      %dma_start3A_497 = tpu.memref_slice %arg5[%squeeze3A_490, %dma_start3A_495, %dma_start3A_496] : memref<12500x8x32xf32, #tpu.memory_space<hbm>> -> memref<1x8x32xf32, #tpu.memory_space<hbm>>
      %dma_start3A_498 = arith.constant 13 : i32
      %dma_start3A_499 = arith.constant 0 : i32
      %dma_start3A_500 = arith.constant 0 : i32
      %dma_start3A_501 = tpu.memref_slice %arg11[%dma_start3A_498, %dma_start3A_499, %dma_start3A_500] : memref<16x8x32xf32, #tpu.memory_space<vmem>> -> memref<1x8x32xf32, #tpu.memory_space<vmem>>
      %dma_start3A_502 = arith.constant 0 : i32
      %dma_start3A_503 = arith.constant 0 : i32
      %dma_start3A_504 = tpu.memref_slice %arg5[%squeeze3A_490, %dma_start3A_502, %dma_start3A_503] : memref<12500x8x32xf32, #tpu.memory_space<hbm>> -> memref<1x8x32xf32, #tpu.memory_space<hbm>>
      tpu.enqueue_dma source(%dma_start3A_504 : memref<1x8x32xf32, #tpu.memory_space<hbm>>) target(%dma_start3A_501 : memref<1x8x32xf32, #tpu.memory_space<vmem>>) target_semaphore(%arg15 : memref<!tpu.dma_semaphore, #tpu.memory_space<semaphore_mem>>)
      %slice3A_505 = vector.extract_strided_slice %shift_right_logical3A_22 {offsets = [14], sizes = [1], strides = [1]} : vector<16xi32> to vector<1xi32>
      %squeeze3A_506 = vector.extract %slice3A_505[0] : i32 from vector<1xi32>
      %dma_start3A_507 = arith.constant 14 : i32
      %dma_start3A_508 = arith.constant 0 : i32
      %dma_start3A_509 = arith.constant 0 : i32
      %dma_start3A_510 = tpu.memref_slice %arg11[%dma_start3A_507, %dma_start3A_508, %dma_start3A_509] : memref<16x8x32xf32, #tpu.memory_space<vmem>> -> memref<1x8x32xf32, #tpu.memory_space<vmem>>
      %dma_start3A_511 = arith.constant 0 : i32
      %dma_start3A_512 = arith.constant 0 : i32
      %dma_start3A_513 = tpu.memref_slice %arg5[%squeeze3A_506, %dma_start3A_511, %dma_start3A_512] : memref<12500x8x32xf32, #tpu.memory_space<hbm>> -> memref<1x8x32xf32, #tpu.memory_space<hbm>>
      %dma_start3A_514 = arith.constant 14 : i32
      %dma_start3A_515 = arith.constant 0 : i32
      %dma_start3A_516 = arith.constant 0 : i32
      %dma_start3A_517 = tpu.memref_slice %arg11[%dma_start3A_514, %dma_start3A_515, %dma_start3A_516] : memref<16x8x32xf32, #tpu.memory_space<vmem>> -> memref<1x8x32xf32, #tpu.memory_space<vmem>>
      %dma_start3A_518 = arith.constant 0 : i32
      %dma_start3A_519 = arith.constant 0 : i32
      %dma_start3A_520 = tpu.memref_slice %arg5[%squeeze3A_506, %dma_start3A_518, %dma_start3A_519] : memref<12500x8x32xf32, #tpu.memory_space<hbm>> -> memref<1x8x32xf32, #tpu.memory_space<hbm>>
      tpu.enqueue_dma source(%dma_start3A_520 : memref<1x8x32xf32, #tpu.memory_space<hbm>>) target(%dma_start3A_517 : memref<1x8x32xf32, #tpu.memory_space<vmem>>) target_semaphore(%arg15 : memref<!tpu.dma_semaphore, #tpu.memory_space<semaphore_mem>>)
      %slice3A_521 = vector.extract_strided_slice %shift_right_logical3A_22 {offsets = [15], sizes = [1], strides = [1]} : vector<16xi32> to vector<1xi32>
      %squeeze3A_522 = vector.extract %slice3A_521[0] : i32 from vector<1xi32>
      %dma_start3A_523 = arith.constant 15 : i32
      %dma_start3A_524 = arith.constant 0 : i32
      %dma_start3A_525 = arith.constant 0 : i32
      %dma_start3A_526 = tpu.memref_slice %arg11[%dma_start3A_523, %dma_start3A_524, %dma_start3A_525] : memref<16x8x32xf32, #tpu.memory_space<vmem>> -> memref<1x8x32xf32, #tpu.memory_space<vmem>>
      %dma_start3A_527 = arith.constant 0 : i32
      %dma_start3A_528 = arith.constant 0 : i32
      %dma_start3A_529 = tpu.memref_slice %arg5[%squeeze3A_522, %dma_start3A_527, %dma_start3A_528] : memref<12500x8x32xf32, #tpu.memory_space<hbm>> -> memref<1x8x32xf32, #tpu.memory_space<hbm>>
      %dma_start3A_530 = arith.constant 15 : i32
      %dma_start3A_531 = arith.constant 0 : i32
      %dma_start3A_532 = arith.constant 0 : i32
      %dma_start3A_533 = tpu.memref_slice %arg11[%dma_start3A_530, %dma_start3A_531, %dma_start3A_532] : memref<16x8x32xf32, #tpu.memory_space<vmem>> -> memref<1x8x32xf32, #tpu.memory_space<vmem>>
      %dma_start3A_534 = arith.constant 0 : i32
      %dma_start3A_535 = arith.constant 0 : i32
      %dma_start3A_536 = tpu.memref_slice %arg5[%squeeze3A_522, %dma_start3A_534, %dma_start3A_535] : memref<12500x8x32xf32, #tpu.memory_space<hbm>> -> memref<1x8x32xf32, #tpu.memory_space<hbm>>
      tpu.enqueue_dma source(%dma_start3A_536 : memref<1x8x32xf32, #tpu.memory_space<hbm>>) target(%dma_start3A_533 : memref<1x8x32xf32, #tpu.memory_space<vmem>>) target_semaphore(%arg15 : memref<!tpu.dma_semaphore, #tpu.memory_space<semaphore_mem>>)
      %dma_wait3A = arith.constant 0 : i32
      %dma_wait3A_537 = arith.constant 0 : i32
      %dma_wait3A_538 = arith.constant 0 : i32
      %dma_wait3A_539 = tpu.memref_slice %arg10[%dma_wait3A, %dma_wait3A_537, %dma_wait3A_538] : memref<16x8x32xf32, #tpu.memory_space<vmem>> -> memref<1x8x32xf32, #tpu.memory_space<vmem>>
      %dma_wait3A_540 = arith.constant 0 : i32
      %dma_wait3A_541 = arith.constant 0 : i32
      %dma_wait3A_542 = tpu.memref_slice %arg4[%squeeze3A, %dma_wait3A_540, %dma_wait3A_541] : memref<125000x8x32xf32, #tpu.memory_space<hbm>> -> memref<1x8x32xf32, #tpu.memory_space<hbm>>
      %dma_wait3A_543 = arith.constant 0 : i32
      %dma_wait3A_544 = arith.constant 0 : i32
      %dma_wait3A_545 = arith.constant 0 : i32
      %dma_wait3A_546 = tpu.memref_slice %arg10[%dma_wait3A_543, %dma_wait3A_544, %dma_wait3A_545] : memref<16x8x32xf32, #tpu.memory_space<vmem>> -> memref<1x8x32xf32, #tpu.memory_space<vmem>>
      %dma_wait3A_547 = arith.constant 0 : i32
      %dma_wait3A_548 = arith.constant 0 : i32
      %dma_wait3A_549 = tpu.memref_slice %arg4[%squeeze3A, %dma_wait3A_547, %dma_wait3A_548] : memref<125000x8x32xf32, #tpu.memory_space<hbm>> -> memref<1x8x32xf32, #tpu.memory_space<hbm>>
      tpu.wait_dma2 semaphore(%arg14 : memref<!tpu.dma_semaphore, #tpu.memory_space<semaphore_mem>>) src(%dma_wait3A_549 : memref<1x8x32xf32, #tpu.memory_space<hbm>>) dst(%dma_wait3A_546 : memref<1x8x32xf32, #tpu.memory_space<vmem>>)
      %dma_wait3A_550 = arith.constant 1 : i32
      %dma_wait3A_551 = arith.constant 0 : i32
      %dma_wait3A_552 = arith.constant 0 : i32
      %dma_wait3A_553 = tpu.memref_slice %arg10[%dma_wait3A_550, %dma_wait3A_551, %dma_wait3A_552] : memref<16x8x32xf32, #tpu.memory_space<vmem>> -> memref<1x8x32xf32, #tpu.memory_space<vmem>>
      %dma_wait3A_554 = arith.constant 0 : i32
      %dma_wait3A_555 = arith.constant 0 : i32
      %dma_wait3A_556 = tpu.memref_slice %arg4[%squeeze3A_42, %dma_wait3A_554, %dma_wait3A_555] : memref<125000x8x32xf32, #tpu.memory_space<hbm>> -> memref<1x8x32xf32, #tpu.memory_space<hbm>>
      %dma_wait3A_557 = arith.constant 1 : i32
      %dma_wait3A_558 = arith.constant 0 : i32
      %dma_wait3A_559 = arith.constant 0 : i32
      %dma_wait3A_560 = tpu.memref_slice %arg10[%dma_wait3A_557, %dma_wait3A_558, %dma_wait3A_559] : memref<16x8x32xf32, #tpu.memory_space<vmem>> -> memref<1x8x32xf32, #tpu.memory_space<vmem>>
      %dma_wait3A_561 = arith.constant 0 : i32
      %dma_wait3A_562 = arith.constant 0 : i32
      %dma_wait3A_563 = tpu.memref_slice %arg4[%squeeze3A_42, %dma_wait3A_561, %dma_wait3A_562] : memref<125000x8x32xf32, #tpu.memory_space<hbm>> -> memref<1x8x32xf32, #tpu.memory_space<hbm>>
      tpu.wait_dma2 semaphore(%arg14 : memref<!tpu.dma_semaphore, #tpu.memory_space<semaphore_mem>>) src(%dma_wait3A_563 : memref<1x8x32xf32, #tpu.memory_space<hbm>>) dst(%dma_wait3A_560 : memref<1x8x32xf32, #tpu.memory_space<vmem>>)
      %dma_wait3A_564 = arith.constant 2 : i32
      %dma_wait3A_565 = arith.constant 0 : i32
      %dma_wait3A_566 = arith.constant 0 : i32
      %dma_wait3A_567 = tpu.memref_slice %arg10[%dma_wait3A_564, %dma_wait3A_565, %dma_wait3A_566] : memref<16x8x32xf32, #tpu.memory_space<vmem>> -> memref<1x8x32xf32, #tpu.memory_space<vmem>>
      %dma_wait3A_568 = arith.constant 0 : i32
      %dma_wait3A_569 = arith.constant 0 : i32
      %dma_wait3A_570 = tpu.memref_slice %arg4[%squeeze3A_58, %dma_wait3A_568, %dma_wait3A_569] : memref<125000x8x32xf32, #tpu.memory_space<hbm>> -> memref<1x8x32xf32, #tpu.memory_space<hbm>>
      %dma_wait3A_571 = arith.constant 2 : i32
      %dma_wait3A_572 = arith.constant 0 : i32
      %dma_wait3A_573 = arith.constant 0 : i32
      %dma_wait3A_574 = tpu.memref_slice %arg10[%dma_wait3A_571, %dma_wait3A_572, %dma_wait3A_573] : memref<16x8x32xf32, #tpu.memory_space<vmem>> -> memref<1x8x32xf32, #tpu.memory_space<vmem>>
      %dma_wait3A_575 = arith.constant 0 : i32
      %dma_wait3A_576 = arith.constant 0 : i32
      %dma_wait3A_577 = tpu.memref_slice %arg4[%squeeze3A_58, %dma_wait3A_575, %dma_wait3A_576] : memref<125000x8x32xf32, #tpu.memory_space<hbm>> -> memref<1x8x32xf32, #tpu.memory_space<hbm>>
      tpu.wait_dma2 semaphore(%arg14 : memref<!tpu.dma_semaphore, #tpu.memory_space<semaphore_mem>>) src(%dma_wait3A_577 : memref<1x8x32xf32, #tpu.memory_space<hbm>>) dst(%dma_wait3A_574 : memref<1x8x32xf32, #tpu.memory_space<vmem>>)
      %dma_wait3A_578 = arith.constant 3 : i32
      %dma_wait3A_579 = arith.constant 0 : i32
      %dma_wait3A_580 = arith.constant 0 : i32
      %dma_wait3A_581 = tpu.memref_slice %arg10[%dma_wait3A_578, %dma_wait3A_579, %dma_wait3A_580] : memref<16x8x32xf32, #tpu.memory_space<vmem>> -> memref<1x8x32xf32, #tpu.memory_space<vmem>>
      %dma_wait3A_582 = arith.constant 0 : i32
      %dma_wait3A_583 = arith.constant 0 : i32
      %dma_wait3A_584 = tpu.memref_slice %arg4[%squeeze3A_74, %dma_wait3A_582, %dma_wait3A_583] : memref<125000x8x32xf32, #tpu.memory_space<hbm>> -> memref<1x8x32xf32, #tpu.memory_space<hbm>>
      %dma_wait3A_585 = arith.constant 3 : i32
      %dma_wait3A_586 = arith.constant 0 : i32
      %dma_wait3A_587 = arith.constant 0 : i32
      %dma_wait3A_588 = tpu.memref_slice %arg10[%dma_wait3A_585, %dma_wait3A_586, %dma_wait3A_587] : memref<16x8x32xf32, #tpu.memory_space<vmem>> -> memref<1x8x32xf32, #tpu.memory_space<vmem>>
      %dma_wait3A_589 = arith.constant 0 : i32
      %dma_wait3A_590 = arith.constant 0 : i32
      %dma_wait3A_591 = tpu.memref_slice %arg4[%squeeze3A_74, %dma_wait3A_589, %dma_wait3A_590] : memref<125000x8x32xf32, #tpu.memory_space<hbm>> -> memref<1x8x32xf32, #tpu.memory_space<hbm>>
      tpu.wait_dma2 semaphore(%arg14 : memref<!tpu.dma_semaphore, #tpu.memory_space<semaphore_mem>>) src(%dma_wait3A_591 : memref<1x8x32xf32, #tpu.memory_space<hbm>>) dst(%dma_wait3A_588 : memref<1x8x32xf32, #tpu.memory_space<vmem>>)
      %dma_wait3A_592 = arith.constant 4 : i32
      %dma_wait3A_593 = arith.constant 0 : i32
      %dma_wait3A_594 = arith.constant 0 : i32
      %dma_wait3A_595 = tpu.memref_slice %arg10[%dma_wait3A_592, %dma_wait3A_593, %dma_wait3A_594] : memref<16x8x32xf32, #tpu.memory_space<vmem>> -> memref<1x8x32xf32, #tpu.memory_space<vmem>>
      %dma_wait3A_596 = arith.constant 0 : i32
      %dma_wait3A_597 = arith.constant 0 : i32
      %dma_wait3A_598 = tpu.memref_slice %arg4[%squeeze3A_90, %dma_wait3A_596, %dma_wait3A_597] : memref<125000x8x32xf32, #tpu.memory_space<hbm>> -> memref<1x8x32xf32, #tpu.memory_space<hbm>>
      %dma_wait3A_599 = arith.constant 4 : i32
      %dma_wait3A_600 = arith.constant 0 : i32
      %dma_wait3A_601 = arith.constant 0 : i32
      %dma_wait3A_602 = tpu.memref_slice %arg10[%dma_wait3A_599, %dma_wait3A_600, %dma_wait3A_601] : memref<16x8x32xf32, #tpu.memory_space<vmem>> -> memref<1x8x32xf32, #tpu.memory_space<vmem>>
      %dma_wait3A_603 = arith.constant 0 : i32
      %dma_wait3A_604 = arith.constant 0 : i32
      %dma_wait3A_605 = tpu.memref_slice %arg4[%squeeze3A_90, %dma_wait3A_603, %dma_wait3A_604] : memref<125000x8x32xf32, #tpu.memory_space<hbm>> -> memref<1x8x32xf32, #tpu.memory_space<hbm>>
      tpu.wait_dma2 semaphore(%arg14 : memref<!tpu.dma_semaphore, #tpu.memory_space<semaphore_mem>>) src(%dma_wait3A_605 : memref<1x8x32xf32, #tpu.memory_space<hbm>>) dst(%dma_wait3A_602 : memref<1x8x32xf32, #tpu.memory_space<vmem>>)
      %dma_wait3A_606 = arith.constant 5 : i32
      %dma_wait3A_607 = arith.constant 0 : i32
      %dma_wait3A_608 = arith.constant 0 : i32
      %dma_wait3A_609 = tpu.memref_slice %arg10[%dma_wait3A_606, %dma_wait3A_607, %dma_wait3A_608] : memref<16x8x32xf32, #tpu.memory_space<vmem>> -> memref<1x8x32xf32, #tpu.memory_space<vmem>>
      %dma_wait3A_610 = arith.constant 0 : i32
      %dma_wait3A_611 = arith.constant 0 : i32
      %dma_wait3A_612 = tpu.memref_slice %arg4[%squeeze3A_106, %dma_wait3A_610, %dma_wait3A_611] : memref<125000x8x32xf32, #tpu.memory_space<hbm>> -> memref<1x8x32xf32, #tpu.memory_space<hbm>>
      %dma_wait3A_613 = arith.constant 5 : i32
      %dma_wait3A_614 = arith.constant 0 : i32
      %dma_wait3A_615 = arith.constant 0 : i32
      %dma_wait3A_616 = tpu.memref_slice %arg10[%dma_wait3A_613, %dma_wait3A_614, %dma_wait3A_615] : memref<16x8x32xf32, #tpu.memory_space<vmem>> -> memref<1x8x32xf32, #tpu.memory_space<vmem>>
      %dma_wait3A_617 = arith.constant 0 : i32
      %dma_wait3A_618 = arith.constant 0 : i32
      %dma_wait3A_619 = tpu.memref_slice %arg4[%squeeze3A_106, %dma_wait3A_617, %dma_wait3A_618] : memref<125000x8x32xf32, #tpu.memory_space<hbm>> -> memref<1x8x32xf32, #tpu.memory_space<hbm>>
      tpu.wait_dma2 semaphore(%arg14 : memref<!tpu.dma_semaphore, #tpu.memory_space<semaphore_mem>>) src(%dma_wait3A_619 : memref<1x8x32xf32, #tpu.memory_space<hbm>>) dst(%dma_wait3A_616 : memref<1x8x32xf32, #tpu.memory_space<vmem>>)
      %dma_wait3A_620 = arith.constant 6 : i32
      %dma_wait3A_621 = arith.constant 0 : i32
      %dma_wait3A_622 = arith.constant 0 : i32
      %dma_wait3A_623 = tpu.memref_slice %arg10[%dma_wait3A_620, %dma_wait3A_621, %dma_wait3A_622] : memref<16x8x32xf32, #tpu.memory_space<vmem>> -> memref<1x8x32xf32, #tpu.memory_space<vmem>>
      %dma_wait3A_624 = arith.constant 0 : i32
      %dma_wait3A_625 = arith.constant 0 : i32
      %dma_wait3A_626 = tpu.memref_slice %arg4[%squeeze3A_122, %dma_wait3A_624, %dma_wait3A_625] : memref<125000x8x32xf32, #tpu.memory_space<hbm>> -> memref<1x8x32xf32, #tpu.memory_space<hbm>>
      %dma_wait3A_627 = arith.constant 6 : i32
      %dma_wait3A_628 = arith.constant 0 : i32
      %dma_wait3A_629 = arith.constant 0 : i32
      %dma_wait3A_630 = tpu.memref_slice %arg10[%dma_wait3A_627, %dma_wait3A_628, %dma_wait3A_629] : memref<16x8x32xf32, #tpu.memory_space<vmem>> -> memref<1x8x32xf32, #tpu.memory_space<vmem>>
      %dma_wait3A_631 = arith.constant 0 : i32
      %dma_wait3A_632 = arith.constant 0 : i32
      %dma_wait3A_633 = tpu.memref_slice %arg4[%squeeze3A_122, %dma_wait3A_631, %dma_wait3A_632] : memref<125000x8x32xf32, #tpu.memory_space<hbm>> -> memref<1x8x32xf32, #tpu.memory_space<hbm>>
      tpu.wait_dma2 semaphore(%arg14 : memref<!tpu.dma_semaphore, #tpu.memory_space<semaphore_mem>>) src(%dma_wait3A_633 : memref<1x8x32xf32, #tpu.memory_space<hbm>>) dst(%dma_wait3A_630 : memref<1x8x32xf32, #tpu.memory_space<vmem>>)
      %dma_wait3A_634 = arith.constant 7 : i32
      %dma_wait3A_635 = arith.constant 0 : i32
      %dma_wait3A_636 = arith.constant 0 : i32
      %dma_wait3A_637 = tpu.memref_slice %arg10[%dma_wait3A_634, %dma_wait3A_635, %dma_wait3A_636] : memref<16x8x32xf32, #tpu.memory_space<vmem>> -> memref<1x8x32xf32, #tpu.memory_space<vmem>>
      %dma_wait3A_638 = arith.constant 0 : i32
      %dma_wait3A_639 = arith.constant 0 : i32
      %dma_wait3A_640 = tpu.memref_slice %arg4[%squeeze3A_138, %dma_wait3A_638, %dma_wait3A_639] : memref<125000x8x32xf32, #tpu.memory_space<hbm>> -> memref<1x8x32xf32, #tpu.memory_space<hbm>>
      %dma_wait3A_641 = arith.constant 7 : i32
      %dma_wait3A_642 = arith.constant 0 : i32
      %dma_wait3A_643 = arith.constant 0 : i32
      %dma_wait3A_644 = tpu.memref_slice %arg10[%dma_wait3A_641, %dma_wait3A_642, %dma_wait3A_643] : memref<16x8x32xf32, #tpu.memory_space<vmem>> -> memref<1x8x32xf32, #tpu.memory_space<vmem>>
      %dma_wait3A_645 = arith.constant 0 : i32
      %dma_wait3A_646 = arith.constant 0 : i32
      %dma_wait3A_647 = tpu.memref_slice %arg4[%squeeze3A_138, %dma_wait3A_645, %dma_wait3A_646] : memref<125000x8x32xf32, #tpu.memory_space<hbm>> -> memref<1x8x32xf32, #tpu.memory_space<hbm>>
      tpu.wait_dma2 semaphore(%arg14 : memref<!tpu.dma_semaphore, #tpu.memory_space<semaphore_mem>>) src(%dma_wait3A_647 : memref<1x8x32xf32, #tpu.memory_space<hbm>>) dst(%dma_wait3A_644 : memref<1x8x32xf32, #tpu.memory_space<vmem>>)
      %dma_wait3A_648 = arith.constant 8 : i32
      %dma_wait3A_649 = arith.constant 0 : i32
      %dma_wait3A_650 = arith.constant 0 : i32
      %dma_wait3A_651 = tpu.memref_slice %arg10[%dma_wait3A_648, %dma_wait3A_649, %dma_wait3A_650] : memref<16x8x32xf32, #tpu.memory_space<vmem>> -> memref<1x8x32xf32, #tpu.memory_space<vmem>>
      %dma_wait3A_652 = arith.constant 0 : i32
      %dma_wait3A_653 = arith.constant 0 : i32
      %dma_wait3A_654 = tpu.memref_slice %arg4[%squeeze3A_154, %dma_wait3A_652, %dma_wait3A_653] : memref<125000x8x32xf32, #tpu.memory_space<hbm>> -> memref<1x8x32xf32, #tpu.memory_space<hbm>>
      %dma_wait3A_655 = arith.constant 8 : i32
      %dma_wait3A_656 = arith.constant 0 : i32
      %dma_wait3A_657 = arith.constant 0 : i32
      %dma_wait3A_658 = tpu.memref_slice %arg10[%dma_wait3A_655, %dma_wait3A_656, %dma_wait3A_657] : memref<16x8x32xf32, #tpu.memory_space<vmem>> -> memref<1x8x32xf32, #tpu.memory_space<vmem>>
      %dma_wait3A_659 = arith.constant 0 : i32
      %dma_wait3A_660 = arith.constant 0 : i32
      %dma_wait3A_661 = tpu.memref_slice %arg4[%squeeze3A_154, %dma_wait3A_659, %dma_wait3A_660] : memref<125000x8x32xf32, #tpu.memory_space<hbm>> -> memref<1x8x32xf32, #tpu.memory_space<hbm>>
      tpu.wait_dma2 semaphore(%arg14 : memref<!tpu.dma_semaphore, #tpu.memory_space<semaphore_mem>>) src(%dma_wait3A_661 : memref<1x8x32xf32, #tpu.memory_space<hbm>>) dst(%dma_wait3A_658 : memref<1x8x32xf32, #tpu.memory_space<vmem>>)
      %dma_wait3A_662 = arith.constant 9 : i32
      %dma_wait3A_663 = arith.constant 0 : i32
      %dma_wait3A_664 = arith.constant 0 : i32
      %dma_wait3A_665 = tpu.memref_slice %arg10[%dma_wait3A_662, %dma_wait3A_663, %dma_wait3A_664] : memref<16x8x32xf32, #tpu.memory_space<vmem>> -> memref<1x8x32xf32, #tpu.memory_space<vmem>>
      %dma_wait3A_666 = arith.constant 0 : i32
      %dma_wait3A_667 = arith.constant 0 : i32
      %dma_wait3A_668 = tpu.memref_slice %arg4[%squeeze3A_170, %dma_wait3A_666, %dma_wait3A_667] : memref<125000x8x32xf32, #tpu.memory_space<hbm>> -> memref<1x8x32xf32, #tpu.memory_space<hbm>>
      %dma_wait3A_669 = arith.constant 9 : i32
      %dma_wait3A_670 = arith.constant 0 : i32
      %dma_wait3A_671 = arith.constant 0 : i32
      %dma_wait3A_672 = tpu.memref_slice %arg10[%dma_wait3A_669, %dma_wait3A_670, %dma_wait3A_671] : memref<16x8x32xf32, #tpu.memory_space<vmem>> -> memref<1x8x32xf32, #tpu.memory_space<vmem>>
      %dma_wait3A_673 = arith.constant 0 : i32
      %dma_wait3A_674 = arith.constant 0 : i32
      %dma_wait3A_675 = tpu.memref_slice %arg4[%squeeze3A_170, %dma_wait3A_673, %dma_wait3A_674] : memref<125000x8x32xf32, #tpu.memory_space<hbm>> -> memref<1x8x32xf32, #tpu.memory_space<hbm>>
      tpu.wait_dma2 semaphore(%arg14 : memref<!tpu.dma_semaphore, #tpu.memory_space<semaphore_mem>>) src(%dma_wait3A_675 : memref<1x8x32xf32, #tpu.memory_space<hbm>>) dst(%dma_wait3A_672 : memref<1x8x32xf32, #tpu.memory_space<vmem>>)
      %dma_wait3A_676 = arith.constant 10 : i32
      %dma_wait3A_677 = arith.constant 0 : i32
      %dma_wait3A_678 = arith.constant 0 : i32
      %dma_wait3A_679 = tpu.memref_slice %arg10[%dma_wait3A_676, %dma_wait3A_677, %dma_wait3A_678] : memref<16x8x32xf32, #tpu.memory_space<vmem>> -> memref<1x8x32xf32, #tpu.memory_space<vmem>>
      %dma_wait3A_680 = arith.constant 0 : i32
      %dma_wait3A_681 = arith.constant 0 : i32
      %dma_wait3A_682 = tpu.memref_slice %arg4[%squeeze3A_186, %dma_wait3A_680, %dma_wait3A_681] : memref<125000x8x32xf32, #tpu.memory_space<hbm>> -> memref<1x8x32xf32, #tpu.memory_space<hbm>>
      %dma_wait3A_683 = arith.constant 10 : i32
      %dma_wait3A_684 = arith.constant 0 : i32
      %dma_wait3A_685 = arith.constant 0 : i32
      %dma_wait3A_686 = tpu.memref_slice %arg10[%dma_wait3A_683, %dma_wait3A_684, %dma_wait3A_685] : memref<16x8x32xf32, #tpu.memory_space<vmem>> -> memref<1x8x32xf32, #tpu.memory_space<vmem>>
      %dma_wait3A_687 = arith.constant 0 : i32
      %dma_wait3A_688 = arith.constant 0 : i32
      %dma_wait3A_689 = tpu.memref_slice %arg4[%squeeze3A_186, %dma_wait3A_687, %dma_wait3A_688] : memref<125000x8x32xf32, #tpu.memory_space<hbm>> -> memref<1x8x32xf32, #tpu.memory_space<hbm>>
      tpu.wait_dma2 semaphore(%arg14 : memref<!tpu.dma_semaphore, #tpu.memory_space<semaphore_mem>>) src(%dma_wait3A_689 : memref<1x8x32xf32, #tpu.memory_space<hbm>>) dst(%dma_wait3A_686 : memref<1x8x32xf32, #tpu.memory_space<vmem>>)
      %dma_wait3A_690 = arith.constant 11 : i32
      %dma_wait3A_691 = arith.constant 0 : i32
      %dma_wait3A_692 = arith.constant 0 : i32
      %dma_wait3A_693 = tpu.memref_slice %arg10[%dma_wait3A_690, %dma_wait3A_691, %dma_wait3A_692] : memref<16x8x32xf32, #tpu.memory_space<vmem>> -> memref<1x8x32xf32, #tpu.memory_space<vmem>>
      %dma_wait3A_694 = arith.constant 0 : i32
      %dma_wait3A_695 = arith.constant 0 : i32
      %dma_wait3A_696 = tpu.memref_slice %arg4[%squeeze3A_202, %dma_wait3A_694, %dma_wait3A_695] : memref<125000x8x32xf32, #tpu.memory_space<hbm>> -> memref<1x8x32xf32, #tpu.memory_space<hbm>>
      %dma_wait3A_697 = arith.constant 11 : i32
      %dma_wait3A_698 = arith.constant 0 : i32
      %dma_wait3A_699 = arith.constant 0 : i32
      %dma_wait3A_700 = tpu.memref_slice %arg10[%dma_wait3A_697, %dma_wait3A_698, %dma_wait3A_699] : memref<16x8x32xf32, #tpu.memory_space<vmem>> -> memref<1x8x32xf32, #tpu.memory_space<vmem>>
      %dma_wait3A_701 = arith.constant 0 : i32
      %dma_wait3A_702 = arith.constant 0 : i32
      %dma_wait3A_703 = tpu.memref_slice %arg4[%squeeze3A_202, %dma_wait3A_701, %dma_wait3A_702] : memref<125000x8x32xf32, #tpu.memory_space<hbm>> -> memref<1x8x32xf32, #tpu.memory_space<hbm>>
      tpu.wait_dma2 semaphore(%arg14 : memref<!tpu.dma_semaphore, #tpu.memory_space<semaphore_mem>>) src(%dma_wait3A_703 : memref<1x8x32xf32, #tpu.memory_space<hbm>>) dst(%dma_wait3A_700 : memref<1x8x32xf32, #tpu.memory_space<vmem>>)
      %dma_wait3A_704 = arith.constant 12 : i32
      %dma_wait3A_705 = arith.constant 0 : i32
      %dma_wait3A_706 = arith.constant 0 : i32
      %dma_wait3A_707 = tpu.memref_slice %arg10[%dma_wait3A_704, %dma_wait3A_705, %dma_wait3A_706] : memref<16x8x32xf32, #tpu.memory_space<vmem>> -> memref<1x8x32xf32, #tpu.memory_space<vmem>>
      %dma_wait3A_708 = arith.constant 0 : i32
      %dma_wait3A_709 = arith.constant 0 : i32
      %dma_wait3A_710 = tpu.memref_slice %arg4[%squeeze3A_218, %dma_wait3A_708, %dma_wait3A_709] : memref<125000x8x32xf32, #tpu.memory_space<hbm>> -> memref<1x8x32xf32, #tpu.memory_space<hbm>>
      %dma_wait3A_711 = arith.constant 12 : i32
      %dma_wait3A_712 = arith.constant 0 : i32
      %dma_wait3A_713 = arith.constant 0 : i32
      %dma_wait3A_714 = tpu.memref_slice %arg10[%dma_wait3A_711, %dma_wait3A_712, %dma_wait3A_713] : memref<16x8x32xf32, #tpu.memory_space<vmem>> -> memref<1x8x32xf32, #tpu.memory_space<vmem>>
      %dma_wait3A_715 = arith.constant 0 : i32
      %dma_wait3A_716 = arith.constant 0 : i32
      %dma_wait3A_717 = tpu.memref_slice %arg4[%squeeze3A_218, %dma_wait3A_715, %dma_wait3A_716] : memref<125000x8x32xf32, #tpu.memory_space<hbm>> -> memref<1x8x32xf32, #tpu.memory_space<hbm>>
      tpu.wait_dma2 semaphore(%arg14 : memref<!tpu.dma_semaphore, #tpu.memory_space<semaphore_mem>>) src(%dma_wait3A_717 : memref<1x8x32xf32, #tpu.memory_space<hbm>>) dst(%dma_wait3A_714 : memref<1x8x32xf32, #tpu.memory_space<vmem>>)
      %dma_wait3A_718 = arith.constant 13 : i32
      %dma_wait3A_719 = arith.constant 0 : i32
      %dma_wait3A_720 = arith.constant 0 : i32
      %dma_wait3A_721 = tpu.memref_slice %arg10[%dma_wait3A_718, %dma_wait3A_719, %dma_wait3A_720] : memref<16x8x32xf32, #tpu.memory_space<vmem>> -> memref<1x8x32xf32, #tpu.memory_space<vmem>>
      %dma_wait3A_722 = arith.constant 0 : i32
      %dma_wait3A_723 = arith.constant 0 : i32
      %dma_wait3A_724 = tpu.memref_slice %arg4[%squeeze3A_234, %dma_wait3A_722, %dma_wait3A_723] : memref<125000x8x32xf32, #tpu.memory_space<hbm>> -> memref<1x8x32xf32, #tpu.memory_space<hbm>>
      %dma_wait3A_725 = arith.constant 13 : i32
      %dma_wait3A_726 = arith.constant 0 : i32
      %dma_wait3A_727 = arith.constant 0 : i32
      %dma_wait3A_728 = tpu.memref_slice %arg10[%dma_wait3A_725, %dma_wait3A_726, %dma_wait3A_727] : memref<16x8x32xf32, #tpu.memory_space<vmem>> -> memref<1x8x32xf32, #tpu.memory_space<vmem>>
      %dma_wait3A_729 = arith.constant 0 : i32
      %dma_wait3A_730 = arith.constant 0 : i32
      %dma_wait3A_731 = tpu.memref_slice %arg4[%squeeze3A_234, %dma_wait3A_729, %dma_wait3A_730] : memref<125000x8x32xf32, #tpu.memory_space<hbm>> -> memref<1x8x32xf32, #tpu.memory_space<hbm>>
      tpu.wait_dma2 semaphore(%arg14 : memref<!tpu.dma_semaphore, #tpu.memory_space<semaphore_mem>>) src(%dma_wait3A_731 : memref<1x8x32xf32, #tpu.memory_space<hbm>>) dst(%dma_wait3A_728 : memref<1x8x32xf32, #tpu.memory_space<vmem>>)
      %dma_wait3A_732 = arith.constant 14 : i32
      %dma_wait3A_733 = arith.constant 0 : i32
      %dma_wait3A_734 = arith.constant 0 : i32
      %dma_wait3A_735 = tpu.memref_slice %arg10[%dma_wait3A_732, %dma_wait3A_733, %dma_wait3A_734] : memref<16x8x32xf32, #tpu.memory_space<vmem>> -> memref<1x8x32xf32, #tpu.memory_space<vmem>>
      %dma_wait3A_736 = arith.constant 0 : i32
      %dma_wait3A_737 = arith.constant 0 : i32
      %dma_wait3A_738 = tpu.memref_slice %arg4[%squeeze3A_250, %dma_wait3A_736, %dma_wait3A_737] : memref<125000x8x32xf32, #tpu.memory_space<hbm>> -> memref<1x8x32xf32, #tpu.memory_space<hbm>>
      %dma_wait3A_739 = arith.constant 14 : i32
      %dma_wait3A_740 = arith.constant 0 : i32
      %dma_wait3A_741 = arith.constant 0 : i32
      %dma_wait3A_742 = tpu.memref_slice %arg10[%dma_wait3A_739, %dma_wait3A_740, %dma_wait3A_741] : memref<16x8x32xf32, #tpu.memory_space<vmem>> -> memref<1x8x32xf32, #tpu.memory_space<vmem>>
      %dma_wait3A_743 = arith.constant 0 : i32
      %dma_wait3A_744 = arith.constant 0 : i32
      %dma_wait3A_745 = tpu.memref_slice %arg4[%squeeze3A_250, %dma_wait3A_743, %dma_wait3A_744] : memref<125000x8x32xf32, #tpu.memory_space<hbm>> -> memref<1x8x32xf32, #tpu.memory_space<hbm>>
      tpu.wait_dma2 semaphore(%arg14 : memref<!tpu.dma_semaphore, #tpu.memory_space<semaphore_mem>>) src(%dma_wait3A_745 : memref<1x8x32xf32, #tpu.memory_space<hbm>>) dst(%dma_wait3A_742 : memref<1x8x32xf32, #tpu.memory_space<vmem>>)
      %dma_wait3A_746 = arith.constant 15 : i32
      %dma_wait3A_747 = arith.constant 0 : i32
      %dma_wait3A_748 = arith.constant 0 : i32
      %dma_wait3A_749 = tpu.memref_slice %arg10[%dma_wait3A_746, %dma_wait3A_747, %dma_wait3A_748] : memref<16x8x32xf32, #tpu.memory_space<vmem>> -> memref<1x8x32xf32, #tpu.memory_space<vmem>>
      %dma_wait3A_750 = arith.constant 0 : i32
      %dma_wait3A_751 = arith.constant 0 : i32
      %dma_wait3A_752 = tpu.memref_slice %arg4[%squeeze3A_266, %dma_wait3A_750, %dma_wait3A_751] : memref<125000x8x32xf32, #tpu.memory_space<hbm>> -> memref<1x8x32xf32, #tpu.memory_space<hbm>>
      %dma_wait3A_753 = arith.constant 15 : i32
      %dma_wait3A_754 = arith.constant 0 : i32
      %dma_wait3A_755 = arith.constant 0 : i32
      %dma_wait3A_756 = tpu.memref_slice %arg10[%dma_wait3A_753, %dma_wait3A_754, %dma_wait3A_755] : memref<16x8x32xf32, #tpu.memory_space<vmem>> -> memref<1x8x32xf32, #tpu.memory_space<vmem>>
      %dma_wait3A_757 = arith.constant 0 : i32
      %dma_wait3A_758 = arith.constant 0 : i32
      %dma_wait3A_759 = tpu.memref_slice %arg4[%squeeze3A_266, %dma_wait3A_757, %dma_wait3A_758] : memref<125000x8x32xf32, #tpu.memory_space<hbm>> -> memref<1x8x32xf32, #tpu.memory_space<hbm>>
      tpu.wait_dma2 semaphore(%arg14 : memref<!tpu.dma_semaphore, #tpu.memory_space<semaphore_mem>>) src(%dma_wait3A_759 : memref<1x8x32xf32, #tpu.memory_space<hbm>>) dst(%dma_wait3A_756 : memref<1x8x32xf32, #tpu.memory_space<vmem>>)
      %slice3A_760 = vector.extract_strided_slice %and3A_24 {offsets = [0], sizes = [1], strides = [1]} : vector<16xi32> to vector<1xi32>
      %squeeze3A_761 = vector.extract %slice3A_760[0] : i32 from vector<1xi32>
      %get3A_762 = arith.constant 0 : i32
      %get3A_763 = arith.index_cast %get3A_762 : i32 to index
      %get3A_764 = arith.index_cast %squeeze3A_761 : i32 to index
      %get3A_765 = arith.constant 0 : index
      %get3A_766 = tpu.vector_load %arg10[%get3A_763, %get3A_764, %get3A_765] {strides = array<i32>} : memref<16x8x32xf32, #tpu.memory_space<vmem>>, vector<1x1x16xf32>,
      %get3A_767 = vector.shape_cast %get3A_766 : vector<1x1x16xf32> to vector<16xf32>
      %swap3A = arith.constant 0 : i32
      %swap3A_768 = arith.index_cast %swap3A : i32 to index
      %swap3A_769 = arith.constant 0 : index
      %swap3A_770 = tpu.vector_load %arg12[%swap3A_768, %swap3A_769] {strides = array<i32>} : memref<16x32xf32, #tpu.memory_space<vmem>>, vector<1x16xf32>,
      %swap3A_771 = vector.shape_cast %swap3A_770 : vector<1x16xf32> to vector<16xf32>
      %swap3A_772 = vector.shape_cast %get3A_767 : vector<16xf32> to vector<1x16xf32>
      tpu.vector_store %arg12[%swap3A_768, %swap3A_769], %swap3A_772 {strides = array<i32>} : memref<16x32xf32, #tpu.memory_space<vmem>>, vector<1x16xf32>,
      %get3A_773 = arith.constant 0 : i32
      %get3A_774 = arith.index_cast %get3A_773 : i32 to index
      %get3A_775 = arith.index_cast %squeeze3A_761 : i32 to index
      %get3A_776 = arith.constant 16 : index
      %get3A_777 = tpu.vector_load %arg10[%get3A_774, %get3A_775, %get3A_776] {strides = array<i32>} : memref<16x8x32xf32, #tpu.memory_space<vmem>>, vector<1x1x16xf32>,
      %get3A_778 = vector.shape_cast %get3A_777 : vector<1x1x16xf32> to vector<16xf32>
      %swap3A_779 = arith.constant 0 : i32
      %swap3A_780 = arith.index_cast %swap3A_779 : i32 to index
      %swap3A_781 = arith.constant 16 : index
      %swap3A_782 = tpu.vector_load %arg12[%swap3A_780, %swap3A_781] {strides = array<i32>} : memref<16x32xf32, #tpu.memory_space<vmem>>, vector<1x16xf32>,
      %swap3A_783 = vector.shape_cast %swap3A_782 : vector<1x16xf32> to vector<16xf32>
      %swap3A_784 = vector.shape_cast %get3A_778 : vector<16xf32> to vector<1x16xf32>
      tpu.vector_store %arg12[%swap3A_780, %swap3A_781], %swap3A_784 {strides = array<i32>} : memref<16x32xf32, #tpu.memory_space<vmem>>, vector<1x16xf32>,
      %slice3A_785 = vector.extract_strided_slice %and3A_24 {offsets = [1], sizes = [1], strides = [1]} : vector<16xi32> to vector<1xi32>
      %squeeze3A_786 = vector.extract %slice3A_785[0] : i32 from vector<1xi32>
      %get3A_787 = arith.constant 1 : i32
      %get3A_788 = arith.index_cast %get3A_787 : i32 to index
      %get3A_789 = arith.index_cast %squeeze3A_786 : i32 to index
      %get3A_790 = arith.constant 0 : index
      %get3A_791 = tpu.vector_load %arg10[%get3A_788, %get3A_789, %get3A_790] {strides = array<i32>} : memref<16x8x32xf32, #tpu.memory_space<vmem>>, vector<1x1x16xf32>,
      %get3A_792 = vector.shape_cast %get3A_791 : vector<1x1x16xf32> to vector<16xf32>
      %swap3A_793 = arith.constant 1 : i32
      %swap3A_794 = arith.index_cast %swap3A_793 : i32 to index
      %swap3A_795 = arith.constant 0 : index
      %swap3A_796 = tpu.vector_load %arg12[%swap3A_794, %swap3A_795] {strides = array<i32>} : memref<16x32xf32, #tpu.memory_space<vmem>>, vector<1x16xf32>,
      %swap3A_797 = vector.shape_cast %swap3A_796 : vector<1x16xf32> to vector<16xf32>
      %swap3A_798 = vector.shape_cast %get3A_792 : vector<16xf32> to vector<1x16xf32>
      tpu.vector_store %arg12[%swap3A_794, %swap3A_795], %swap3A_798 {strides = array<i32>} : memref<16x32xf32, #tpu.memory_space<vmem>>, vector<1x16xf32>,
      %get3A_799 = arith.constant 1 : i32
      %get3A_800 = arith.index_cast %get3A_799 : i32 to index
      %get3A_801 = arith.index_cast %squeeze3A_786 : i32 to index
      %get3A_802 = arith.constant 16 : index
      %get3A_803 = tpu.vector_load %arg10[%get3A_800, %get3A_801, %get3A_802] {strides = array<i32>} : memref<16x8x32xf32, #tpu.memory_space<vmem>>, vector<1x1x16xf32>,
      %get3A_804 = vector.shape_cast %get3A_803 : vector<1x1x16xf32> to vector<16xf32>
      %swap3A_805 = arith.constant 1 : i32
      %swap3A_806 = arith.index_cast %swap3A_805 : i32 to index
      %swap3A_807 = arith.constant 16 : index
      %swap3A_808 = tpu.vector_load %arg12[%swap3A_806, %swap3A_807] {strides = array<i32>} : memref<16x32xf32, #tpu.memory_space<vmem>>, vector<1x16xf32>,
      %swap3A_809 = vector.shape_cast %swap3A_808 : vector<1x16xf32> to vector<16xf32>
      %swap3A_810 = vector.shape_cast %get3A_804 : vector<16xf32> to vector<1x16xf32>
      tpu.vector_store %arg12[%swap3A_806, %swap3A_807], %swap3A_810 {strides = array<i32>} : memref<16x32xf32, #tpu.memory_space<vmem>>, vector<1x16xf32>,
      %slice3A_811 = vector.extract_strided_slice %and3A_24 {offsets = [2], sizes = [1], strides = [1]} : vector<16xi32> to vector<1xi32>
      %squeeze3A_812 = vector.extract %slice3A_811[0] : i32 from vector<1xi32>
      %get3A_813 = arith.constant 2 : i32
      %get3A_814 = arith.index_cast %get3A_813 : i32 to index
      %get3A_815 = arith.index_cast %squeeze3A_812 : i32 to index
      %get3A_816 = arith.constant 0 : index
      %get3A_817 = tpu.vector_load %arg10[%get3A_814, %get3A_815, %get3A_816] {strides = array<i32>} : memref<16x8x32xf32, #tpu.memory_space<vmem>>, vector<1x1x16xf32>,
      %get3A_818 = vector.shape_cast %get3A_817 : vector<1x1x16xf32> to vector<16xf32>
      %swap3A_819 = arith.constant 2 : i32
      %swap3A_820 = arith.index_cast %swap3A_819 : i32 to index
      %swap3A_821 = arith.constant 0 : index
      %swap3A_822 = tpu.vector_load %arg12[%swap3A_820, %swap3A_821] {strides = array<i32>} : memref<16x32xf32, #tpu.memory_space<vmem>>, vector<1x16xf32>,
      %swap3A_823 = vector.shape_cast %swap3A_822 : vector<1x16xf32> to vector<16xf32>
      %swap3A_824 = vector.shape_cast %get3A_818 : vector<16xf32> to vector<1x16xf32>
      tpu.vector_store %arg12[%swap3A_820, %swap3A_821], %swap3A_824 {strides = array<i32>} : memref<16x32xf32, #tpu.memory_space<vmem>>, vector<1x16xf32>,
      %get3A_825 = arith.constant 2 : i32
      %get3A_826 = arith.index_cast %get3A_825 : i32 to index
      %get3A_827 = arith.index_cast %squeeze3A_812 : i32 to index
      %get3A_828 = arith.constant 16 : index
      %get3A_829 = tpu.vector_load %arg10[%get3A_826, %get3A_827, %get3A_828] {strides = array<i32>} : memref<16x8x32xf32, #tpu.memory_space<vmem>>, vector<1x1x16xf32>,
      %get3A_830 = vector.shape_cast %get3A_829 : vector<1x1x16xf32> to vector<16xf32>
      %swap3A_831 = arith.constant 2 : i32
      %swap3A_832 = arith.index_cast %swap3A_831 : i32 to index
      %swap3A_833 = arith.constant 16 : index
      %swap3A_834 = tpu.vector_load %arg12[%swap3A_832, %swap3A_833] {strides = array<i32>} : memref<16x32xf32, #tpu.memory_space<vmem>>, vector<1x16xf32>,
      %swap3A_835 = vector.shape_cast %swap3A_834 : vector<1x16xf32> to vector<16xf32>
      %swap3A_836 = vector.shape_cast %get3A_830 : vector<16xf32> to vector<1x16xf32>
      tpu.vector_store %arg12[%swap3A_832, %swap3A_833], %swap3A_836 {strides = array<i32>} : memref<16x32xf32, #tpu.memory_space<vmem>>, vector<1x16xf32>,
      %slice3A_837 = vector.extract_strided_slice %and3A_24 {offsets = [3], sizes = [1], strides = [1]} : vector<16xi32> to vector<1xi32>
      %squeeze3A_838 = vector.extract %slice3A_837[0] : i32 from vector<1xi32>
      %get3A_839 = arith.constant 3 : i32
      %get3A_840 = arith.index_cast %get3A_839 : i32 to index
      %get3A_841 = arith.index_cast %squeeze3A_838 : i32 to index
      %get3A_842 = arith.constant 0 : index
      %get3A_843 = tpu.vector_load %arg10[%get3A_840, %get3A_841, %get3A_842] {strides = array<i32>} : memref<16x8x32xf32, #tpu.memory_space<vmem>>, vector<1x1x16xf32>,
      %get3A_844 = vector.shape_cast %get3A_843 : vector<1x1x16xf32> to vector<16xf32>
      %swap3A_845 = arith.constant 3 : i32
      %swap3A_846 = arith.index_cast %swap3A_845 : i32 to index
      %swap3A_847 = arith.constant 0 : index
      %swap3A_848 = tpu.vector_load %arg12[%swap3A_846, %swap3A_847] {strides = array<i32>} : memref<16x32xf32, #tpu.memory_space<vmem>>, vector<1x16xf32>,
      %swap3A_849 = vector.shape_cast %swap3A_848 : vector<1x16xf32> to vector<16xf32>
      %swap3A_850 = vector.shape_cast %get3A_844 : vector<16xf32> to vector<1x16xf32>
      tpu.vector_store %arg12[%swap3A_846, %swap3A_847], %swap3A_850 {strides = array<i32>} : memref<16x32xf32, #tpu.memory_space<vmem>>, vector<1x16xf32>,
      %get3A_851 = arith.constant 3 : i32
      %get3A_852 = arith.index_cast %get3A_851 : i32 to index
      %get3A_853 = arith.index_cast %squeeze3A_838 : i32 to index
      %get3A_854 = arith.constant 16 : index
      %get3A_855 = tpu.vector_load %arg10[%get3A_852, %get3A_853, %get3A_854] {strides = array<i32>} : memref<16x8x32xf32, #tpu.memory_space<vmem>>, vector<1x1x16xf32>,
      %get3A_856 = vector.shape_cast %get3A_855 : vector<1x1x16xf32> to vector<16xf32>
      %swap3A_857 = arith.constant 3 : i32
      %swap3A_858 = arith.index_cast %swap3A_857 : i32 to index
      %swap3A_859 = arith.constant 16 : index
      %swap3A_860 = tpu.vector_load %arg12[%swap3A_858, %swap3A_859] {strides = array<i32>} : memref<16x32xf32, #tpu.memory_space<vmem>>, vector<1x16xf32>,
      %swap3A_861 = vector.shape_cast %swap3A_860 : vector<1x16xf32> to vector<16xf32>
      %swap3A_862 = vector.shape_cast %get3A_856 : vector<16xf32> to vector<1x16xf32>
      tpu.vector_store %arg12[%swap3A_858, %swap3A_859], %swap3A_862 {strides = array<i32>} : memref<16x32xf32, #tpu.memory_space<vmem>>, vector<1x16xf32>,
      %slice3A_863 = vector.extract_strided_slice %and3A_24 {offsets = [4], sizes = [1], strides = [1]} : vector<16xi32> to vector<1xi32>
      %squeeze3A_864 = vector.extract %slice3A_863[0] : i32 from vector<1xi32>
      %get3A_865 = arith.constant 4 : i32
      %get3A_866 = arith.index_cast %get3A_865 : i32 to index
      %get3A_867 = arith.index_cast %squeeze3A_864 : i32 to index
      %get3A_868 = arith.constant 0 : index
      %get3A_869 = tpu.vector_load %arg10[%get3A_866, %get3A_867, %get3A_868] {strides = array<i32>} : memref<16x8x32xf32, #tpu.memory_space<vmem>>, vector<1x1x16xf32>,
      %get3A_870 = vector.shape_cast %get3A_869 : vector<1x1x16xf32> to vector<16xf32>
      %swap3A_871 = arith.constant 4 : i32
      %swap3A_872 = arith.index_cast %swap3A_871 : i32 to index
      %swap3A_873 = arith.constant 0 : index
      %swap3A_874 = tpu.vector_load %arg12[%swap3A_872, %swap3A_873] {strides = array<i32>} : memref<16x32xf32, #tpu.memory_space<vmem>>, vector<1x16xf32>,
      %swap3A_875 = vector.shape_cast %swap3A_874 : vector<1x16xf32> to vector<16xf32>
      %swap3A_876 = vector.shape_cast %get3A_870 : vector<16xf32> to vector<1x16xf32>
      tpu.vector_store %arg12[%swap3A_872, %swap3A_873], %swap3A_876 {strides = array<i32>} : memref<16x32xf32, #tpu.memory_space<vmem>>, vector<1x16xf32>,
      %get3A_877 = arith.constant 4 : i32
      %get3A_878 = arith.index_cast %get3A_877 : i32 to index
      %get3A_879 = arith.index_cast %squeeze3A_864 : i32 to index
      %get3A_880 = arith.constant 16 : index
      %get3A_881 = tpu.vector_load %arg10[%get3A_878, %get3A_879, %get3A_880] {strides = array<i32>} : memref<16x8x32xf32, #tpu.memory_space<vmem>>, vector<1x1x16xf32>,
      %get3A_882 = vector.shape_cast %get3A_881 : vector<1x1x16xf32> to vector<16xf32>
      %swap3A_883 = arith.constant 4 : i32
      %swap3A_884 = arith.index_cast %swap3A_883 : i32 to index
      %swap3A_885 = arith.constant 16 : index
      %swap3A_886 = tpu.vector_load %arg12[%swap3A_884, %swap3A_885] {strides = array<i32>} : memref<16x32xf32, #tpu.memory_space<vmem>>, vector<1x16xf32>,
      %swap3A_887 = vector.shape_cast %swap3A_886 : vector<1x16xf32> to vector<16xf32>
      %swap3A_888 = vector.shape_cast %get3A_882 : vector<16xf32> to vector<1x16xf32>
      tpu.vector_store %arg12[%swap3A_884, %swap3A_885], %swap3A_888 {strides = array<i32>} : memref<16x32xf32, #tpu.memory_space<vmem>>, vector<1x16xf32>,
      %slice3A_889 = vector.extract_strided_slice %and3A_24 {offsets = [5], sizes = [1], strides = [1]} : vector<16xi32> to vector<1xi32>
      %squeeze3A_890 = vector.extract %slice3A_889[0] : i32 from vector<1xi32>
      %get3A_891 = arith.constant 5 : i32
      %get3A_892 = arith.index_cast %get3A_891 : i32 to index
      %get3A_893 = arith.index_cast %squeeze3A_890 : i32 to index
      %get3A_894 = arith.constant 0 : index
      %get3A_895 = tpu.vector_load %arg10[%get3A_892, %get3A_893, %get3A_894] {strides = array<i32>} : memref<16x8x32xf32, #tpu.memory_space<vmem>>, vector<1x1x16xf32>,
      %get3A_896 = vector.shape_cast %get3A_895 : vector<1x1x16xf32> to vector<16xf32>
      %swap3A_897 = arith.constant 5 : i32
      %swap3A_898 = arith.index_cast %swap3A_897 : i32 to index
      %swap3A_899 = arith.constant 0 : index
      %swap3A_900 = tpu.vector_load %arg12[%swap3A_898, %swap3A_899] {strides = array<i32>} : memref<16x32xf32, #tpu.memory_space<vmem>>, vector<1x16xf32>,
      %swap3A_901 = vector.shape_cast %swap3A_900 : vector<1x16xf32> to vector<16xf32>
      %swap3A_902 = vector.shape_cast %get3A_896 : vector<16xf32> to vector<1x16xf32>
      tpu.vector_store %arg12[%swap3A_898, %swap3A_899], %swap3A_902 {strides = array<i32>} : memref<16x32xf32, #tpu.memory_space<vmem>>, vector<1x16xf32>,
      %get3A_903 = arith.constant 5 : i32
      %get3A_904 = arith.index_cast %get3A_903 : i32 to index
      %get3A_905 = arith.index_cast %squeeze3A_890 : i32 to index
      %get3A_906 = arith.constant 16 : index
      %get3A_907 = tpu.vector_load %arg10[%get3A_904, %get3A_905, %get3A_906] {strides = array<i32>} : memref<16x8x32xf32, #tpu.memory_space<vmem>>, vector<1x1x16xf32>,
      %get3A_908 = vector.shape_cast %get3A_907 : vector<1x1x16xf32> to vector<16xf32>
      %swap3A_909 = arith.constant 5 : i32
      %swap3A_910 = arith.index_cast %swap3A_909 : i32 to index
      %swap3A_911 = arith.constant 16 : index
      %swap3A_912 = tpu.vector_load %arg12[%swap3A_910, %swap3A_911] {strides = array<i32>} : memref<16x32xf32, #tpu.memory_space<vmem>>, vector<1x16xf32>,
      %swap3A_913 = vector.shape_cast %swap3A_912 : vector<1x16xf32> to vector<16xf32>
      %swap3A_914 = vector.shape_cast %get3A_908 : vector<16xf32> to vector<1x16xf32>
      tpu.vector_store %arg12[%swap3A_910, %swap3A_911], %swap3A_914 {strides = array<i32>} : memref<16x32xf32, #tpu.memory_space<vmem>>, vector<1x16xf32>,
      %slice3A_915 = vector.extract_strided_slice %and3A_24 {offsets = [6], sizes = [1], strides = [1]} : vector<16xi32> to vector<1xi32>
      %squeeze3A_916 = vector.extract %slice3A_915[0] : i32 from vector<1xi32>
      %get3A_917 = arith.constant 6 : i32
      %get3A_918 = arith.index_cast %get3A_917 : i32 to index
      %get3A_919 = arith.index_cast %squeeze3A_916 : i32 to index
      %get3A_920 = arith.constant 0 : index
      %get3A_921 = tpu.vector_load %arg10[%get3A_918, %get3A_919, %get3A_920] {strides = array<i32>} : memref<16x8x32xf32, #tpu.memory_space<vmem>>, vector<1x1x16xf32>,
      %get3A_922 = vector.shape_cast %get3A_921 : vector<1x1x16xf32> to vector<16xf32>
      %swap3A_923 = arith.constant 6 : i32
      %swap3A_924 = arith.index_cast %swap3A_923 : i32 to index
      %swap3A_925 = arith.constant 0 : index
      %swap3A_926 = tpu.vector_load %arg12[%swap3A_924, %swap3A_925] {strides = array<i32>} : memref<16x32xf32, #tpu.memory_space<vmem>>, vector<1x16xf32>,
      %swap3A_927 = vector.shape_cast %swap3A_926 : vector<1x16xf32> to vector<16xf32>
      %swap3A_928 = vector.shape_cast %get3A_922 : vector<16xf32> to vector<1x16xf32>
      tpu.vector_store %arg12[%swap3A_924, %swap3A_925], %swap3A_928 {strides = array<i32>} : memref<16x32xf32, #tpu.memory_space<vmem>>, vector<1x16xf32>,
      %get3A_929 = arith.constant 6 : i32
      %get3A_930 = arith.index_cast %get3A_929 : i32 to index
      %get3A_931 = arith.index_cast %squeeze3A_916 : i32 to index
      %get3A_932 = arith.constant 16 : index
      %get3A_933 = tpu.vector_load %arg10[%get3A_930, %get3A_931, %get3A_932] {strides = array<i32>} : memref<16x8x32xf32, #tpu.memory_space<vmem>>, vector<1x1x16xf32>,
      %get3A_934 = vector.shape_cast %get3A_933 : vector<1x1x16xf32> to vector<16xf32>
      %swap3A_935 = arith.constant 6 : i32
      %swap3A_936 = arith.index_cast %swap3A_935 : i32 to index
      %swap3A_937 = arith.constant 16 : index
      %swap3A_938 = tpu.vector_load %arg12[%swap3A_936, %swap3A_937] {strides = array<i32>} : memref<16x32xf32, #tpu.memory_space<vmem>>, vector<1x16xf32>,
      %swap3A_939 = vector.shape_cast %swap3A_938 : vector<1x16xf32> to vector<16xf32>
      %swap3A_940 = vector.shape_cast %get3A_934 : vector<16xf32> to vector<1x16xf32>
      tpu.vector_store %arg12[%swap3A_936, %swap3A_937], %swap3A_940 {strides = array<i32>} : memref<16x32xf32, #tpu.memory_space<vmem>>, vector<1x16xf32>,
      %slice3A_941 = vector.extract_strided_slice %and3A_24 {offsets = [7], sizes = [1], strides = [1]} : vector<16xi32> to vector<1xi32>
      %squeeze3A_942 = vector.extract %slice3A_941[0] : i32 from vector<1xi32>
      %get3A_943 = arith.constant 7 : i32
      %get3A_944 = arith.index_cast %get3A_943 : i32 to index
      %get3A_945 = arith.index_cast %squeeze3A_942 : i32 to index
      %get3A_946 = arith.constant 0 : index
      %get3A_947 = tpu.vector_load %arg10[%get3A_944, %get3A_945, %get3A_946] {strides = array<i32>} : memref<16x8x32xf32, #tpu.memory_space<vmem>>, vector<1x1x16xf32>,
      %get3A_948 = vector.shape_cast %get3A_947 : vector<1x1x16xf32> to vector<16xf32>
      %swap3A_949 = arith.constant 7 : i32
      %swap3A_950 = arith.index_cast %swap3A_949 : i32 to index
      %swap3A_951 = arith.constant 0 : index
      %swap3A_952 = tpu.vector_load %arg12[%swap3A_950, %swap3A_951] {strides = array<i32>} : memref<16x32xf32, #tpu.memory_space<vmem>>, vector<1x16xf32>,
      %swap3A_953 = vector.shape_cast %swap3A_952 : vector<1x16xf32> to vector<16xf32>
      %swap3A_954 = vector.shape_cast %get3A_948 : vector<16xf32> to vector<1x16xf32>
      tpu.vector_store %arg12[%swap3A_950, %swap3A_951], %swap3A_954 {strides = array<i32>} : memref<16x32xf32, #tpu.memory_space<vmem>>, vector<1x16xf32>,
      %get3A_955 = arith.constant 7 : i32
      %get3A_956 = arith.index_cast %get3A_955 : i32 to index
      %get3A_957 = arith.index_cast %squeeze3A_942 : i32 to index
      %get3A_958 = arith.constant 16 : index
      %get3A_959 = tpu.vector_load %arg10[%get3A_956, %get3A_957, %get3A_958] {strides = array<i32>} : memref<16x8x32xf32, #tpu.memory_space<vmem>>, vector<1x1x16xf32>,
      %get3A_960 = vector.shape_cast %get3A_959 : vector<1x1x16xf32> to vector<16xf32>
      %swap3A_961 = arith.constant 7 : i32
      %swap3A_962 = arith.index_cast %swap3A_961 : i32 to index
      %swap3A_963 = arith.constant 16 : index
      %swap3A_964 = tpu.vector_load %arg12[%swap3A_962, %swap3A_963] {strides = array<i32>} : memref<16x32xf32, #tpu.memory_space<vmem>>, vector<1x16xf32>,
      %swap3A_965 = vector.shape_cast %swap3A_964 : vector<1x16xf32> to vector<16xf32>
      %swap3A_966 = vector.shape_cast %get3A_960 : vector<16xf32> to vector<1x16xf32>
      tpu.vector_store %arg12[%swap3A_962, %swap3A_963], %swap3A_966 {strides = array<i32>} : memref<16x32xf32, #tpu.memory_space<vmem>>, vector<1x16xf32>,
      %slice3A_967 = vector.extract_strided_slice %and3A_24 {offsets = [8], sizes = [1], strides = [1]} : vector<16xi32> to vector<1xi32>
      %squeeze3A_968 = vector.extract %slice3A_967[0] : i32 from vector<1xi32>
      %get3A_969 = arith.constant 8 : i32
      %get3A_970 = arith.index_cast %get3A_969 : i32 to index
      %get3A_971 = arith.index_cast %squeeze3A_968 : i32 to index
      %get3A_972 = arith.constant 0 : index
      %get3A_973 = tpu.vector_load %arg10[%get3A_970, %get3A_971, %get3A_972] {strides = array<i32>} : memref<16x8x32xf32, #tpu.memory_space<vmem>>, vector<1x1x16xf32>,
      %get3A_974 = vector.shape_cast %get3A_973 : vector<1x1x16xf32> to vector<16xf32>
      %swap3A_975 = arith.constant 8 : i32
      %swap3A_976 = arith.index_cast %swap3A_975 : i32 to index
      %swap3A_977 = arith.constant 0 : index
      %swap3A_978 = tpu.vector_load %arg12[%swap3A_976, %swap3A_977] {strides = array<i32>} : memref<16x32xf32, #tpu.memory_space<vmem>>, vector<1x16xf32>,
      %swap3A_979 = vector.shape_cast %swap3A_978 : vector<1x16xf32> to vector<16xf32>
      %swap3A_980 = vector.shape_cast %get3A_974 : vector<16xf32> to vector<1x16xf32>
      tpu.vector_store %arg12[%swap3A_976, %swap3A_977], %swap3A_980 {strides = array<i32>} : memref<16x32xf32, #tpu.memory_space<vmem>>, vector<1x16xf32>,
      %get3A_981 = arith.constant 8 : i32
      %get3A_982 = arith.index_cast %get3A_981 : i32 to index
      %get3A_983 = arith.index_cast %squeeze3A_968 : i32 to index
      %get3A_984 = arith.constant 16 : index
      %get3A_985 = tpu.vector_load %arg10[%get3A_982, %get3A_983, %get3A_984] {strides = array<i32>} : memref<16x8x32xf32, #tpu.memory_space<vmem>>, vector<1x1x16xf32>,
      %get3A_986 = vector.shape_cast %get3A_985 : vector<1x1x16xf32> to vector<16xf32>
      %swap3A_987 = arith.constant 8 : i32
      %swap3A_988 = arith.index_cast %swap3A_987 : i32 to index
      %swap3A_989 = arith.constant 16 : index
      %swap3A_990 = tpu.vector_load %arg12[%swap3A_988, %swap3A_989] {strides = array<i32>} : memref<16x32xf32, #tpu.memory_space<vmem>>, vector<1x16xf32>,
      %swap3A_991 = vector.shape_cast %swap3A_990 : vector<1x16xf32> to vector<16xf32>
      %swap3A_992 = vector.shape_cast %get3A_986 : vector<16xf32> to vector<1x16xf32>
      tpu.vector_store %arg12[%swap3A_988, %swap3A_989], %swap3A_992 {strides = array<i32>} : memref<16x32xf32, #tpu.memory_space<vmem>>, vector<1x16xf32>,
      %slice3A_993 = vector.extract_strided_slice %and3A_24 {offsets = [9], sizes = [1], strides = [1]} : vector<16xi32> to vector<1xi32>
      %squeeze3A_994 = vector.extract %slice3A_993[0] : i32 from vector<1xi32>
      %get3A_995 = arith.constant 9 : i32
      %get3A_996 = arith.index_cast %get3A_995 : i32 to index
      %get3A_997 = arith.index_cast %squeeze3A_994 : i32 to index
      %get3A_998 = arith.constant 0 : index
      %get3A_999 = tpu.vector_load %arg10[%get3A_996, %get3A_997, %get3A_998] {strides = array<i32>} : memref<16x8x32xf32, #tpu.memory_space<vmem>>, vector<1x1x16xf32>,
      %get3A_1000 = vector.shape_cast %get3A_999 : vector<1x1x16xf32> to vector<16xf32>
      %swap3A_1001 = arith.constant 9 : i32
      %swap3A_1002 = arith.index_cast %swap3A_1001 : i32 to index
      %swap3A_1003 = arith.constant 0 : index
      %swap3A_1004 = tpu.vector_load %arg12[%swap3A_1002, %swap3A_1003] {strides = array<i32>} : memref<16x32xf32, #tpu.memory_space<vmem>>, vector<1x16xf32>,
      %swap3A_1005 = vector.shape_cast %swap3A_1004 : vector<1x16xf32> to vector<16xf32>
      %swap3A_1006 = vector.shape_cast %get3A_1000 : vector<16xf32> to vector<1x16xf32>
      tpu.vector_store %arg12[%swap3A_1002, %swap3A_1003], %swap3A_1006 {strides = array<i32>} : memref<16x32xf32, #tpu.memory_space<vmem>>, vector<1x16xf32>,
      %get3A_1007 = arith.constant 9 : i32
      %get3A_1008 = arith.index_cast %get3A_1007 : i32 to index
      %get3A_1009 = arith.index_cast %squeeze3A_994 : i32 to index
      %get3A_1010 = arith.constant 16 : index
      %get3A_1011 = tpu.vector_load %arg10[%get3A_1008, %get3A_1009, %get3A_1010] {strides = array<i32>} : memref<16x8x32xf32, #tpu.memory_space<vmem>>, vector<1x1x16xf32>,
      %get3A_1012 = vector.shape_cast %get3A_1011 : vector<1x1x16xf32> to vector<16xf32>
      %swap3A_1013 = arith.constant 9 : i32
      %swap3A_1014 = arith.index_cast %swap3A_1013 : i32 to index
      %swap3A_1015 = arith.constant 16 : index
      %swap3A_1016 = tpu.vector_load %arg12[%swap3A_1014, %swap3A_1015] {strides = array<i32>} : memref<16x32xf32, #tpu.memory_space<vmem>>, vector<1x16xf32>,
      %swap3A_1017 = vector.shape_cast %swap3A_1016 : vector<1x16xf32> to vector<16xf32>
      %swap3A_1018 = vector.shape_cast %get3A_1012 : vector<16xf32> to vector<1x16xf32>
      tpu.vector_store %arg12[%swap3A_1014, %swap3A_1015], %swap3A_1018 {strides = array<i32>} : memref<16x32xf32, #tpu.memory_space<vmem>>, vector<1x16xf32>,
      %slice3A_1019 = vector.extract_strided_slice %and3A_24 {offsets = [10], sizes = [1], strides = [1]} : vector<16xi32> to vector<1xi32>
      %squeeze3A_1020 = vector.extract %slice3A_1019[0] : i32 from vector<1xi32>
      %get3A_1021 = arith.constant 10 : i32
      %get3A_1022 = arith.index_cast %get3A_1021 : i32 to index
      %get3A_1023 = arith.index_cast %squeeze3A_1020 : i32 to index
      %get3A_1024 = arith.constant 0 : index
      %get3A_1025 = tpu.vector_load %arg10[%get3A_1022, %get3A_1023, %get3A_1024] {strides = array<i32>} : memref<16x8x32xf32, #tpu.memory_space<vmem>>, vector<1x1x16xf32>,
      %get3A_1026 = vector.shape_cast %get3A_1025 : vector<1x1x16xf32> to vector<16xf32>
      %swap3A_1027 = arith.constant 10 : i32
      %swap3A_1028 = arith.index_cast %swap3A_1027 : i32 to index
      %swap3A_1029 = arith.constant 0 : index
      %swap3A_1030 = tpu.vector_load %arg12[%swap3A_1028, %swap3A_1029] {strides = array<i32>} : memref<16x32xf32, #tpu.memory_space<vmem>>, vector<1x16xf32>,
      %swap3A_1031 = vector.shape_cast %swap3A_1030 : vector<1x16xf32> to vector<16xf32>
      %swap3A_1032 = vector.shape_cast %get3A_1026 : vector<16xf32> to vector<1x16xf32>
      tpu.vector_store %arg12[%swap3A_1028, %swap3A_1029], %swap3A_1032 {strides = array<i32>} : memref<16x32xf32, #tpu.memory_space<vmem>>, vector<1x16xf32>,
      %get3A_1033 = arith.constant 10 : i32
      %get3A_1034 = arith.index_cast %get3A_1033 : i32 to index
      %get3A_1035 = arith.index_cast %squeeze3A_1020 : i32 to index
      %get3A_1036 = arith.constant 16 : index
      %get3A_1037 = tpu.vector_load %arg10[%get3A_1034, %get3A_1035, %get3A_1036] {strides = array<i32>} : memref<16x8x32xf32, #tpu.memory_space<vmem>>, vector<1x1x16xf32>,
      %get3A_1038 = vector.shape_cast %get3A_1037 : vector<1x1x16xf32> to vector<16xf32>
      %swap3A_1039 = arith.constant 10 : i32
      %swap3A_1040 = arith.index_cast %swap3A_1039 : i32 to index
      %swap3A_1041 = arith.constant 16 : index
      %swap3A_1042 = tpu.vector_load %arg12[%swap3A_1040, %swap3A_1041] {strides = array<i32>} : memref<16x32xf32, #tpu.memory_space<vmem>>, vector<1x16xf32>,
      %swap3A_1043 = vector.shape_cast %swap3A_1042 : vector<1x16xf32> to vector<16xf32>
      %swap3A_1044 = vector.shape_cast %get3A_1038 : vector<16xf32> to vector<1x16xf32>
      tpu.vector_store %arg12[%swap3A_1040, %swap3A_1041], %swap3A_1044 {strides = array<i32>} : memref<16x32xf32, #tpu.memory_space<vmem>>, vector<1x16xf32>,
      %slice3A_1045 = vector.extract_strided_slice %and3A_24 {offsets = [11], sizes = [1], strides = [1]} : vector<16xi32> to vector<1xi32>
      %squeeze3A_1046 = vector.extract %slice3A_1045[0] : i32 from vector<1xi32>
      %get3A_1047 = arith.constant 11 : i32
      %get3A_1048 = arith.index_cast %get3A_1047 : i32 to index
      %get3A_1049 = arith.index_cast %squeeze3A_1046 : i32 to index
      %get3A_1050 = arith.constant 0 : index
      %get3A_1051 = tpu.vector_load %arg10[%get3A_1048, %get3A_1049, %get3A_1050] {strides = array<i32>} : memref<16x8x32xf32, #tpu.memory_space<vmem>>, vector<1x1x16xf32>,
      %get3A_1052 = vector.shape_cast %get3A_1051 : vector<1x1x16xf32> to vector<16xf32>
      %swap3A_1053 = arith.constant 11 : i32
      %swap3A_1054 = arith.index_cast %swap3A_1053 : i32 to index
      %swap3A_1055 = arith.constant 0 : index
      %swap3A_1056 = tpu.vector_load %arg12[%swap3A_1054, %swap3A_1055] {strides = array<i32>} : memref<16x32xf32, #tpu.memory_space<vmem>>, vector<1x16xf32>,
      %swap3A_1057 = vector.shape_cast %swap3A_1056 : vector<1x16xf32> to vector<16xf32>
      %swap3A_1058 = vector.shape_cast %get3A_1052 : vector<16xf32> to vector<1x16xf32>
      tpu.vector_store %arg12[%swap3A_1054, %swap3A_1055], %swap3A_1058 {strides = array<i32>} : memref<16x32xf32, #tpu.memory_space<vmem>>, vector<1x16xf32>,
      %get3A_1059 = arith.constant 11 : i32
      %get3A_1060 = arith.index_cast %get3A_1059 : i32 to index
      %get3A_1061 = arith.index_cast %squeeze3A_1046 : i32 to index
      %get3A_1062 = arith.constant 16 : index
      %get3A_1063 = tpu.vector_load %arg10[%get3A_1060, %get3A_1061, %get3A_1062] {strides = array<i32>} : memref<16x8x32xf32, #tpu.memory_space<vmem>>, vector<1x1x16xf32>,
      %get3A_1064 = vector.shape_cast %get3A_1063 : vector<1x1x16xf32> to vector<16xf32>
      %swap3A_1065 = arith.constant 11 : i32
      %swap3A_1066 = arith.index_cast %swap3A_1065 : i32 to index
      %swap3A_1067 = arith.constant 16 : index
      %swap3A_1068 = tpu.vector_load %arg12[%swap3A_1066, %swap3A_1067] {strides = array<i32>} : memref<16x32xf32, #tpu.memory_space<vmem>>, vector<1x16xf32>,
      %swap3A_1069 = vector.shape_cast %swap3A_1068 : vector<1x16xf32> to vector<16xf32>
      %swap3A_1070 = vector.shape_cast %get3A_1064 : vector<16xf32> to vector<1x16xf32>
      tpu.vector_store %arg12[%swap3A_1066, %swap3A_1067], %swap3A_1070 {strides = array<i32>} : memref<16x32xf32, #tpu.memory_space<vmem>>, vector<1x16xf32>,
      %slice3A_1071 = vector.extract_strided_slice %and3A_24 {offsets = [12], sizes = [1], strides = [1]} : vector<16xi32> to vector<1xi32>
      %squeeze3A_1072 = vector.extract %slice3A_1071[0] : i32 from vector<1xi32>
      %get3A_1073 = arith.constant 12 : i32
      %get3A_1074 = arith.index_cast %get3A_1073 : i32 to index
      %get3A_1075 = arith.index_cast %squeeze3A_1072 : i32 to index
      %get3A_1076 = arith.constant 0 : index
      %get3A_1077 = tpu.vector_load %arg10[%get3A_1074, %get3A_1075, %get3A_1076] {strides = array<i32>} : memref<16x8x32xf32, #tpu.memory_space<vmem>>, vector<1x1x16xf32>,
      %get3A_1078 = vector.shape_cast %get3A_1077 : vector<1x1x16xf32> to vector<16xf32>
      %swap3A_1079 = arith.constant 12 : i32
      %swap3A_1080 = arith.index_cast %swap3A_1079 : i32 to index
      %swap3A_1081 = arith.constant 0 : index
      %swap3A_1082 = tpu.vector_load %arg12[%swap3A_1080, %swap3A_1081] {strides = array<i32>} : memref<16x32xf32, #tpu.memory_space<vmem>>, vector<1x16xf32>,
      %swap3A_1083 = vector.shape_cast %swap3A_1082 : vector<1x16xf32> to vector<16xf32>
      %swap3A_1084 = vector.shape_cast %get3A_1078 : vector<16xf32> to vector<1x16xf32>
      tpu.vector_store %arg12[%swap3A_1080, %swap3A_1081], %swap3A_1084 {strides = array<i32>} : memref<16x32xf32, #tpu.memory_space<vmem>>, vector<1x16xf32>,
      %get3A_1085 = arith.constant 12 : i32
      %get3A_1086 = arith.index_cast %get3A_1085 : i32 to index
      %get3A_1087 = arith.index_cast %squeeze3A_1072 : i32 to index
      %get3A_1088 = arith.constant 16 : index
      %get3A_1089 = tpu.vector_load %arg10[%get3A_1086, %get3A_1087, %get3A_1088] {strides = array<i32>} : memref<16x8x32xf32, #tpu.memory_space<vmem>>, vector<1x1x16xf32>,
      %get3A_1090 = vector.shape_cast %get3A_1089 : vector<1x1x16xf32> to vector<16xf32>
      %swap3A_1091 = arith.constant 12 : i32
      %swap3A_1092 = arith.index_cast %swap3A_1091 : i32 to index
      %swap3A_1093 = arith.constant 16 : index
      %swap3A_1094 = tpu.vector_load %arg12[%swap3A_1092, %swap3A_1093] {strides = array<i32>} : memref<16x32xf32, #tpu.memory_space<vmem>>, vector<1x16xf32>,
      %swap3A_1095 = vector.shape_cast %swap3A_1094 : vector<1x16xf32> to vector<16xf32>
      %swap3A_1096 = vector.shape_cast %get3A_1090 : vector<16xf32> to vector<1x16xf32>
      tpu.vector_store %arg12[%swap3A_1092, %swap3A_1093], %swap3A_1096 {strides = array<i32>} : memref<16x32xf32, #tpu.memory_space<vmem>>, vector<1x16xf32>,
      %slice3A_1097 = vector.extract_strided_slice %and3A_24 {offsets = [13], sizes = [1], strides = [1]} : vector<16xi32> to vector<1xi32>
      %squeeze3A_1098 = vector.extract %slice3A_1097[0] : i32 from vector<1xi32>
      %get3A_1099 = arith.constant 13 : i32
      %get3A_1100 = arith.index_cast %get3A_1099 : i32 to index
      %get3A_1101 = arith.index_cast %squeeze3A_1098 : i32 to index
      %get3A_1102 = arith.constant 0 : index
      %get3A_1103 = tpu.vector_load %arg10[%get3A_1100, %get3A_1101, %get3A_1102] {strides = array<i32>} : memref<16x8x32xf32, #tpu.memory_space<vmem>>, vector<1x1x16xf32>,
      %get3A_1104 = vector.shape_cast %get3A_1103 : vector<1x1x16xf32> to vector<16xf32>
      %swap3A_1105 = arith.constant 13 : i32
      %swap3A_1106 = arith.index_cast %swap3A_1105 : i32 to index
      %swap3A_1107 = arith.constant 0 : index
      %swap3A_1108 = tpu.vector_load %arg12[%swap3A_1106, %swap3A_1107] {strides = array<i32>} : memref<16x32xf32, #tpu.memory_space<vmem>>, vector<1x16xf32>,
      %swap3A_1109 = vector.shape_cast %swap3A_1108 : vector<1x16xf32> to vector<16xf32>
      %swap3A_1110 = vector.shape_cast %get3A_1104 : vector<16xf32> to vector<1x16xf32>
      tpu.vector_store %arg12[%swap3A_1106, %swap3A_1107], %swap3A_1110 {strides = array<i32>} : memref<16x32xf32, #tpu.memory_space<vmem>>, vector<1x16xf32>,
      %get3A_1111 = arith.constant 13 : i32
      %get3A_1112 = arith.index_cast %get3A_1111 : i32 to index
      %get3A_1113 = arith.index_cast %squeeze3A_1098 : i32 to index
      %get3A_1114 = arith.constant 16 : index
      %get3A_1115 = tpu.vector_load %arg10[%get3A_1112, %get3A_1113, %get3A_1114] {strides = array<i32>} : memref<16x8x32xf32, #tpu.memory_space<vmem>>, vector<1x1x16xf32>,
      %get3A_1116 = vector.shape_cast %get3A_1115 : vector<1x1x16xf32> to vector<16xf32>
      %swap3A_1117 = arith.constant 13 : i32
      %swap3A_1118 = arith.index_cast %swap3A_1117 : i32 to index
      %swap3A_1119 = arith.constant 16 : index
      %swap3A_1120 = tpu.vector_load %arg12[%swap3A_1118, %swap3A_1119] {strides = array<i32>} : memref<16x32xf32, #tpu.memory_space<vmem>>, vector<1x16xf32>,
      %swap3A_1121 = vector.shape_cast %swap3A_1120 : vector<1x16xf32> to vector<16xf32>
      %swap3A_1122 = vector.shape_cast %get3A_1116 : vector<16xf32> to vector<1x16xf32>
      tpu.vector_store %arg12[%swap3A_1118, %swap3A_1119], %swap3A_1122 {strides = array<i32>} : memref<16x32xf32, #tpu.memory_space<vmem>>, vector<1x16xf32>,
      %slice3A_1123 = vector.extract_strided_slice %and3A_24 {offsets = [14], sizes = [1], strides = [1]} : vector<16xi32> to vector<1xi32>
      %squeeze3A_1124 = vector.extract %slice3A_1123[0] : i32 from vector<1xi32>
      %get3A_1125 = arith.constant 14 : i32
      %get3A_1126 = arith.index_cast %get3A_1125 : i32 to index
      %get3A_1127 = arith.index_cast %squeeze3A_1124 : i32 to index
      %get3A_1128 = arith.constant 0 : index
      %get3A_1129 = tpu.vector_load %arg10[%get3A_1126, %get3A_1127, %get3A_1128] {strides = array<i32>} : memref<16x8x32xf32, #tpu.memory_space<vmem>>, vector<1x1x16xf32>,
      %get3A_1130 = vector.shape_cast %get3A_1129 : vector<1x1x16xf32> to vector<16xf32>
      %swap3A_1131 = arith.constant 14 : i32
      %swap3A_1132 = arith.index_cast %swap3A_1131 : i32 to index
      %swap3A_1133 = arith.constant 0 : index
      %swap3A_1134 = tpu.vector_load %arg12[%swap3A_1132, %swap3A_1133] {strides = array<i32>} : memref<16x32xf32, #tpu.memory_space<vmem>>, vector<1x16xf32>,
      %swap3A_1135 = vector.shape_cast %swap3A_1134 : vector<1x16xf32> to vector<16xf32>
      %swap3A_1136 = vector.shape_cast %get3A_1130 : vector<16xf32> to vector<1x16xf32>
      tpu.vector_store %arg12[%swap3A_1132, %swap3A_1133], %swap3A_1136 {strides = array<i32>} : memref<16x32xf32, #tpu.memory_space<vmem>>, vector<1x16xf32>,
      %get3A_1137 = arith.constant 14 : i32
      %get3A_1138 = arith.index_cast %get3A_1137 : i32 to index
      %get3A_1139 = arith.index_cast %squeeze3A_1124 : i32 to index
      %get3A_1140 = arith.constant 16 : index
      %get3A_1141 = tpu.vector_load %arg10[%get3A_1138, %get3A_1139, %get3A_1140] {strides = array<i32>} : memref<16x8x32xf32, #tpu.memory_space<vmem>>, vector<1x1x16xf32>,
      %get3A_1142 = vector.shape_cast %get3A_1141 : vector<1x1x16xf32> to vector<16xf32>
      %swap3A_1143 = arith.constant 14 : i32
      %swap3A_1144 = arith.index_cast %swap3A_1143 : i32 to index
      %swap3A_1145 = arith.constant 16 : index
      %swap3A_1146 = tpu.vector_load %arg12[%swap3A_1144, %swap3A_1145] {strides = array<i32>} : memref<16x32xf32, #tpu.memory_space<vmem>>, vector<1x16xf32>,
      %swap3A_1147 = vector.shape_cast %swap3A_1146 : vector<1x16xf32> to vector<16xf32>
      %swap3A_1148 = vector.shape_cast %get3A_1142 : vector<16xf32> to vector<1x16xf32>
      tpu.vector_store %arg12[%swap3A_1144, %swap3A_1145], %swap3A_1148 {strides = array<i32>} : memref<16x32xf32, #tpu.memory_space<vmem>>, vector<1x16xf32>,
      %slice3A_1149 = vector.extract_strided_slice %and3A_24 {offsets = [15], sizes = [1], strides = [1]} : vector<16xi32> to vector<1xi32>
      %squeeze3A_1150 = vector.extract %slice3A_1149[0] : i32 from vector<1xi32>
      %get3A_1151 = arith.constant 15 : i32
      %get3A_1152 = arith.index_cast %get3A_1151 : i32 to index
      %get3A_1153 = arith.index_cast %squeeze3A_1150 : i32 to index
      %get3A_1154 = arith.constant 0 : index
      %get3A_1155 = tpu.vector_load %arg10[%get3A_1152, %get3A_1153, %get3A_1154] {strides = array<i32>} : memref<16x8x32xf32, #tpu.memory_space<vmem>>, vector<1x1x16xf32>,
      %get3A_1156 = vector.shape_cast %get3A_1155 : vector<1x1x16xf32> to vector<16xf32>
      %swap3A_1157 = arith.constant 15 : i32
      %swap3A_1158 = arith.index_cast %swap3A_1157 : i32 to index
      %swap3A_1159 = arith.constant 0 : index
      %swap3A_1160 = tpu.vector_load %arg12[%swap3A_1158, %swap3A_1159] {strides = array<i32>} : memref<16x32xf32, #tpu.memory_space<vmem>>, vector<1x16xf32>,
      %swap3A_1161 = vector.shape_cast %swap3A_1160 : vector<1x16xf32> to vector<16xf32>
      %swap3A_1162 = vector.shape_cast %get3A_1156 : vector<16xf32> to vector<1x16xf32>
      tpu.vector_store %arg12[%swap3A_1158, %swap3A_1159], %swap3A_1162 {strides = array<i32>} : memref<16x32xf32, #tpu.memory_space<vmem>>, vector<1x16xf32>,
      %get3A_1163 = arith.constant 15 : i32
      %get3A_1164 = arith.index_cast %get3A_1163 : i32 to index
      %get3A_1165 = arith.index_cast %squeeze3A_1150 : i32 to index
      %get3A_1166 = arith.constant 16 : index
      %get3A_1167 = tpu.vector_load %arg10[%get3A_1164, %get3A_1165, %get3A_1166] {strides = array<i32>} : memref<16x8x32xf32, #tpu.memory_space<vmem>>, vector<1x1x16xf32>,
      %get3A_1168 = vector.shape_cast %get3A_1167 : vector<1x1x16xf32> to vector<16xf32>
      %swap3A_1169 = arith.constant 15 : i32
      %swap3A_1170 = arith.index_cast %swap3A_1169 : i32 to index
      %swap3A_1171 = arith.constant 16 : index
      %swap3A_1172 = tpu.vector_load %arg12[%swap3A_1170, %swap3A_1171] {strides = array<i32>} : memref<16x32xf32, #tpu.memory_space<vmem>>, vector<1x16xf32>,
      %swap3A_1173 = vector.shape_cast %swap3A_1172 : vector<1x16xf32> to vector<16xf32>
      %swap3A_1174 = vector.shape_cast %get3A_1168 : vector<16xf32> to vector<1x16xf32>
      tpu.vector_store %arg12[%swap3A_1170, %swap3A_1171], %swap3A_1174 {strides = array<i32>} : memref<16x32xf32, #tpu.memory_space<vmem>>, vector<1x16xf32>,
      %mul3A_1175 = arith.constant 16 : i32
      %mul3A_1176 = arith.muli %scan3A_8, %mul3A_1175 : i32
      %add3A_1177 = arith.addi %mul3A_2, %mul3A_1176 : i32
      "tpu.region"() ({
        %run_scoped3A = tpu.sem_alloc : memref<!tpu.dma_semaphore, #tpu.memory_space<semaphore_mem>>
        %dma_start3A_1821 = arith.constant 0 : i32
        %dma_start3A_1822 = tpu.memref_slice %arg6[%add3A_1177, %dma_start3A_1821] : memref<16384x32xf32, #tpu.memory_space<hbm>> -> memref<16x32xf32, #tpu.memory_space<hbm>>
        %dma_start3A_1823 = arith.constant 0 : i32
        %dma_start3A_1824 = tpu.memref_slice %arg6[%add3A_1177, %dma_start3A_1823] : memref<16384x32xf32, #tpu.memory_space<hbm>> -> memref<16x32xf32, #tpu.memory_space<hbm>>
        tpu.enqueue_dma source(%arg12 : memref<16x32xf32, #tpu.memory_space<vmem>>) target(%dma_start3A_1824 : memref<16x32xf32, #tpu.memory_space<hbm>>) target_semaphore(%run_scoped3A : memref<!tpu.dma_semaphore, #tpu.memory_space<semaphore_mem>>)
        %dma_wait3A_1825 = arith.constant 0 : i32
        %dma_wait3A_1826 = tpu.memref_slice %arg6[%add3A_1177, %dma_wait3A_1825] : memref<16384x32xf32, #tpu.memory_space<hbm>> -> memref<16x32xf32, #tpu.memory_space<hbm>>
        %dma_wait3A_1827 = arith.constant 0 : i32
        %dma_wait3A_1828 = tpu.memref_slice %arg6[%add3A_1177, %dma_wait3A_1827] : memref<16384x32xf32, #tpu.memory_space<hbm>> -> memref<16x32xf32, #tpu.memory_space<hbm>>
        tpu.wait_dma2 semaphore(%run_scoped3A : memref<!tpu.dma_semaphore, #tpu.memory_space<semaphore_mem>>) src(%arg12 : memref<16x32xf32, #tpu.memory_space<vmem>>) dst(%dma_wait3A_1828 : memref<16x32xf32, #tpu.memory_space<hbm>>)
        tpu.yield
      }) : () -> ()
      %dma_wait3A_1178 = arith.constant 0 : i32
      %dma_wait3A_1179 = arith.constant 0 : i32
      %dma_wait3A_1180 = arith.constant 0 : i32
      %dma_wait3A_1181 = tpu.memref_slice %arg11[%dma_wait3A_1178, %dma_wait3A_1179, %dma_wait3A_1180] : memref<16x8x32xf32, #tpu.memory_space<vmem>> -> memref<1x8x32xf32, #tpu.memory_space<vmem>>
      %dma_wait3A_1182 = arith.constant 0 : i32
      %dma_wait3A_1183 = arith.constant 0 : i32
      %dma_wait3A_1184 = tpu.memref_slice %arg5[%squeeze3A_282, %dma_wait3A_1182, %dma_wait3A_1183] : memref<12500x8x32xf32, #tpu.memory_space<hbm>> -> memref<1x8x32xf32, #tpu.memory_space<hbm>>
      %dma_wait3A_1185 = arith.constant 0 : i32
      %dma_wait3A_1186 = arith.constant 0 : i32
      %dma_wait3A_1187 = arith.constant 0 : i32
      %dma_wait3A_1188 = tpu.memref_slice %arg11[%dma_wait3A_1185, %dma_wait3A_1186, %dma_wait3A_1187] : memref<16x8x32xf32, #tpu.memory_space<vmem>> -> memref<1x8x32xf32, #tpu.memory_space<vmem>>
      %dma_wait3A_1189 = arith.constant 0 : i32
      %dma_wait3A_1190 = arith.constant 0 : i32
      %dma_wait3A_1191 = tpu.memref_slice %arg5[%squeeze3A_282, %dma_wait3A_1189, %dma_wait3A_1190] : memref<12500x8x32xf32, #tpu.memory_space<hbm>> -> memref<1x8x32xf32, #tpu.memory_space<hbm>>
      tpu.wait_dma2 semaphore(%arg15 : memref<!tpu.dma_semaphore, #tpu.memory_space<semaphore_mem>>) src(%dma_wait3A_1191 : memref<1x8x32xf32, #tpu.memory_space<hbm>>) dst(%dma_wait3A_1188 : memref<1x8x32xf32, #tpu.memory_space<vmem>>)
      %dma_wait3A_1192 = arith.constant 1 : i32
      %dma_wait3A_1193 = arith.constant 0 : i32
      %dma_wait3A_1194 = arith.constant 0 : i32
      %dma_wait3A_1195 = tpu.memref_slice %arg11[%dma_wait3A_1192, %dma_wait3A_1193, %dma_wait3A_1194] : memref<16x8x32xf32, #tpu.memory_space<vmem>> -> memref<1x8x32xf32, #tpu.memory_space<vmem>>
      %dma_wait3A_1196 = arith.constant 0 : i32
      %dma_wait3A_1197 = arith.constant 0 : i32
      %dma_wait3A_1198 = tpu.memref_slice %arg5[%squeeze3A_298, %dma_wait3A_1196, %dma_wait3A_1197] : memref<12500x8x32xf32, #tpu.memory_space<hbm>> -> memref<1x8x32xf32, #tpu.memory_space<hbm>>
      %dma_wait3A_1199 = arith.constant 1 : i32
      %dma_wait3A_1200 = arith.constant 0 : i32
      %dma_wait3A_1201 = arith.constant 0 : i32
      %dma_wait3A_1202 = tpu.memref_slice %arg11[%dma_wait3A_1199, %dma_wait3A_1200, %dma_wait3A_1201] : memref<16x8x32xf32, #tpu.memory_space<vmem>> -> memref<1x8x32xf32, #tpu.memory_space<vmem>>
      %dma_wait3A_1203 = arith.constant 0 : i32
      %dma_wait3A_1204 = arith.constant 0 : i32
      %dma_wait3A_1205 = tpu.memref_slice %arg5[%squeeze3A_298, %dma_wait3A_1203, %dma_wait3A_1204] : memref<12500x8x32xf32, #tpu.memory_space<hbm>> -> memref<1x8x32xf32, #tpu.memory_space<hbm>>
      tpu.wait_dma2 semaphore(%arg15 : memref<!tpu.dma_semaphore, #tpu.memory_space<semaphore_mem>>) src(%dma_wait3A_1205 : memref<1x8x32xf32, #tpu.memory_space<hbm>>) dst(%dma_wait3A_1202 : memref<1x8x32xf32, #tpu.memory_space<vmem>>)
      %dma_wait3A_1206 = arith.constant 2 : i32
      %dma_wait3A_1207 = arith.constant 0 : i32
      %dma_wait3A_1208 = arith.constant 0 : i32
      %dma_wait3A_1209 = tpu.memref_slice %arg11[%dma_wait3A_1206, %dma_wait3A_1207, %dma_wait3A_1208] : memref<16x8x32xf32, #tpu.memory_space<vmem>> -> memref<1x8x32xf32, #tpu.memory_space<vmem>>
      %dma_wait3A_1210 = arith.constant 0 : i32
      %dma_wait3A_1211 = arith.constant 0 : i32
      %dma_wait3A_1212 = tpu.memref_slice %arg5[%squeeze3A_314, %dma_wait3A_1210, %dma_wait3A_1211] : memref<12500x8x32xf32, #tpu.memory_space<hbm>> -> memref<1x8x32xf32, #tpu.memory_space<hbm>>
      %dma_wait3A_1213 = arith.constant 2 : i32
      %dma_wait3A_1214 = arith.constant 0 : i32
      %dma_wait3A_1215 = arith.constant 0 : i32
      %dma_wait3A_1216 = tpu.memref_slice %arg11[%dma_wait3A_1213, %dma_wait3A_1214, %dma_wait3A_1215] : memref<16x8x32xf32, #tpu.memory_space<vmem>> -> memref<1x8x32xf32, #tpu.memory_space<vmem>>
      %dma_wait3A_1217 = arith.constant 0 : i32
      %dma_wait3A_1218 = arith.constant 0 : i32
      %dma_wait3A_1219 = tpu.memref_slice %arg5[%squeeze3A_314, %dma_wait3A_1217, %dma_wait3A_1218] : memref<12500x8x32xf32, #tpu.memory_space<hbm>> -> memref<1x8x32xf32, #tpu.memory_space<hbm>>
      tpu.wait_dma2 semaphore(%arg15 : memref<!tpu.dma_semaphore, #tpu.memory_space<semaphore_mem>>) src(%dma_wait3A_1219 : memref<1x8x32xf32, #tpu.memory_space<hbm>>) dst(%dma_wait3A_1216 : memref<1x8x32xf32, #tpu.memory_space<vmem>>)
      %dma_wait3A_1220 = arith.constant 3 : i32
      %dma_wait3A_1221 = arith.constant 0 : i32
      %dma_wait3A_1222 = arith.constant 0 : i32
      %dma_wait3A_1223 = tpu.memref_slice %arg11[%dma_wait3A_1220, %dma_wait3A_1221, %dma_wait3A_1222] : memref<16x8x32xf32, #tpu.memory_space<vmem>> -> memref<1x8x32xf32, #tpu.memory_space<vmem>>
      %dma_wait3A_1224 = arith.constant 0 : i32
      %dma_wait3A_1225 = arith.constant 0 : i32
      %dma_wait3A_1226 = tpu.memref_slice %arg5[%squeeze3A_330, %dma_wait3A_1224, %dma_wait3A_1225] : memref<12500x8x32xf32, #tpu.memory_space<hbm>> -> memref<1x8x32xf32, #tpu.memory_space<hbm>>
      %dma_wait3A_1227 = arith.constant 3 : i32
      %dma_wait3A_1228 = arith.constant 0 : i32
      %dma_wait3A_1229 = arith.constant 0 : i32
      %dma_wait3A_1230 = tpu.memref_slice %arg11[%dma_wait3A_1227, %dma_wait3A_1228, %dma_wait3A_1229] : memref<16x8x32xf32, #tpu.memory_space<vmem>> -> memref<1x8x32xf32, #tpu.memory_space<vmem>>
      %dma_wait3A_1231 = arith.constant 0 : i32
      %dma_wait3A_1232 = arith.constant 0 : i32
      %dma_wait3A_1233 = tpu.memref_slice %arg5[%squeeze3A_330, %dma_wait3A_1231, %dma_wait3A_1232] : memref<12500x8x32xf32, #tpu.memory_space<hbm>> -> memref<1x8x32xf32, #tpu.memory_space<hbm>>
      tpu.wait_dma2 semaphore(%arg15 : memref<!tpu.dma_semaphore, #tpu.memory_space<semaphore_mem>>) src(%dma_wait3A_1233 : memref<1x8x32xf32, #tpu.memory_space<hbm>>) dst(%dma_wait3A_1230 : memref<1x8x32xf32, #tpu.memory_space<vmem>>)
      %dma_wait3A_1234 = arith.constant 4 : i32
      %dma_wait3A_1235 = arith.constant 0 : i32
      %dma_wait3A_1236 = arith.constant 0 : i32
      %dma_wait3A_1237 = tpu.memref_slice %arg11[%dma_wait3A_1234, %dma_wait3A_1235, %dma_wait3A_1236] : memref<16x8x32xf32, #tpu.memory_space<vmem>> -> memref<1x8x32xf32, #tpu.memory_space<vmem>>
      %dma_wait3A_1238 = arith.constant 0 : i32
      %dma_wait3A_1239 = arith.constant 0 : i32
      %dma_wait3A_1240 = tpu.memref_slice %arg5[%squeeze3A_346, %dma_wait3A_1238, %dma_wait3A_1239] : memref<12500x8x32xf32, #tpu.memory_space<hbm>> -> memref<1x8x32xf32, #tpu.memory_space<hbm>>
      %dma_wait3A_1241 = arith.constant 4 : i32
      %dma_wait3A_1242 = arith.constant 0 : i32
      %dma_wait3A_1243 = arith.constant 0 : i32
      %dma_wait3A_1244 = tpu.memref_slice %arg11[%dma_wait3A_1241, %dma_wait3A_1242, %dma_wait3A_1243] : memref<16x8x32xf32, #tpu.memory_space<vmem>> -> memref<1x8x32xf32, #tpu.memory_space<vmem>>
      %dma_wait3A_1245 = arith.constant 0 : i32
      %dma_wait3A_1246 = arith.constant 0 : i32
      %dma_wait3A_1247 = tpu.memref_slice %arg5[%squeeze3A_346, %dma_wait3A_1245, %dma_wait3A_1246] : memref<12500x8x32xf32, #tpu.memory_space<hbm>> -> memref<1x8x32xf32, #tpu.memory_space<hbm>>
      tpu.wait_dma2 semaphore(%arg15 : memref<!tpu.dma_semaphore, #tpu.memory_space<semaphore_mem>>) src(%dma_wait3A_1247 : memref<1x8x32xf32, #tpu.memory_space<hbm>>) dst(%dma_wait3A_1244 : memref<1x8x32xf32, #tpu.memory_space<vmem>>)
      %dma_wait3A_1248 = arith.constant 5 : i32
      %dma_wait3A_1249 = arith.constant 0 : i32
      %dma_wait3A_1250 = arith.constant 0 : i32
      %dma_wait3A_1251 = tpu.memref_slice %arg11[%dma_wait3A_1248, %dma_wait3A_1249, %dma_wait3A_1250] : memref<16x8x32xf32, #tpu.memory_space<vmem>> -> memref<1x8x32xf32, #tpu.memory_space<vmem>>
      %dma_wait3A_1252 = arith.constant 0 : i32
      %dma_wait3A_1253 = arith.constant 0 : i32
      %dma_wait3A_1254 = tpu.memref_slice %arg5[%squeeze3A_362, %dma_wait3A_1252, %dma_wait3A_1253] : memref<12500x8x32xf32, #tpu.memory_space<hbm>> -> memref<1x8x32xf32, #tpu.memory_space<hbm>>
      %dma_wait3A_1255 = arith.constant 5 : i32
      %dma_wait3A_1256 = arith.constant 0 : i32
      %dma_wait3A_1257 = arith.constant 0 : i32
      %dma_wait3A_1258 = tpu.memref_slice %arg11[%dma_wait3A_1255, %dma_wait3A_1256, %dma_wait3A_1257] : memref<16x8x32xf32, #tpu.memory_space<vmem>> -> memref<1x8x32xf32, #tpu.memory_space<vmem>>
      %dma_wait3A_1259 = arith.constant 0 : i32
      %dma_wait3A_1260 = arith.constant 0 : i32
      %dma_wait3A_1261 = tpu.memref_slice %arg5[%squeeze3A_362, %dma_wait3A_1259, %dma_wait3A_1260] : memref<12500x8x32xf32, #tpu.memory_space<hbm>> -> memref<1x8x32xf32, #tpu.memory_space<hbm>>
      tpu.wait_dma2 semaphore(%arg15 : memref<!tpu.dma_semaphore, #tpu.memory_space<semaphore_mem>>) src(%dma_wait3A_1261 : memref<1x8x32xf32, #tpu.memory_space<hbm>>) dst(%dma_wait3A_1258 : memref<1x8x32xf32, #tpu.memory_space<vmem>>)
      %dma_wait3A_1262 = arith.constant 6 : i32
      %dma_wait3A_1263 = arith.constant 0 : i32
      %dma_wait3A_1264 = arith.constant 0 : i32
      %dma_wait3A_1265 = tpu.memref_slice %arg11[%dma_wait3A_1262, %dma_wait3A_1263, %dma_wait3A_1264] : memref<16x8x32xf32, #tpu.memory_space<vmem>> -> memref<1x8x32xf32, #tpu.memory_space<vmem>>
      %dma_wait3A_1266 = arith.constant 0 : i32
      %dma_wait3A_1267 = arith.constant 0 : i32
      %dma_wait3A_1268 = tpu.memref_slice %arg5[%squeeze3A_378, %dma_wait3A_1266, %dma_wait3A_1267] : memref<12500x8x32xf32, #tpu.memory_space<hbm>> -> memref<1x8x32xf32, #tpu.memory_space<hbm>>
      %dma_wait3A_1269 = arith.constant 6 : i32
      %dma_wait3A_1270 = arith.constant 0 : i32
      %dma_wait3A_1271 = arith.constant 0 : i32
      %dma_wait3A_1272 = tpu.memref_slice %arg11[%dma_wait3A_1269, %dma_wait3A_1270, %dma_wait3A_1271] : memref<16x8x32xf32, #tpu.memory_space<vmem>> -> memref<1x8x32xf32, #tpu.memory_space<vmem>>
      %dma_wait3A_1273 = arith.constant 0 : i32
      %dma_wait3A_1274 = arith.constant 0 : i32
      %dma_wait3A_1275 = tpu.memref_slice %arg5[%squeeze3A_378, %dma_wait3A_1273, %dma_wait3A_1274] : memref<12500x8x32xf32, #tpu.memory_space<hbm>> -> memref<1x8x32xf32, #tpu.memory_space<hbm>>
      tpu.wait_dma2 semaphore(%arg15 : memref<!tpu.dma_semaphore, #tpu.memory_space<semaphore_mem>>) src(%dma_wait3A_1275 : memref<1x8x32xf32, #tpu.memory_space<hbm>>) dst(%dma_wait3A_1272 : memref<1x8x32xf32, #tpu.memory_space<vmem>>)
      %dma_wait3A_1276 = arith.constant 7 : i32
      %dma_wait3A_1277 = arith.constant 0 : i32
      %dma_wait3A_1278 = arith.constant 0 : i32
      %dma_wait3A_1279 = tpu.memref_slice %arg11[%dma_wait3A_1276, %dma_wait3A_1277, %dma_wait3A_1278] : memref<16x8x32xf32, #tpu.memory_space<vmem>> -> memref<1x8x32xf32, #tpu.memory_space<vmem>>
      %dma_wait3A_1280 = arith.constant 0 : i32
      %dma_wait3A_1281 = arith.constant 0 : i32
      %dma_wait3A_1282 = tpu.memref_slice %arg5[%squeeze3A_394, %dma_wait3A_1280, %dma_wait3A_1281] : memref<12500x8x32xf32, #tpu.memory_space<hbm>> -> memref<1x8x32xf32, #tpu.memory_space<hbm>>
      %dma_wait3A_1283 = arith.constant 7 : i32
      %dma_wait3A_1284 = arith.constant 0 : i32
      %dma_wait3A_1285 = arith.constant 0 : i32
      %dma_wait3A_1286 = tpu.memref_slice %arg11[%dma_wait3A_1283, %dma_wait3A_1284, %dma_wait3A_1285] : memref<16x8x32xf32, #tpu.memory_space<vmem>> -> memref<1x8x32xf32, #tpu.memory_space<vmem>>
      %dma_wait3A_1287 = arith.constant 0 : i32
      %dma_wait3A_1288 = arith.constant 0 : i32
      %dma_wait3A_1289 = tpu.memref_slice %arg5[%squeeze3A_394, %dma_wait3A_1287, %dma_wait3A_1288] : memref<12500x8x32xf32, #tpu.memory_space<hbm>> -> memref<1x8x32xf32, #tpu.memory_space<hbm>>
      tpu.wait_dma2 semaphore(%arg15 : memref<!tpu.dma_semaphore, #tpu.memory_space<semaphore_mem>>) src(%dma_wait3A_1289 : memref<1x8x32xf32, #tpu.memory_space<hbm>>) dst(%dma_wait3A_1286 : memref<1x8x32xf32, #tpu.memory_space<vmem>>)
      %dma_wait3A_1290 = arith.constant 8 : i32
      %dma_wait3A_1291 = arith.constant 0 : i32
      %dma_wait3A_1292 = arith.constant 0 : i32
      %dma_wait3A_1293 = tpu.memref_slice %arg11[%dma_wait3A_1290, %dma_wait3A_1291, %dma_wait3A_1292] : memref<16x8x32xf32, #tpu.memory_space<vmem>> -> memref<1x8x32xf32, #tpu.memory_space<vmem>>
      %dma_wait3A_1294 = arith.constant 0 : i32
      %dma_wait3A_1295 = arith.constant 0 : i32
      %dma_wait3A_1296 = tpu.memref_slice %arg5[%squeeze3A_410, %dma_wait3A_1294, %dma_wait3A_1295] : memref<12500x8x32xf32, #tpu.memory_space<hbm>> -> memref<1x8x32xf32, #tpu.memory_space<hbm>>
      %dma_wait3A_1297 = arith.constant 8 : i32
      %dma_wait3A_1298 = arith.constant 0 : i32
      %dma_wait3A_1299 = arith.constant 0 : i32
      %dma_wait3A_1300 = tpu.memref_slice %arg11[%dma_wait3A_1297, %dma_wait3A_1298, %dma_wait3A_1299] : memref<16x8x32xf32, #tpu.memory_space<vmem>> -> memref<1x8x32xf32, #tpu.memory_space<vmem>>
      %dma_wait3A_1301 = arith.constant 0 : i32
      %dma_wait3A_1302 = arith.constant 0 : i32
      %dma_wait3A_1303 = tpu.memref_slice %arg5[%squeeze3A_410, %dma_wait3A_1301, %dma_wait3A_1302] : memref<12500x8x32xf32, #tpu.memory_space<hbm>> -> memref<1x8x32xf32, #tpu.memory_space<hbm>>
      tpu.wait_dma2 semaphore(%arg15 : memref<!tpu.dma_semaphore, #tpu.memory_space<semaphore_mem>>) src(%dma_wait3A_1303 : memref<1x8x32xf32, #tpu.memory_space<hbm>>) dst(%dma_wait3A_1300 : memref<1x8x32xf32, #tpu.memory_space<vmem>>)
      %dma_wait3A_1304 = arith.constant 9 : i32
      %dma_wait3A_1305 = arith.constant 0 : i32
      %dma_wait3A_1306 = arith.constant 0 : i32
      %dma_wait3A_1307 = tpu.memref_slice %arg11[%dma_wait3A_1304, %dma_wait3A_1305, %dma_wait3A_1306] : memref<16x8x32xf32, #tpu.memory_space<vmem>> -> memref<1x8x32xf32, #tpu.memory_space<vmem>>
      %dma_wait3A_1308 = arith.constant 0 : i32
      %dma_wait3A_1309 = arith.constant 0 : i32
      %dma_wait3A_1310 = tpu.memref_slice %arg5[%squeeze3A_426, %dma_wait3A_1308, %dma_wait3A_1309] : memref<12500x8x32xf32, #tpu.memory_space<hbm>> -> memref<1x8x32xf32, #tpu.memory_space<hbm>>
      %dma_wait3A_1311 = arith.constant 9 : i32
      %dma_wait3A_1312 = arith.constant 0 : i32
      %dma_wait3A_1313 = arith.constant 0 : i32
      %dma_wait3A_1314 = tpu.memref_slice %arg11[%dma_wait3A_1311, %dma_wait3A_1312, %dma_wait3A_1313] : memref<16x8x32xf32, #tpu.memory_space<vmem>> -> memref<1x8x32xf32, #tpu.memory_space<vmem>>
      %dma_wait3A_1315 = arith.constant 0 : i32
      %dma_wait3A_1316 = arith.constant 0 : i32
      %dma_wait3A_1317 = tpu.memref_slice %arg5[%squeeze3A_426, %dma_wait3A_1315, %dma_wait3A_1316] : memref<12500x8x32xf32, #tpu.memory_space<hbm>> -> memref<1x8x32xf32, #tpu.memory_space<hbm>>
      tpu.wait_dma2 semaphore(%arg15 : memref<!tpu.dma_semaphore, #tpu.memory_space<semaphore_mem>>) src(%dma_wait3A_1317 : memref<1x8x32xf32, #tpu.memory_space<hbm>>) dst(%dma_wait3A_1314 : memref<1x8x32xf32, #tpu.memory_space<vmem>>)
      %dma_wait3A_1318 = arith.constant 10 : i32
      %dma_wait3A_1319 = arith.constant 0 : i32
      %dma_wait3A_1320 = arith.constant 0 : i32
      %dma_wait3A_1321 = tpu.memref_slice %arg11[%dma_wait3A_1318, %dma_wait3A_1319, %dma_wait3A_1320] : memref<16x8x32xf32, #tpu.memory_space<vmem>> -> memref<1x8x32xf32, #tpu.memory_space<vmem>>
      %dma_wait3A_1322 = arith.constant 0 : i32
      %dma_wait3A_1323 = arith.constant 0 : i32
      %dma_wait3A_1324 = tpu.memref_slice %arg5[%squeeze3A_442, %dma_wait3A_1322, %dma_wait3A_1323] : memref<12500x8x32xf32, #tpu.memory_space<hbm>> -> memref<1x8x32xf32, #tpu.memory_space<hbm>>
      %dma_wait3A_1325 = arith.constant 10 : i32
      %dma_wait3A_1326 = arith.constant 0 : i32
      %dma_wait3A_1327 = arith.constant 0 : i32
      %dma_wait3A_1328 = tpu.memref_slice %arg11[%dma_wait3A_1325, %dma_wait3A_1326, %dma_wait3A_1327] : memref<16x8x32xf32, #tpu.memory_space<vmem>> -> memref<1x8x32xf32, #tpu.memory_space<vmem>>
      %dma_wait3A_1329 = arith.constant 0 : i32
      %dma_wait3A_1330 = arith.constant 0 : i32
      %dma_wait3A_1331 = tpu.memref_slice %arg5[%squeeze3A_442, %dma_wait3A_1329, %dma_wait3A_1330] : memref<12500x8x32xf32, #tpu.memory_space<hbm>> -> memref<1x8x32xf32, #tpu.memory_space<hbm>>
      tpu.wait_dma2 semaphore(%arg15 : memref<!tpu.dma_semaphore, #tpu.memory_space<semaphore_mem>>) src(%dma_wait3A_1331 : memref<1x8x32xf32, #tpu.memory_space<hbm>>) dst(%dma_wait3A_1328 : memref<1x8x32xf32, #tpu.memory_space<vmem>>)
      %dma_wait3A_1332 = arith.constant 11 : i32
      %dma_wait3A_1333 = arith.constant 0 : i32
      %dma_wait3A_1334 = arith.constant 0 : i32
      %dma_wait3A_1335 = tpu.memref_slice %arg11[%dma_wait3A_1332, %dma_wait3A_1333, %dma_wait3A_1334] : memref<16x8x32xf32, #tpu.memory_space<vmem>> -> memref<1x8x32xf32, #tpu.memory_space<vmem>>
      %dma_wait3A_1336 = arith.constant 0 : i32
      %dma_wait3A_1337 = arith.constant 0 : i32
      %dma_wait3A_1338 = tpu.memref_slice %arg5[%squeeze3A_458, %dma_wait3A_1336, %dma_wait3A_1337] : memref<12500x8x32xf32, #tpu.memory_space<hbm>> -> memref<1x8x32xf32, #tpu.memory_space<hbm>>
      %dma_wait3A_1339 = arith.constant 11 : i32
      %dma_wait3A_1340 = arith.constant 0 : i32
      %dma_wait3A_1341 = arith.constant 0 : i32
      %dma_wait3A_1342 = tpu.memref_slice %arg11[%dma_wait3A_1339, %dma_wait3A_1340, %dma_wait3A_1341] : memref<16x8x32xf32, #tpu.memory_space<vmem>> -> memref<1x8x32xf32, #tpu.memory_space<vmem>>
      %dma_wait3A_1343 = arith.constant 0 : i32
      %dma_wait3A_1344 = arith.constant 0 : i32
      %dma_wait3A_1345 = tpu.memref_slice %arg5[%squeeze3A_458, %dma_wait3A_1343, %dma_wait3A_1344] : memref<12500x8x32xf32, #tpu.memory_space<hbm>> -> memref<1x8x32xf32, #tpu.memory_space<hbm>>
      tpu.wait_dma2 semaphore(%arg15 : memref<!tpu.dma_semaphore, #tpu.memory_space<semaphore_mem>>) src(%dma_wait3A_1345 : memref<1x8x32xf32, #tpu.memory_space<hbm>>) dst(%dma_wait3A_1342 : memref<1x8x32xf32, #tpu.memory_space<vmem>>)
      %dma_wait3A_1346 = arith.constant 12 : i32
      %dma_wait3A_1347 = arith.constant 0 : i32
      %dma_wait3A_1348 = arith.constant 0 : i32
      %dma_wait3A_1349 = tpu.memref_slice %arg11[%dma_wait3A_1346, %dma_wait3A_1347, %dma_wait3A_1348] : memref<16x8x32xf32, #tpu.memory_space<vmem>> -> memref<1x8x32xf32, #tpu.memory_space<vmem>>
      %dma_wait3A_1350 = arith.constant 0 : i32
      %dma_wait3A_1351 = arith.constant 0 : i32
      %dma_wait3A_1352 = tpu.memref_slice %arg5[%squeeze3A_474, %dma_wait3A_1350, %dma_wait3A_1351] : memref<12500x8x32xf32, #tpu.memory_space<hbm>> -> memref<1x8x32xf32, #tpu.memory_space<hbm>>
      %dma_wait3A_1353 = arith.constant 12 : i32
      %dma_wait3A_1354 = arith.constant 0 : i32
      %dma_wait3A_1355 = arith.constant 0 : i32
      %dma_wait3A_1356 = tpu.memref_slice %arg11[%dma_wait3A_1353, %dma_wait3A_1354, %dma_wait3A_1355] : memref<16x8x32xf32, #tpu.memory_space<vmem>> -> memref<1x8x32xf32, #tpu.memory_space<vmem>>
      %dma_wait3A_1357 = arith.constant 0 : i32
      %dma_wait3A_1358 = arith.constant 0 : i32
      %dma_wait3A_1359 = tpu.memref_slice %arg5[%squeeze3A_474, %dma_wait3A_1357, %dma_wait3A_1358] : memref<12500x8x32xf32, #tpu.memory_space<hbm>> -> memref<1x8x32xf32, #tpu.memory_space<hbm>>
      tpu.wait_dma2 semaphore(%arg15 : memref<!tpu.dma_semaphore, #tpu.memory_space<semaphore_mem>>) src(%dma_wait3A_1359 : memref<1x8x32xf32, #tpu.memory_space<hbm>>) dst(%dma_wait3A_1356 : memref<1x8x32xf32, #tpu.memory_space<vmem>>)
      %dma_wait3A_1360 = arith.constant 13 : i32
      %dma_wait3A_1361 = arith.constant 0 : i32
      %dma_wait3A_1362 = arith.constant 0 : i32
      %dma_wait3A_1363 = tpu.memref_slice %arg11[%dma_wait3A_1360, %dma_wait3A_1361, %dma_wait3A_1362] : memref<16x8x32xf32, #tpu.memory_space<vmem>> -> memref<1x8x32xf32, #tpu.memory_space<vmem>>
      %dma_wait3A_1364 = arith.constant 0 : i32
      %dma_wait3A_1365 = arith.constant 0 : i32
      %dma_wait3A_1366 = tpu.memref_slice %arg5[%squeeze3A_490, %dma_wait3A_1364, %dma_wait3A_1365] : memref<12500x8x32xf32, #tpu.memory_space<hbm>> -> memref<1x8x32xf32, #tpu.memory_space<hbm>>
      %dma_wait3A_1367 = arith.constant 13 : i32
      %dma_wait3A_1368 = arith.constant 0 : i32
      %dma_wait3A_1369 = arith.constant 0 : i32
      %dma_wait3A_1370 = tpu.memref_slice %arg11[%dma_wait3A_1367, %dma_wait3A_1368, %dma_wait3A_1369] : memref<16x8x32xf32, #tpu.memory_space<vmem>> -> memref<1x8x32xf32, #tpu.memory_space<vmem>>
      %dma_wait3A_1371 = arith.constant 0 : i32
      %dma_wait3A_1372 = arith.constant 0 : i32
      %dma_wait3A_1373 = tpu.memref_slice %arg5[%squeeze3A_490, %dma_wait3A_1371, %dma_wait3A_1372] : memref<12500x8x32xf32, #tpu.memory_space<hbm>> -> memref<1x8x32xf32, #tpu.memory_space<hbm>>
      tpu.wait_dma2 semaphore(%arg15 : memref<!tpu.dma_semaphore, #tpu.memory_space<semaphore_mem>>) src(%dma_wait3A_1373 : memref<1x8x32xf32, #tpu.memory_space<hbm>>) dst(%dma_wait3A_1370 : memref<1x8x32xf32, #tpu.memory_space<vmem>>)
      %dma_wait3A_1374 = arith.constant 14 : i32
      %dma_wait3A_1375 = arith.constant 0 : i32
      %dma_wait3A_1376 = arith.constant 0 : i32
      %dma_wait3A_1377 = tpu.memref_slice %arg11[%dma_wait3A_1374, %dma_wait3A_1375, %dma_wait3A_1376] : memref<16x8x32xf32, #tpu.memory_space<vmem>> -> memref<1x8x32xf32, #tpu.memory_space<vmem>>
      %dma_wait3A_1378 = arith.constant 0 : i32
      %dma_wait3A_1379 = arith.constant 0 : i32
      %dma_wait3A_1380 = tpu.memref_slice %arg5[%squeeze3A_506, %dma_wait3A_1378, %dma_wait3A_1379] : memref<12500x8x32xf32, #tpu.memory_space<hbm>> -> memref<1x8x32xf32, #tpu.memory_space<hbm>>
      %dma_wait3A_1381 = arith.constant 14 : i32
      %dma_wait3A_1382 = arith.constant 0 : i32
      %dma_wait3A_1383 = arith.constant 0 : i32
      %dma_wait3A_1384 = tpu.memref_slice %arg11[%dma_wait3A_1381, %dma_wait3A_1382, %dma_wait3A_1383] : memref<16x8x32xf32, #tpu.memory_space<vmem>> -> memref<1x8x32xf32, #tpu.memory_space<vmem>>
      %dma_wait3A_1385 = arith.constant 0 : i32
      %dma_wait3A_1386 = arith.constant 0 : i32
      %dma_wait3A_1387 = tpu.memref_slice %arg5[%squeeze3A_506, %dma_wait3A_1385, %dma_wait3A_1386] : memref<12500x8x32xf32, #tpu.memory_space<hbm>> -> memref<1x8x32xf32, #tpu.memory_space<hbm>>
      tpu.wait_dma2 semaphore(%arg15 : memref<!tpu.dma_semaphore, #tpu.memory_space<semaphore_mem>>) src(%dma_wait3A_1387 : memref<1x8x32xf32, #tpu.memory_space<hbm>>) dst(%dma_wait3A_1384 : memref<1x8x32xf32, #tpu.memory_space<vmem>>)
      %dma_wait3A_1388 = arith.constant 15 : i32
      %dma_wait3A_1389 = arith.constant 0 : i32
      %dma_wait3A_1390 = arith.constant 0 : i32
      %dma_wait3A_1391 = tpu.memref_slice %arg11[%dma_wait3A_1388, %dma_wait3A_1389, %dma_wait3A_1390] : memref<16x8x32xf32, #tpu.memory_space<vmem>> -> memref<1x8x32xf32, #tpu.memory_space<vmem>>
      %dma_wait3A_1392 = arith.constant 0 : i32
      %dma_wait3A_1393 = arith.constant 0 : i32
      %dma_wait3A_1394 = tpu.memref_slice %arg5[%squeeze3A_522, %dma_wait3A_1392, %dma_wait3A_1393] : memref<12500x8x32xf32, #tpu.memory_space<hbm>> -> memref<1x8x32xf32, #tpu.memory_space<hbm>>
      %dma_wait3A_1395 = arith.constant 15 : i32
      %dma_wait3A_1396 = arith.constant 0 : i32
      %dma_wait3A_1397 = arith.constant 0 : i32
      %dma_wait3A_1398 = tpu.memref_slice %arg11[%dma_wait3A_1395, %dma_wait3A_1396, %dma_wait3A_1397] : memref<16x8x32xf32, #tpu.memory_space<vmem>> -> memref<1x8x32xf32, #tpu.memory_space<vmem>>
      %dma_wait3A_1399 = arith.constant 0 : i32
      %dma_wait3A_1400 = arith.constant 0 : i32
      %dma_wait3A_1401 = tpu.memref_slice %arg5[%squeeze3A_522, %dma_wait3A_1399, %dma_wait3A_1400] : memref<12500x8x32xf32, #tpu.memory_space<hbm>> -> memref<1x8x32xf32, #tpu.memory_space<hbm>>
      tpu.wait_dma2 semaphore(%arg15 : memref<!tpu.dma_semaphore, #tpu.memory_space<semaphore_mem>>) src(%dma_wait3A_1401 : memref<1x8x32xf32, #tpu.memory_space<hbm>>) dst(%dma_wait3A_1398 : memref<1x8x32xf32, #tpu.memory_space<vmem>>)
      %slice3A_1402 = vector.extract_strided_slice %and3A_27 {offsets = [0], sizes = [1], strides = [1]} : vector<16xi32> to vector<1xi32>
      %squeeze3A_1403 = vector.extract %slice3A_1402[0] : i32 from vector<1xi32>
      %get3A_1404 = arith.constant 0 : i32
      %get3A_1405 = arith.index_cast %get3A_1404 : i32 to index
      %get3A_1406 = arith.index_cast %squeeze3A_1403 : i32 to index
      %get3A_1407 = arith.constant 0 : index
      %get3A_1408 = tpu.vector_load %arg11[%get3A_1405, %get3A_1406, %get3A_1407] {strides = array<i32>} : memref<16x8x32xf32, #tpu.memory_space<vmem>>, vector<1x1x16xf32>,
      %get3A_1409 = vector.shape_cast %get3A_1408 : vector<1x1x16xf32> to vector<16xf32>
      %swap3A_1410 = arith.constant 0 : i32
      %swap3A_1411 = arith.index_cast %swap3A_1410 : i32 to index
      %swap3A_1412 = arith.constant 0 : index
      %swap3A_1413 = tpu.vector_load %arg13[%swap3A_1411, %swap3A_1412] {strides = array<i32>} : memref<16x32xf32, #tpu.memory_space<vmem>>, vector<1x16xf32>,
      %swap3A_1414 = vector.shape_cast %swap3A_1413 : vector<1x16xf32> to vector<16xf32>
      %swap3A_1415 = vector.shape_cast %get3A_1409 : vector<16xf32> to vector<1x16xf32>
      tpu.vector_store %arg13[%swap3A_1411, %swap3A_1412], %swap3A_1415 {strides = array<i32>} : memref<16x32xf32, #tpu.memory_space<vmem>>, vector<1x16xf32>,
      %get3A_1416 = arith.constant 0 : i32
      %get3A_1417 = arith.index_cast %get3A_1416 : i32 to index
      %get3A_1418 = arith.index_cast %squeeze3A_1403 : i32 to index
      %get3A_1419 = arith.constant 16 : index
      %get3A_1420 = tpu.vector_load %arg11[%get3A_1417, %get3A_1418, %get3A_1419] {strides = array<i32>} : memref<16x8x32xf32, #tpu.memory_space<vmem>>, vector<1x1x16xf32>,
      %get3A_1421 = vector.shape_cast %get3A_1420 : vector<1x1x16xf32> to vector<16xf32>
      %swap3A_1422 = arith.constant 0 : i32
      %swap3A_1423 = arith.index_cast %swap3A_1422 : i32 to index
      %swap3A_1424 = arith.constant 16 : index
      %swap3A_1425 = tpu.vector_load %arg13[%swap3A_1423, %swap3A_1424] {strides = array<i32>} : memref<16x32xf32, #tpu.memory_space<vmem>>, vector<1x16xf32>,
      %swap3A_1426 = vector.shape_cast %swap3A_1425 : vector<1x16xf32> to vector<16xf32>
      %swap3A_1427 = vector.shape_cast %get3A_1421 : vector<16xf32> to vector<1x16xf32>
      tpu.vector_store %arg13[%swap3A_1423, %swap3A_1424], %swap3A_1427 {strides = array<i32>} : memref<16x32xf32, #tpu.memory_space<vmem>>, vector<1x16xf32>,
      %slice3A_1428 = vector.extract_strided_slice %and3A_27 {offsets = [1], sizes = [1], strides = [1]} : vector<16xi32> to vector<1xi32>
      %squeeze3A_1429 = vector.extract %slice3A_1428[0] : i32 from vector<1xi32>
      %get3A_1430 = arith.constant 1 : i32
      %get3A_1431 = arith.index_cast %get3A_1430 : i32 to index
      %get3A_1432 = arith.index_cast %squeeze3A_1429 : i32 to index
      %get3A_1433 = arith.constant 0 : index
      %get3A_1434 = tpu.vector_load %arg11[%get3A_1431, %get3A_1432, %get3A_1433] {strides = array<i32>} : memref<16x8x32xf32, #tpu.memory_space<vmem>>, vector<1x1x16xf32>,
      %get3A_1435 = vector.shape_cast %get3A_1434 : vector<1x1x16xf32> to vector<16xf32>
      %swap3A_1436 = arith.constant 1 : i32
      %swap3A_1437 = arith.index_cast %swap3A_1436 : i32 to index
      %swap3A_1438 = arith.constant 0 : index
      %swap3A_1439 = tpu.vector_load %arg13[%swap3A_1437, %swap3A_1438] {strides = array<i32>} : memref<16x32xf32, #tpu.memory_space<vmem>>, vector<1x16xf32>,
      %swap3A_1440 = vector.shape_cast %swap3A_1439 : vector<1x16xf32> to vector<16xf32>
      %swap3A_1441 = vector.shape_cast %get3A_1435 : vector<16xf32> to vector<1x16xf32>
      tpu.vector_store %arg13[%swap3A_1437, %swap3A_1438], %swap3A_1441 {strides = array<i32>} : memref<16x32xf32, #tpu.memory_space<vmem>>, vector<1x16xf32>,
      %get3A_1442 = arith.constant 1 : i32
      %get3A_1443 = arith.index_cast %get3A_1442 : i32 to index
      %get3A_1444 = arith.index_cast %squeeze3A_1429 : i32 to index
      %get3A_1445 = arith.constant 16 : index
      %get3A_1446 = tpu.vector_load %arg11[%get3A_1443, %get3A_1444, %get3A_1445] {strides = array<i32>} : memref<16x8x32xf32, #tpu.memory_space<vmem>>, vector<1x1x16xf32>,
      %get3A_1447 = vector.shape_cast %get3A_1446 : vector<1x1x16xf32> to vector<16xf32>
      %swap3A_1448 = arith.constant 1 : i32
      %swap3A_1449 = arith.index_cast %swap3A_1448 : i32 to index
      %swap3A_1450 = arith.constant 16 : index
      %swap3A_1451 = tpu.vector_load %arg13[%swap3A_1449, %swap3A_1450] {strides = array<i32>} : memref<16x32xf32, #tpu.memory_space<vmem>>, vector<1x16xf32>,
      %swap3A_1452 = vector.shape_cast %swap3A_1451 : vector<1x16xf32> to vector<16xf32>
      %swap3A_1453 = vector.shape_cast %get3A_1447 : vector<16xf32> to vector<1x16xf32>
      tpu.vector_store %arg13[%swap3A_1449, %swap3A_1450], %swap3A_1453 {strides = array<i32>} : memref<16x32xf32, #tpu.memory_space<vmem>>, vector<1x16xf32>,
      %slice3A_1454 = vector.extract_strided_slice %and3A_27 {offsets = [2], sizes = [1], strides = [1]} : vector<16xi32> to vector<1xi32>
      %squeeze3A_1455 = vector.extract %slice3A_1454[0] : i32 from vector<1xi32>
      %get3A_1456 = arith.constant 2 : i32
      %get3A_1457 = arith.index_cast %get3A_1456 : i32 to index
      %get3A_1458 = arith.index_cast %squeeze3A_1455 : i32 to index
      %get3A_1459 = arith.constant 0 : index
      %get3A_1460 = tpu.vector_load %arg11[%get3A_1457, %get3A_1458, %get3A_1459] {strides = array<i32>} : memref<16x8x32xf32, #tpu.memory_space<vmem>>, vector<1x1x16xf32>,
      %get3A_1461 = vector.shape_cast %get3A_1460 : vector<1x1x16xf32> to vector<16xf32>
      %swap3A_1462 = arith.constant 2 : i32
      %swap3A_1463 = arith.index_cast %swap3A_1462 : i32 to index
      %swap3A_1464 = arith.constant 0 : index
      %swap3A_1465 = tpu.vector_load %arg13[%swap3A_1463, %swap3A_1464] {strides = array<i32>} : memref<16x32xf32, #tpu.memory_space<vmem>>, vector<1x16xf32>,
      %swap3A_1466 = vector.shape_cast %swap3A_1465 : vector<1x16xf32> to vector<16xf32>
      %swap3A_1467 = vector.shape_cast %get3A_1461 : vector<16xf32> to vector<1x16xf32>
      tpu.vector_store %arg13[%swap3A_1463, %swap3A_1464], %swap3A_1467 {strides = array<i32>} : memref<16x32xf32, #tpu.memory_space<vmem>>, vector<1x16xf32>,
      %get3A_1468 = arith.constant 2 : i32
      %get3A_1469 = arith.index_cast %get3A_1468 : i32 to index
      %get3A_1470 = arith.index_cast %squeeze3A_1455 : i32 to index
      %get3A_1471 = arith.constant 16 : index
      %get3A_1472 = tpu.vector_load %arg11[%get3A_1469, %get3A_1470, %get3A_1471] {strides = array<i32>} : memref<16x8x32xf32, #tpu.memory_space<vmem>>, vector<1x1x16xf32>,
      %get3A_1473 = vector.shape_cast %get3A_1472 : vector<1x1x16xf32> to vector<16xf32>
      %swap3A_1474 = arith.constant 2 : i32
      %swap3A_1475 = arith.index_cast %swap3A_1474 : i32 to index
      %swap3A_1476 = arith.constant 16 : index
      %swap3A_1477 = tpu.vector_load %arg13[%swap3A_1475, %swap3A_1476] {strides = array<i32>} : memref<16x32xf32, #tpu.memory_space<vmem>>, vector<1x16xf32>,
      %swap3A_1478 = vector.shape_cast %swap3A_1477 : vector<1x16xf32> to vector<16xf32>
      %swap3A_1479 = vector.shape_cast %get3A_1473 : vector<16xf32> to vector<1x16xf32>
      tpu.vector_store %arg13[%swap3A_1475, %swap3A_1476], %swap3A_1479 {strides = array<i32>} : memref<16x32xf32, #tpu.memory_space<vmem>>, vector<1x16xf32>,
      %slice3A_1480 = vector.extract_strided_slice %and3A_27 {offsets = [3], sizes = [1], strides = [1]} : vector<16xi32> to vector<1xi32>
      %squeeze3A_1481 = vector.extract %slice3A_1480[0] : i32 from vector<1xi32>
      %get3A_1482 = arith.constant 3 : i32
      %get3A_1483 = arith.index_cast %get3A_1482 : i32 to index
      %get3A_1484 = arith.index_cast %squeeze3A_1481 : i32 to index
      %get3A_1485 = arith.constant 0 : index
      %get3A_1486 = tpu.vector_load %arg11[%get3A_1483, %get3A_1484, %get3A_1485] {strides = array<i32>} : memref<16x8x32xf32, #tpu.memory_space<vmem>>, vector<1x1x16xf32>,
      %get3A_1487 = vector.shape_cast %get3A_1486 : vector<1x1x16xf32> to vector<16xf32>
      %swap3A_1488 = arith.constant 3 : i32
      %swap3A_1489 = arith.index_cast %swap3A_1488 : i32 to index
      %swap3A_1490 = arith.constant 0 : index
      %swap3A_1491 = tpu.vector_load %arg13[%swap3A_1489, %swap3A_1490] {strides = array<i32>} : memref<16x32xf32, #tpu.memory_space<vmem>>, vector<1x16xf32>,
      %swap3A_1492 = vector.shape_cast %swap3A_1491 : vector<1x16xf32> to vector<16xf32>
      %swap3A_1493 = vector.shape_cast %get3A_1487 : vector<16xf32> to vector<1x16xf32>
      tpu.vector_store %arg13[%swap3A_1489, %swap3A_1490], %swap3A_1493 {strides = array<i32>} : memref<16x32xf32, #tpu.memory_space<vmem>>, vector<1x16xf32>,
      %get3A_1494 = arith.constant 3 : i32
      %get3A_1495 = arith.index_cast %get3A_1494 : i32 to index
      %get3A_1496 = arith.index_cast %squeeze3A_1481 : i32 to index
      %get3A_1497 = arith.constant 16 : index
      %get3A_1498 = tpu.vector_load %arg11[%get3A_1495, %get3A_1496, %get3A_1497] {strides = array<i32>} : memref<16x8x32xf32, #tpu.memory_space<vmem>>, vector<1x1x16xf32>,
      %get3A_1499 = vector.shape_cast %get3A_1498 : vector<1x1x16xf32> to vector<16xf32>
      %swap3A_1500 = arith.constant 3 : i32
      %swap3A_1501 = arith.index_cast %swap3A_1500 : i32 to index
      %swap3A_1502 = arith.constant 16 : index
      %swap3A_1503 = tpu.vector_load %arg13[%swap3A_1501, %swap3A_1502] {strides = array<i32>} : memref<16x32xf32, #tpu.memory_space<vmem>>, vector<1x16xf32>,
      %swap3A_1504 = vector.shape_cast %swap3A_1503 : vector<1x16xf32> to vector<16xf32>
      %swap3A_1505 = vector.shape_cast %get3A_1499 : vector<16xf32> to vector<1x16xf32>
      tpu.vector_store %arg13[%swap3A_1501, %swap3A_1502], %swap3A_1505 {strides = array<i32>} : memref<16x32xf32, #tpu.memory_space<vmem>>, vector<1x16xf32>,
      %slice3A_1506 = vector.extract_strided_slice %and3A_27 {offsets = [4], sizes = [1], strides = [1]} : vector<16xi32> to vector<1xi32>
      %squeeze3A_1507 = vector.extract %slice3A_1506[0] : i32 from vector<1xi32>
      %get3A_1508 = arith.constant 4 : i32
      %get3A_1509 = arith.index_cast %get3A_1508 : i32 to index
      %get3A_1510 = arith.index_cast %squeeze3A_1507 : i32 to index
      %get3A_1511 = arith.constant 0 : index
      %get3A_1512 = tpu.vector_load %arg11[%get3A_1509, %get3A_1510, %get3A_1511] {strides = array<i32>} : memref<16x8x32xf32, #tpu.memory_space<vmem>>, vector<1x1x16xf32>,
      %get3A_1513 = vector.shape_cast %get3A_1512 : vector<1x1x16xf32> to vector<16xf32>
      %swap3A_1514 = arith.constant 4 : i32
      %swap3A_1515 = arith.index_cast %swap3A_1514 : i32 to index
      %swap3A_1516 = arith.constant 0 : index
      %swap3A_1517 = tpu.vector_load %arg13[%swap3A_1515, %swap3A_1516] {strides = array<i32>} : memref<16x32xf32, #tpu.memory_space<vmem>>, vector<1x16xf32>,
      %swap3A_1518 = vector.shape_cast %swap3A_1517 : vector<1x16xf32> to vector<16xf32>
      %swap3A_1519 = vector.shape_cast %get3A_1513 : vector<16xf32> to vector<1x16xf32>
      tpu.vector_store %arg13[%swap3A_1515, %swap3A_1516], %swap3A_1519 {strides = array<i32>} : memref<16x32xf32, #tpu.memory_space<vmem>>, vector<1x16xf32>,
      %get3A_1520 = arith.constant 4 : i32
      %get3A_1521 = arith.index_cast %get3A_1520 : i32 to index
      %get3A_1522 = arith.index_cast %squeeze3A_1507 : i32 to index
      %get3A_1523 = arith.constant 16 : index
      %get3A_1524 = tpu.vector_load %arg11[%get3A_1521, %get3A_1522, %get3A_1523] {strides = array<i32>} : memref<16x8x32xf32, #tpu.memory_space<vmem>>, vector<1x1x16xf32>,
      %get3A_1525 = vector.shape_cast %get3A_1524 : vector<1x1x16xf32> to vector<16xf32>
      %swap3A_1526 = arith.constant 4 : i32
      %swap3A_1527 = arith.index_cast %swap3A_1526 : i32 to index
      %swap3A_1528 = arith.constant 16 : index
      %swap3A_1529 = tpu.vector_load %arg13[%swap3A_1527, %swap3A_1528] {strides = array<i32>} : memref<16x32xf32, #tpu.memory_space<vmem>>, vector<1x16xf32>,
      %swap3A_1530 = vector.shape_cast %swap3A_1529 : vector<1x16xf32> to vector<16xf32>
      %swap3A_1531 = vector.shape_cast %get3A_1525 : vector<16xf32> to vector<1x16xf32>
      tpu.vector_store %arg13[%swap3A_1527, %swap3A_1528], %swap3A_1531 {strides = array<i32>} : memref<16x32xf32, #tpu.memory_space<vmem>>, vector<1x16xf32>,
      %slice3A_1532 = vector.extract_strided_slice %and3A_27 {offsets = [5], sizes = [1], strides = [1]} : vector<16xi32> to vector<1xi32>
      %squeeze3A_1533 = vector.extract %slice3A_1532[0] : i32 from vector<1xi32>
      %get3A_1534 = arith.constant 5 : i32
      %get3A_1535 = arith.index_cast %get3A_1534 : i32 to index
      %get3A_1536 = arith.index_cast %squeeze3A_1533 : i32 to index
      %get3A_1537 = arith.constant 0 : index
      %get3A_1538 = tpu.vector_load %arg11[%get3A_1535, %get3A_1536, %get3A_1537] {strides = array<i32>} : memref<16x8x32xf32, #tpu.memory_space<vmem>>, vector<1x1x16xf32>,
      %get3A_1539 = vector.shape_cast %get3A_1538 : vector<1x1x16xf32> to vector<16xf32>
      %swap3A_1540 = arith.constant 5 : i32
      %swap3A_1541 = arith.index_cast %swap3A_1540 : i32 to index
      %swap3A_1542 = arith.constant 0 : index
      %swap3A_1543 = tpu.vector_load %arg13[%swap3A_1541, %swap3A_1542] {strides = array<i32>} : memref<16x32xf32, #tpu.memory_space<vmem>>, vector<1x16xf32>,
      %swap3A_1544 = vector.shape_cast %swap3A_1543 : vector<1x16xf32> to vector<16xf32>
      %swap3A_1545 = vector.shape_cast %get3A_1539 : vector<16xf32> to vector<1x16xf32>
      tpu.vector_store %arg13[%swap3A_1541, %swap3A_1542], %swap3A_1545 {strides = array<i32>} : memref<16x32xf32, #tpu.memory_space<vmem>>, vector<1x16xf32>,
      %get3A_1546 = arith.constant 5 : i32
      %get3A_1547 = arith.index_cast %get3A_1546 : i32 to index
      %get3A_1548 = arith.index_cast %squeeze3A_1533 : i32 to index
      %get3A_1549 = arith.constant 16 : index
      %get3A_1550 = tpu.vector_load %arg11[%get3A_1547, %get3A_1548, %get3A_1549] {strides = array<i32>} : memref<16x8x32xf32, #tpu.memory_space<vmem>>, vector<1x1x16xf32>,
      %get3A_1551 = vector.shape_cast %get3A_1550 : vector<1x1x16xf32> to vector<16xf32>
      %swap3A_1552 = arith.constant 5 : i32
      %swap3A_1553 = arith.index_cast %swap3A_1552 : i32 to index
      %swap3A_1554 = arith.constant 16 : index
      %swap3A_1555 = tpu.vector_load %arg13[%swap3A_1553, %swap3A_1554] {strides = array<i32>} : memref<16x32xf32, #tpu.memory_space<vmem>>, vector<1x16xf32>,
      %swap3A_1556 = vector.shape_cast %swap3A_1555 : vector<1x16xf32> to vector<16xf32>
      %swap3A_1557 = vector.shape_cast %get3A_1551 : vector<16xf32> to vector<1x16xf32>
      tpu.vector_store %arg13[%swap3A_1553, %swap3A_1554], %swap3A_1557 {strides = array<i32>} : memref<16x32xf32, #tpu.memory_space<vmem>>, vector<1x16xf32>,
      %slice3A_1558 = vector.extract_strided_slice %and3A_27 {offsets = [6], sizes = [1], strides = [1]} : vector<16xi32> to vector<1xi32>
      %squeeze3A_1559 = vector.extract %slice3A_1558[0] : i32 from vector<1xi32>
      %get3A_1560 = arith.constant 6 : i32
      %get3A_1561 = arith.index_cast %get3A_1560 : i32 to index
      %get3A_1562 = arith.index_cast %squeeze3A_1559 : i32 to index
      %get3A_1563 = arith.constant 0 : index
      %get3A_1564 = tpu.vector_load %arg11[%get3A_1561, %get3A_1562, %get3A_1563] {strides = array<i32>} : memref<16x8x32xf32, #tpu.memory_space<vmem>>, vector<1x1x16xf32>,
      %get3A_1565 = vector.shape_cast %get3A_1564 : vector<1x1x16xf32> to vector<16xf32>
      %swap3A_1566 = arith.constant 6 : i32
      %swap3A_1567 = arith.index_cast %swap3A_1566 : i32 to index
      %swap3A_1568 = arith.constant 0 : index
      %swap3A_1569 = tpu.vector_load %arg13[%swap3A_1567, %swap3A_1568] {strides = array<i32>} : memref<16x32xf32, #tpu.memory_space<vmem>>, vector<1x16xf32>,
      %swap3A_1570 = vector.shape_cast %swap3A_1569 : vector<1x16xf32> to vector<16xf32>
      %swap3A_1571 = vector.shape_cast %get3A_1565 : vector<16xf32> to vector<1x16xf32>
      tpu.vector_store %arg13[%swap3A_1567, %swap3A_1568], %swap3A_1571 {strides = array<i32>} : memref<16x32xf32, #tpu.memory_space<vmem>>, vector<1x16xf32>,
      %get3A_1572 = arith.constant 6 : i32
      %get3A_1573 = arith.index_cast %get3A_1572 : i32 to index
      %get3A_1574 = arith.index_cast %squeeze3A_1559 : i32 to index
      %get3A_1575 = arith.constant 16 : index
      %get3A_1576 = tpu.vector_load %arg11[%get3A_1573, %get3A_1574, %get3A_1575] {strides = array<i32>} : memref<16x8x32xf32, #tpu.memory_space<vmem>>, vector<1x1x16xf32>,
      %get3A_1577 = vector.shape_cast %get3A_1576 : vector<1x1x16xf32> to vector<16xf32>
      %swap3A_1578 = arith.constant 6 : i32
      %swap3A_1579 = arith.index_cast %swap3A_1578 : i32 to index
      %swap3A_1580 = arith.constant 16 : index
      %swap3A_1581 = tpu.vector_load %arg13[%swap3A_1579, %swap3A_1580] {strides = array<i32>} : memref<16x32xf32, #tpu.memory_space<vmem>>, vector<1x16xf32>,
      %swap3A_1582 = vector.shape_cast %swap3A_1581 : vector<1x16xf32> to vector<16xf32>
      %swap3A_1583 = vector.shape_cast %get3A_1577 : vector<16xf32> to vector<1x16xf32>
      tpu.vector_store %arg13[%swap3A_1579, %swap3A_1580], %swap3A_1583 {strides = array<i32>} : memref<16x32xf32, #tpu.memory_space<vmem>>, vector<1x16xf32>,
      %slice3A_1584 = vector.extract_strided_slice %and3A_27 {offsets = [7], sizes = [1], strides = [1]} : vector<16xi32> to vector<1xi32>
      %squeeze3A_1585 = vector.extract %slice3A_1584[0] : i32 from vector<1xi32>
      %get3A_1586 = arith.constant 7 : i32
      %get3A_1587 = arith.index_cast %get3A_1586 : i32 to index
      %get3A_1588 = arith.index_cast %squeeze3A_1585 : i32 to index
      %get3A_1589 = arith.constant 0 : index
      %get3A_1590 = tpu.vector_load %arg11[%get3A_1587, %get3A_1588, %get3A_1589] {strides = array<i32>} : memref<16x8x32xf32, #tpu.memory_space<vmem>>, vector<1x1x16xf32>,
      %get3A_1591 = vector.shape_cast %get3A_1590 : vector<1x1x16xf32> to vector<16xf32>
      %swap3A_1592 = arith.constant 7 : i32
      %swap3A_1593 = arith.index_cast %swap3A_1592 : i32 to index
      %swap3A_1594 = arith.constant 0 : index
      %swap3A_1595 = tpu.vector_load %arg13[%swap3A_1593, %swap3A_1594] {strides = array<i32>} : memref<16x32xf32, #tpu.memory_space<vmem>>, vector<1x16xf32>,
      %swap3A_1596 = vector.shape_cast %swap3A_1595 : vector<1x16xf32> to vector<16xf32>
      %swap3A_1597 = vector.shape_cast %get3A_1591 : vector<16xf32> to vector<1x16xf32>
      tpu.vector_store %arg13[%swap3A_1593, %swap3A_1594], %swap3A_1597 {strides = array<i32>} : memref<16x32xf32, #tpu.memory_space<vmem>>, vector<1x16xf32>,
      %get3A_1598 = arith.constant 7 : i32
      %get3A_1599 = arith.index_cast %get3A_1598 : i32 to index
      %get3A_1600 = arith.index_cast %squeeze3A_1585 : i32 to index
      %get3A_1601 = arith.constant 16 : index
      %get3A_1602 = tpu.vector_load %arg11[%get3A_1599, %get3A_1600, %get3A_1601] {strides = array<i32>} : memref<16x8x32xf32, #tpu.memory_space<vmem>>, vector<1x1x16xf32>,
      %get3A_1603 = vector.shape_cast %get3A_1602 : vector<1x1x16xf32> to vector<16xf32>
      %swap3A_1604 = arith.constant 7 : i32
      %swap3A_1605 = arith.index_cast %swap3A_1604 : i32 to index
      %swap3A_1606 = arith.constant 16 : index
      %swap3A_1607 = tpu.vector_load %arg13[%swap3A_1605, %swap3A_1606] {strides = array<i32>} : memref<16x32xf32, #tpu.memory_space<vmem>>, vector<1x16xf32>,
      %swap3A_1608 = vector.shape_cast %swap3A_1607 : vector<1x16xf32> to vector<16xf32>
      %swap3A_1609 = vector.shape_cast %get3A_1603 : vector<16xf32> to vector<1x16xf32>
      tpu.vector_store %arg13[%swap3A_1605, %swap3A_1606], %swap3A_1609 {strides = array<i32>} : memref<16x32xf32, #tpu.memory_space<vmem>>, vector<1x16xf32>,
      %slice3A_1610 = vector.extract_strided_slice %and3A_27 {offsets = [8], sizes = [1], strides = [1]} : vector<16xi32> to vector<1xi32>
      %squeeze3A_1611 = vector.extract %slice3A_1610[0] : i32 from vector<1xi32>
      %get3A_1612 = arith.constant 8 : i32
      %get3A_1613 = arith.index_cast %get3A_1612 : i32 to index
      %get3A_1614 = arith.index_cast %squeeze3A_1611 : i32 to index
      %get3A_1615 = arith.constant 0 : index
      %get3A_1616 = tpu.vector_load %arg11[%get3A_1613, %get3A_1614, %get3A_1615] {strides = array<i32>} : memref<16x8x32xf32, #tpu.memory_space<vmem>>, vector<1x1x16xf32>,
      %get3A_1617 = vector.shape_cast %get3A_1616 : vector<1x1x16xf32> to vector<16xf32>
      %swap3A_1618 = arith.constant 8 : i32
      %swap3A_1619 = arith.index_cast %swap3A_1618 : i32 to index
      %swap3A_1620 = arith.constant 0 : index
      %swap3A_1621 = tpu.vector_load %arg13[%swap3A_1619, %swap3A_1620] {strides = array<i32>} : memref<16x32xf32, #tpu.memory_space<vmem>>, vector<1x16xf32>,
      %swap3A_1622 = vector.shape_cast %swap3A_1621 : vector<1x16xf32> to vector<16xf32>
      %swap3A_1623 = vector.shape_cast %get3A_1617 : vector<16xf32> to vector<1x16xf32>
      tpu.vector_store %arg13[%swap3A_1619, %swap3A_1620], %swap3A_1623 {strides = array<i32>} : memref<16x32xf32, #tpu.memory_space<vmem>>, vector<1x16xf32>,
      %get3A_1624 = arith.constant 8 : i32
      %get3A_1625 = arith.index_cast %get3A_1624 : i32 to index
      %get3A_1626 = arith.index_cast %squeeze3A_1611 : i32 to index
      %get3A_1627 = arith.constant 16 : index
      %get3A_1628 = tpu.vector_load %arg11[%get3A_1625, %get3A_1626, %get3A_1627] {strides = array<i32>} : memref<16x8x32xf32, #tpu.memory_space<vmem>>, vector<1x1x16xf32>,
      %get3A_1629 = vector.shape_cast %get3A_1628 : vector<1x1x16xf32> to vector<16xf32>
      %swap3A_1630 = arith.constant 8 : i32
      %swap3A_1631 = arith.index_cast %swap3A_1630 : i32 to index
      %swap3A_1632 = arith.constant 16 : index
      %swap3A_1633 = tpu.vector_load %arg13[%swap3A_1631, %swap3A_1632] {strides = array<i32>} : memref<16x32xf32, #tpu.memory_space<vmem>>, vector<1x16xf32>,
      %swap3A_1634 = vector.shape_cast %swap3A_1633 : vector<1x16xf32> to vector<16xf32>
      %swap3A_1635 = vector.shape_cast %get3A_1629 : vector<16xf32> to vector<1x16xf32>
      tpu.vector_store %arg13[%swap3A_1631, %swap3A_1632], %swap3A_1635 {strides = array<i32>} : memref<16x32xf32, #tpu.memory_space<vmem>>, vector<1x16xf32>,
      %slice3A_1636 = vector.extract_strided_slice %and3A_27 {offsets = [9], sizes = [1], strides = [1]} : vector<16xi32> to vector<1xi32>
      %squeeze3A_1637 = vector.extract %slice3A_1636[0] : i32 from vector<1xi32>
      %get3A_1638 = arith.constant 9 : i32
      %get3A_1639 = arith.index_cast %get3A_1638 : i32 to index
      %get3A_1640 = arith.index_cast %squeeze3A_1637 : i32 to index
      %get3A_1641 = arith.constant 0 : index
      %get3A_1642 = tpu.vector_load %arg11[%get3A_1639, %get3A_1640, %get3A_1641] {strides = array<i32>} : memref<16x8x32xf32, #tpu.memory_space<vmem>>, vector<1x1x16xf32>,
      %get3A_1643 = vector.shape_cast %get3A_1642 : vector<1x1x16xf32> to vector<16xf32>
      %swap3A_1644 = arith.constant 9 : i32
      %swap3A_1645 = arith.index_cast %swap3A_1644 : i32 to index
      %swap3A_1646 = arith.constant 0 : index
      %swap3A_1647 = tpu.vector_load %arg13[%swap3A_1645, %swap3A_1646] {strides = array<i32>} : memref<16x32xf32, #tpu.memory_space<vmem>>, vector<1x16xf32>,
      %swap3A_1648 = vector.shape_cast %swap3A_1647 : vector<1x16xf32> to vector<16xf32>
      %swap3A_1649 = vector.shape_cast %get3A_1643 : vector<16xf32> to vector<1x16xf32>
      tpu.vector_store %arg13[%swap3A_1645, %swap3A_1646], %swap3A_1649 {strides = array<i32>} : memref<16x32xf32, #tpu.memory_space<vmem>>, vector<1x16xf32>,
      %get3A_1650 = arith.constant 9 : i32
      %get3A_1651 = arith.index_cast %get3A_1650 : i32 to index
      %get3A_1652 = arith.index_cast %squeeze3A_1637 : i32 to index
      %get3A_1653 = arith.constant 16 : index
      %get3A_1654 = tpu.vector_load %arg11[%get3A_1651, %get3A_1652, %get3A_1653] {strides = array<i32>} : memref<16x8x32xf32, #tpu.memory_space<vmem>>, vector<1x1x16xf32>,
      %get3A_1655 = vector.shape_cast %get3A_1654 : vector<1x1x16xf32> to vector<16xf32>
      %swap3A_1656 = arith.constant 9 : i32
      %swap3A_1657 = arith.index_cast %swap3A_1656 : i32 to index
      %swap3A_1658 = arith.constant 16 : index
      %swap3A_1659 = tpu.vector_load %arg13[%swap3A_1657, %swap3A_1658] {strides = array<i32>} : memref<16x32xf32, #tpu.memory_space<vmem>>, vector<1x16xf32>,
      %swap3A_1660 = vector.shape_cast %swap3A_1659 : vector<1x16xf32> to vector<16xf32>
      %swap3A_1661 = vector.shape_cast %get3A_1655 : vector<16xf32> to vector<1x16xf32>
      tpu.vector_store %arg13[%swap3A_1657, %swap3A_1658], %swap3A_1661 {strides = array<i32>} : memref<16x32xf32, #tpu.memory_space<vmem>>, vector<1x16xf32>,
      %slice3A_1662 = vector.extract_strided_slice %and3A_27 {offsets = [10], sizes = [1], strides = [1]} : vector<16xi32> to vector<1xi32>
      %squeeze3A_1663 = vector.extract %slice3A_1662[0] : i32 from vector<1xi32>
      %get3A_1664 = arith.constant 10 : i32
      %get3A_1665 = arith.index_cast %get3A_1664 : i32 to index
      %get3A_1666 = arith.index_cast %squeeze3A_1663 : i32 to index
      %get3A_1667 = arith.constant 0 : index
      %get3A_1668 = tpu.vector_load %arg11[%get3A_1665, %get3A_1666, %get3A_1667] {strides = array<i32>} : memref<16x8x32xf32, #tpu.memory_space<vmem>>, vector<1x1x16xf32>,
      %get3A_1669 = vector.shape_cast %get3A_1668 : vector<1x1x16xf32> to vector<16xf32>
      %swap3A_1670 = arith.constant 10 : i32
      %swap3A_1671 = arith.index_cast %swap3A_1670 : i32 to index
      %swap3A_1672 = arith.constant 0 : index
      %swap3A_1673 = tpu.vector_load %arg13[%swap3A_1671, %swap3A_1672] {strides = array<i32>} : memref<16x32xf32, #tpu.memory_space<vmem>>, vector<1x16xf32>,
      %swap3A_1674 = vector.shape_cast %swap3A_1673 : vector<1x16xf32> to vector<16xf32>
      %swap3A_1675 = vector.shape_cast %get3A_1669 : vector<16xf32> to vector<1x16xf32>
      tpu.vector_store %arg13[%swap3A_1671, %swap3A_1672], %swap3A_1675 {strides = array<i32>} : memref<16x32xf32, #tpu.memory_space<vmem>>, vector<1x16xf32>,
      %get3A_1676 = arith.constant 10 : i32
      %get3A_1677 = arith.index_cast %get3A_1676 : i32 to index
      %get3A_1678 = arith.index_cast %squeeze3A_1663 : i32 to index
      %get3A_1679 = arith.constant 16 : index
      %get3A_1680 = tpu.vector_load %arg11[%get3A_1677, %get3A_1678, %get3A_1679] {strides = array<i32>} : memref<16x8x32xf32, #tpu.memory_space<vmem>>, vector<1x1x16xf32>,
      %get3A_1681 = vector.shape_cast %get3A_1680 : vector<1x1x16xf32> to vector<16xf32>
      %swap3A_1682 = arith.constant 10 : i32
      %swap3A_1683 = arith.index_cast %swap3A_1682 : i32 to index
      %swap3A_1684 = arith.constant 16 : index
      %swap3A_1685 = tpu.vector_load %arg13[%swap3A_1683, %swap3A_1684] {strides = array<i32>} : memref<16x32xf32, #tpu.memory_space<vmem>>, vector<1x16xf32>,
      %swap3A_1686 = vector.shape_cast %swap3A_1685 : vector<1x16xf32> to vector<16xf32>
      %swap3A_1687 = vector.shape_cast %get3A_1681 : vector<16xf32> to vector<1x16xf32>
      tpu.vector_store %arg13[%swap3A_1683, %swap3A_1684], %swap3A_1687 {strides = array<i32>} : memref<16x32xf32, #tpu.memory_space<vmem>>, vector<1x16xf32>,
      %slice3A_1688 = vector.extract_strided_slice %and3A_27 {offsets = [11], sizes = [1], strides = [1]} : vector<16xi32> to vector<1xi32>
      %squeeze3A_1689 = vector.extract %slice3A_1688[0] : i32 from vector<1xi32>
      %get3A_1690 = arith.constant 11 : i32
      %get3A_1691 = arith.index_cast %get3A_1690 : i32 to index
      %get3A_1692 = arith.index_cast %squeeze3A_1689 : i32 to index
      %get3A_1693 = arith.constant 0 : index
      %get3A_1694 = tpu.vector_load %arg11[%get3A_1691, %get3A_1692, %get3A_1693] {strides = array<i32>} : memref<16x8x32xf32, #tpu.memory_space<vmem>>, vector<1x1x16xf32>,
      %get3A_1695 = vector.shape_cast %get3A_1694 : vector<1x1x16xf32> to vector<16xf32>
      %swap3A_1696 = arith.constant 11 : i32
      %swap3A_1697 = arith.index_cast %swap3A_1696 : i32 to index
      %swap3A_1698 = arith.constant 0 : index
      %swap3A_1699 = tpu.vector_load %arg13[%swap3A_1697, %swap3A_1698] {strides = array<i32>} : memref<16x32xf32, #tpu.memory_space<vmem>>, vector<1x16xf32>,
      %swap3A_1700 = vector.shape_cast %swap3A_1699 : vector<1x16xf32> to vector<16xf32>
      %swap3A_1701 = vector.shape_cast %get3A_1695 : vector<16xf32> to vector<1x16xf32>
      tpu.vector_store %arg13[%swap3A_1697, %swap3A_1698], %swap3A_1701 {strides = array<i32>} : memref<16x32xf32, #tpu.memory_space<vmem>>, vector<1x16xf32>,
      %get3A_1702 = arith.constant 11 : i32
      %get3A_1703 = arith.index_cast %get3A_1702 : i32 to index
      %get3A_1704 = arith.index_cast %squeeze3A_1689 : i32 to index
      %get3A_1705 = arith.constant 16 : index
      %get3A_1706 = tpu.vector_load %arg11[%get3A_1703, %get3A_1704, %get3A_1705] {strides = array<i32>} : memref<16x8x32xf32, #tpu.memory_space<vmem>>, vector<1x1x16xf32>,
      %get3A_1707 = vector.shape_cast %get3A_1706 : vector<1x1x16xf32> to vector<16xf32>
      %swap3A_1708 = arith.constant 11 : i32
      %swap3A_1709 = arith.index_cast %swap3A_1708 : i32 to index
      %swap3A_1710 = arith.constant 16 : index
      %swap3A_1711 = tpu.vector_load %arg13[%swap3A_1709, %swap3A_1710] {strides = array<i32>} : memref<16x32xf32, #tpu.memory_space<vmem>>, vector<1x16xf32>,
      %swap3A_1712 = vector.shape_cast %swap3A_1711 : vector<1x16xf32> to vector<16xf32>
      %swap3A_1713 = vector.shape_cast %get3A_1707 : vector<16xf32> to vector<1x16xf32>
      tpu.vector_store %arg13[%swap3A_1709, %swap3A_1710], %swap3A_1713 {strides = array<i32>} : memref<16x32xf32, #tpu.memory_space<vmem>>, vector<1x16xf32>,
      %slice3A_1714 = vector.extract_strided_slice %and3A_27 {offsets = [12], sizes = [1], strides = [1]} : vector<16xi32> to vector<1xi32>
      %squeeze3A_1715 = vector.extract %slice3A_1714[0] : i32 from vector<1xi32>
      %get3A_1716 = arith.constant 12 : i32
      %get3A_1717 = arith.index_cast %get3A_1716 : i32 to index
      %get3A_1718 = arith.index_cast %squeeze3A_1715 : i32 to index
      %get3A_1719 = arith.constant 0 : index
      %get3A_1720 = tpu.vector_load %arg11[%get3A_1717, %get3A_1718, %get3A_1719] {strides = array<i32>} : memref<16x8x32xf32, #tpu.memory_space<vmem>>, vector<1x1x16xf32>,
      %get3A_1721 = vector.shape_cast %get3A_1720 : vector<1x1x16xf32> to vector<16xf32>
      %swap3A_1722 = arith.constant 12 : i32
      %swap3A_1723 = arith.index_cast %swap3A_1722 : i32 to index
      %swap3A_1724 = arith.constant 0 : index
      %swap3A_1725 = tpu.vector_load %arg13[%swap3A_1723, %swap3A_1724] {strides = array<i32>} : memref<16x32xf32, #tpu.memory_space<vmem>>, vector<1x16xf32>,
      %swap3A_1726 = vector.shape_cast %swap3A_1725 : vector<1x16xf32> to vector<16xf32>
      %swap3A_1727 = vector.shape_cast %get3A_1721 : vector<16xf32> to vector<1x16xf32>
      tpu.vector_store %arg13[%swap3A_1723, %swap3A_1724], %swap3A_1727 {strides = array<i32>} : memref<16x32xf32, #tpu.memory_space<vmem>>, vector<1x16xf32>,
      %get3A_1728 = arith.constant 12 : i32
      %get3A_1729 = arith.index_cast %get3A_1728 : i32 to index
      %get3A_1730 = arith.index_cast %squeeze3A_1715 : i32 to index
      %get3A_1731 = arith.constant 16 : index
      %get3A_1732 = tpu.vector_load %arg11[%get3A_1729, %get3A_1730, %get3A_1731] {strides = array<i32>} : memref<16x8x32xf32, #tpu.memory_space<vmem>>, vector<1x1x16xf32>,
      %get3A_1733 = vector.shape_cast %get3A_1732 : vector<1x1x16xf32> to vector<16xf32>
      %swap3A_1734 = arith.constant 12 : i32
      %swap3A_1735 = arith.index_cast %swap3A_1734 : i32 to index
      %swap3A_1736 = arith.constant 16 : index
      %swap3A_1737 = tpu.vector_load %arg13[%swap3A_1735, %swap3A_1736] {strides = array<i32>} : memref<16x32xf32, #tpu.memory_space<vmem>>, vector<1x16xf32>,
      %swap3A_1738 = vector.shape_cast %swap3A_1737 : vector<1x16xf32> to vector<16xf32>
      %swap3A_1739 = vector.shape_cast %get3A_1733 : vector<16xf32> to vector<1x16xf32>
      tpu.vector_store %arg13[%swap3A_1735, %swap3A_1736], %swap3A_1739 {strides = array<i32>} : memref<16x32xf32, #tpu.memory_space<vmem>>, vector<1x16xf32>,
      %slice3A_1740 = vector.extract_strided_slice %and3A_27 {offsets = [13], sizes = [1], strides = [1]} : vector<16xi32> to vector<1xi32>
      %squeeze3A_1741 = vector.extract %slice3A_1740[0] : i32 from vector<1xi32>
      %get3A_1742 = arith.constant 13 : i32
      %get3A_1743 = arith.index_cast %get3A_1742 : i32 to index
      %get3A_1744 = arith.index_cast %squeeze3A_1741 : i32 to index
      %get3A_1745 = arith.constant 0 : index
      %get3A_1746 = tpu.vector_load %arg11[%get3A_1743, %get3A_1744, %get3A_1745] {strides = array<i32>} : memref<16x8x32xf32, #tpu.memory_space<vmem>>, vector<1x1x16xf32>,
      %get3A_1747 = vector.shape_cast %get3A_1746 : vector<1x1x16xf32> to vector<16xf32>
      %swap3A_1748 = arith.constant 13 : i32
      %swap3A_1749 = arith.index_cast %swap3A_1748 : i32 to index
      %swap3A_1750 = arith.constant 0 : index
      %swap3A_1751 = tpu.vector_load %arg13[%swap3A_1749, %swap3A_1750] {strides = array<i32>} : memref<16x32xf32, #tpu.memory_space<vmem>>, vector<1x16xf32>,
      %swap3A_1752 = vector.shape_cast %swap3A_1751 : vector<1x16xf32> to vector<16xf32>
      %swap3A_1753 = vector.shape_cast %get3A_1747 : vector<16xf32> to vector<1x16xf32>
      tpu.vector_store %arg13[%swap3A_1749, %swap3A_1750], %swap3A_1753 {strides = array<i32>} : memref<16x32xf32, #tpu.memory_space<vmem>>, vector<1x16xf32>,
      %get3A_1754 = arith.constant 13 : i32
      %get3A_1755 = arith.index_cast %get3A_1754 : i32 to index
      %get3A_1756 = arith.index_cast %squeeze3A_1741 : i32 to index
      %get3A_1757 = arith.constant 16 : index
      %get3A_1758 = tpu.vector_load %arg11[%get3A_1755, %get3A_1756, %get3A_1757] {strides = array<i32>} : memref<16x8x32xf32, #tpu.memory_space<vmem>>, vector<1x1x16xf32>,
      %get3A_1759 = vector.shape_cast %get3A_1758 : vector<1x1x16xf32> to vector<16xf32>
      %swap3A_1760 = arith.constant 13 : i32
      %swap3A_1761 = arith.index_cast %swap3A_1760 : i32 to index
      %swap3A_1762 = arith.constant 16 : index
      %swap3A_1763 = tpu.vector_load %arg13[%swap3A_1761, %swap3A_1762] {strides = array<i32>} : memref<16x32xf32, #tpu.memory_space<vmem>>, vector<1x16xf32>,
      %swap3A_1764 = vector.shape_cast %swap3A_1763 : vector<1x16xf32> to vector<16xf32>
      %swap3A_1765 = vector.shape_cast %get3A_1759 : vector<16xf32> to vector<1x16xf32>
      tpu.vector_store %arg13[%swap3A_1761, %swap3A_1762], %swap3A_1765 {strides = array<i32>} : memref<16x32xf32, #tpu.memory_space<vmem>>, vector<1x16xf32>,
      %slice3A_1766 = vector.extract_strided_slice %and3A_27 {offsets = [14], sizes = [1], strides = [1]} : vector<16xi32> to vector<1xi32>
      %squeeze3A_1767 = vector.extract %slice3A_1766[0] : i32 from vector<1xi32>
      %get3A_1768 = arith.constant 14 : i32
      %get3A_1769 = arith.index_cast %get3A_1768 : i32 to index
      %get3A_1770 = arith.index_cast %squeeze3A_1767 : i32 to index
      %get3A_1771 = arith.constant 0 : index
      %get3A_1772 = tpu.vector_load %arg11[%get3A_1769, %get3A_1770, %get3A_1771] {strides = array<i32>} : memref<16x8x32xf32, #tpu.memory_space<vmem>>, vector<1x1x16xf32>,
      %get3A_1773 = vector.shape_cast %get3A_1772 : vector<1x1x16xf32> to vector<16xf32>
      %swap3A_1774 = arith.constant 14 : i32
      %swap3A_1775 = arith.index_cast %swap3A_1774 : i32 to index
      %swap3A_1776 = arith.constant 0 : index
      %swap3A_1777 = tpu.vector_load %arg13[%swap3A_1775, %swap3A_1776] {strides = array<i32>} : memref<16x32xf32, #tpu.memory_space<vmem>>, vector<1x16xf32>,
      %swap3A_1778 = vector.shape_cast %swap3A_1777 : vector<1x16xf32> to vector<16xf32>
      %swap3A_1779 = vector.shape_cast %get3A_1773 : vector<16xf32> to vector<1x16xf32>
      tpu.vector_store %arg13[%swap3A_1775, %swap3A_1776], %swap3A_1779 {strides = array<i32>} : memref<16x32xf32, #tpu.memory_space<vmem>>, vector<1x16xf32>,
      %get3A_1780 = arith.constant 14 : i32
      %get3A_1781 = arith.index_cast %get3A_1780 : i32 to index
      %get3A_1782 = arith.index_cast %squeeze3A_1767 : i32 to index
      %get3A_1783 = arith.constant 16 : index
      %get3A_1784 = tpu.vector_load %arg11[%get3A_1781, %get3A_1782, %get3A_1783] {strides = array<i32>} : memref<16x8x32xf32, #tpu.memory_space<vmem>>, vector<1x1x16xf32>,
      %get3A_1785 = vector.shape_cast %get3A_1784 : vector<1x1x16xf32> to vector<16xf32>
      %swap3A_1786 = arith.constant 14 : i32
      %swap3A_1787 = arith.index_cast %swap3A_1786 : i32 to index
      %swap3A_1788 = arith.constant 16 : index
      %swap3A_1789 = tpu.vector_load %arg13[%swap3A_1787, %swap3A_1788] {strides = array<i32>} : memref<16x32xf32, #tpu.memory_space<vmem>>, vector<1x16xf32>,
      %swap3A_1790 = vector.shape_cast %swap3A_1789 : vector<1x16xf32> to vector<16xf32>
      %swap3A_1791 = vector.shape_cast %get3A_1785 : vector<16xf32> to vector<1x16xf32>
      tpu.vector_store %arg13[%swap3A_1787, %swap3A_1788], %swap3A_1791 {strides = array<i32>} : memref<16x32xf32, #tpu.memory_space<vmem>>, vector<1x16xf32>,
      %slice3A_1792 = vector.extract_strided_slice %and3A_27 {offsets = [15], sizes = [1], strides = [1]} : vector<16xi32> to vector<1xi32>
      %squeeze3A_1793 = vector.extract %slice3A_1792[0] : i32 from vector<1xi32>
      %get3A_1794 = arith.constant 15 : i32
      %get3A_1795 = arith.index_cast %get3A_1794 : i32 to index
      %get3A_1796 = arith.index_cast %squeeze3A_1793 : i32 to index
      %get3A_1797 = arith.constant 0 : index
      %get3A_1798 = tpu.vector_load %arg11[%get3A_1795, %get3A_1796, %get3A_1797] {strides = array<i32>} : memref<16x8x32xf32, #tpu.memory_space<vmem>>, vector<1x1x16xf32>,
      %get3A_1799 = vector.shape_cast %get3A_1798 : vector<1x1x16xf32> to vector<16xf32>
      %swap3A_1800 = arith.constant 15 : i32
      %swap3A_1801 = arith.index_cast %swap3A_1800 : i32 to index
      %swap3A_1802 = arith.constant 0 : index
      %swap3A_1803 = tpu.vector_load %arg13[%swap3A_1801, %swap3A_1802] {strides = array<i32>} : memref<16x32xf32, #tpu.memory_space<vmem>>, vector<1x16xf32>,
      %swap3A_1804 = vector.shape_cast %swap3A_1803 : vector<1x16xf32> to vector<16xf32>
      %swap3A_1805 = vector.shape_cast %get3A_1799 : vector<16xf32> to vector<1x16xf32>
      tpu.vector_store %arg13[%swap3A_1801, %swap3A_1802], %swap3A_1805 {strides = array<i32>} : memref<16x32xf32, #tpu.memory_space<vmem>>, vector<1x16xf32>,
      %get3A_1806 = arith.constant 15 : i32
      %get3A_1807 = arith.index_cast %get3A_1806 : i32 to index
      %get3A_1808 = arith.index_cast %squeeze3A_1793 : i32 to index
      %get3A_1809 = arith.constant 16 : index
      %get3A_1810 = tpu.vector_load %arg11[%get3A_1807, %get3A_1808, %get3A_1809] {strides = array<i32>} : memref<16x8x32xf32, #tpu.memory_space<vmem>>, vector<1x1x16xf32>,
      %get3A_1811 = vector.shape_cast %get3A_1810 : vector<1x1x16xf32> to vector<16xf32>
      %swap3A_1812 = arith.constant 15 : i32
      %swap3A_1813 = arith.index_cast %swap3A_1812 : i32 to index
      %swap3A_1814 = arith.constant 16 : index
      %swap3A_1815 = tpu.vector_load %arg13[%swap3A_1813, %swap3A_1814] {strides = array<i32>} : memref<16x32xf32, #tpu.memory_space<vmem>>, vector<1x16xf32>,
      %swap3A_1816 = vector.shape_cast %swap3A_1815 : vector<1x16xf32> to vector<16xf32>
      %swap3A_1817 = vector.shape_cast %get3A_1811 : vector<16xf32> to vector<1x16xf32>
      tpu.vector_store %arg13[%swap3A_1813, %swap3A_1814], %swap3A_1817 {strides = array<i32>} : memref<16x32xf32, #tpu.memory_space<vmem>>, vector<1x16xf32>,
      %mul3A_1818 = arith.constant 16 : i32
      %mul3A_1819 = arith.muli %scan3A_8, %mul3A_1818 : i32
      %add3A_1820 = arith.addi %mul3A_2, %mul3A_1819 : i32
      "tpu.region"() ({
        %run_scoped3A = tpu.sem_alloc : memref<!tpu.dma_semaphore, #tpu.memory_space<semaphore_mem>>
        %dma_start3A_1821 = arith.constant 0 : i32
        %dma_start3A_1822 = tpu.memref_slice %arg7[%add3A_1820, %dma_start3A_1821] : memref<16384x32xf32, #tpu.memory_space<hbm>> -> memref<16x32xf32, #tpu.memory_space<hbm>>
        %dma_start3A_1823 = arith.constant 0 : i32
        %dma_start3A_1824 = tpu.memref_slice %arg7[%add3A_1820, %dma_start3A_1823] : memref<16384x32xf32, #tpu.memory_space<hbm>> -> memref<16x32xf32, #tpu.memory_space<hbm>>
        tpu.enqueue_dma source(%arg13 : memref<16x32xf32, #tpu.memory_space<vmem>>) target(%dma_start3A_1824 : memref<16x32xf32, #tpu.memory_space<hbm>>) target_semaphore(%run_scoped3A : memref<!tpu.dma_semaphore, #tpu.memory_space<semaphore_mem>>)
        %dma_wait3A_1825 = arith.constant 0 : i32
        %dma_wait3A_1826 = tpu.memref_slice %arg7[%add3A_1820, %dma_wait3A_1825] : memref<16384x32xf32, #tpu.memory_space<hbm>> -> memref<16x32xf32, #tpu.memory_space<hbm>>
        %dma_wait3A_1827 = arith.constant 0 : i32
        %dma_wait3A_1828 = tpu.memref_slice %arg7[%add3A_1820, %dma_wait3A_1827] : memref<16384x32xf32, #tpu.memory_space<hbm>> -> memref<16x32xf32, #tpu.memory_space<hbm>>
        tpu.wait_dma2 semaphore(%run_scoped3A : memref<!tpu.dma_semaphore, #tpu.memory_space<semaphore_mem>>) src(%arg13 : memref<16x32xf32, #tpu.memory_space<vmem>>) dst(%dma_wait3A_1828 : memref<16x32xf32, #tpu.memory_space<hbm>>)
        tpu.yield
      }) : () -> ()
    }
    %scan3A_7 = arith.constant 32 : i32
    return
  }
}

module attributes {stable_mosaic.version = 14 : i64} {
  func.func @_mlp_body(%arg0: i32, %arg1: memref<1024x32xf32, #tpu.memory_space<vmem>>, %arg2: memref<1024x32xf32, #tpu.memory_space<vmem>>, %arg3: memref<1x1x1024xf32, #tpu.memory_space<vmem>>, %arg4: memref<32x256xf32, #tpu.memory_space<vmem>>, %arg5: memref<32x256xf32, #tpu.memory_space<vmem>>, %arg6: memref<1x256xf32, #tpu.memory_space<vmem>>, %arg7: memref<256x64xf32, #tpu.memory_space<vmem>>, %arg8: memref<1x64xf32, #tpu.memory_space<vmem>>, %arg9: memref<1x64xf32, #tpu.memory_space<vmem>>, %arg10: memref<1xf32, #tpu.memory_space<smem>>, %arg11: memref<1xf32, #tpu.memory_space<smem>>) attributes {dimension_semantics = [#tpu.dimension_semantics<arbitrary>], iteration_bounds = array<i64: 16>, scalar_prefetch = 0 : i64, scratch_operands = 0 : i64, tpu.core_type = #tpu.core_type<tc>, window_params = [{transform_indices = @transform_0, window_bounds = array<i64: 1024, 32>}, {transform_indices = @transform_1, window_bounds = array<i64: 1024, 32>}, {transform_indices = @transform_2, window_bounds = array<i64: 1, 1, 1024>}, {pipeline_mode = #tpu.pipeline_mode<synchronous>, transform_indices = @transform_3, window_bounds = array<i64: 32, 256>}, {pipeline_mode = #tpu.pipeline_mode<synchronous>, transform_indices = @transform_4, window_bounds = array<i64: 32, 256>}, {pipeline_mode = #tpu.pipeline_mode<synchronous>, transform_indices = @transform_5, window_bounds = array<i64: 1, 256>}, {pipeline_mode = #tpu.pipeline_mode<synchronous>, transform_indices = @transform_6, window_bounds = array<i64: 256, 64>}, {pipeline_mode = #tpu.pipeline_mode<synchronous>, transform_indices = @transform_7, window_bounds = array<i64: 1, 64>}, {pipeline_mode = #tpu.pipeline_mode<synchronous>, transform_indices = @transform_8, window_bounds = array<i64: 1, 64>}, {transform_indices = @transform_9, window_bounds = array<i64: 1>}, {transform_indices = @transform_10, window_bounds = array<i64: 1>}]} {
    %get3A = arith.constant 0 : index
    %get3A_0 = arith.constant 0 : index
    %get3A_1 = vector.load %arg1[%get3A, %get3A_0] : memref<1024x32xf32, #tpu.memory_space<vmem>>, vector<1024x32xf32>
    %get3A_2 = arith.constant 0 : index
    %get3A_3 = arith.constant 0 : index
    %get3A_4 = vector.load %arg2[%get3A_2, %get3A_3] : memref<1024x32xf32, #tpu.memory_space<vmem>>, vector<1024x32xf32>
    %get3A_5 = arith.constant 0 : index
    %get3A_6 = arith.constant 0 : index
    %get3A_7 = vector.load %arg4[%get3A_5, %get3A_6] : memref<32x256xf32, #tpu.memory_space<vmem>>, vector<32x256xf32>
    %dot_general3A = arith.constant dense<0.000000e+00> : vector<1024x256xf32>
    %dot_general3A_8 = tpu.matmul %get3A_1, %get3A_7, %dot_general3A {dimension_numbers = #tpu.dot_dimension_numbers<[1], [0], [0], [1], [0, 0, 1, 1], [], []>, transpose_lhs_hint = false} : vector<1024x32xf32>, vector<32x256xf32>, vector<1024x256xf32> -> vector<1024x256xf32>
    %get3A_9 = arith.constant 0 : index
    %get3A_10 = arith.constant 0 : index
    %get3A_11 = vector.load %arg5[%get3A_9, %get3A_10] : memref<32x256xf32, #tpu.memory_space<vmem>>, vector<32x256xf32>
    %dot_general3A_12 = arith.constant dense<0.000000e+00> : vector<1024x256xf32>
    %dot_general3A_13 = tpu.matmul %get3A_4, %get3A_11, %dot_general3A_12 {dimension_numbers = #tpu.dot_dimension_numbers<[1], [0], [0], [1], [0, 0, 1, 1], [], []>, transpose_lhs_hint = false} : vector<1024x32xf32>, vector<32x256xf32>, vector<1024x256xf32> -> vector<1024x256xf32>
    %add3A = arith.addf %dot_general3A_8, %dot_general3A_13 : vector<1024x256xf32>
    %get3A_14 = arith.constant 0 : index
    %get3A_15 = arith.constant 0 : index
    %get3A_16 = vector.load %arg6[%get3A_14, %get3A_15] : memref<1x256xf32, #tpu.memory_space<vmem>>, vector<1x256xf32>
    %add3A_17 = vector.broadcast %get3A_16 : vector<1x256xf32> to vector<1024x256xf32>
    %add3A_18 = arith.addf %add3A, %add3A_17 : vector<1024x256xf32>
    %max3A = arith.constant 0.000000e+00 : f32
    %max3A_19 = vector.broadcast %max3A : f32 to vector<1024x256xf32>
    %max3A_20 = arith.maximumf %add3A_18, %max3A_19 : vector<1024x256xf32>
    %get3A_21 = arith.constant 0 : index
    %get3A_22 = arith.constant 0 : index
    %get3A_23 = vector.load %arg7[%get3A_21, %get3A_22] : memref<256x64xf32, #tpu.memory_space<vmem>>, vector<256x64xf32>
    %dot_general3A_24 = arith.constant dense<0.000000e+00> : vector<1024x64xf32>
    %dot_general3A_25 = tpu.matmul %max3A_20, %get3A_23, %dot_general3A_24 {dimension_numbers = #tpu.dot_dimension_numbers<[1], [0], [0], [1], [0, 0, 1, 1], [], []>, transpose_lhs_hint = false} : vector<1024x256xf32>, vector<256x64xf32>, vector<1024x64xf32> -> vector<1024x64xf32>
    %get3A_26 = arith.constant 0 : index
    %get3A_27 = arith.constant 0 : index
    %get3A_28 = vector.load %arg8[%get3A_26, %get3A_27] : memref<1x64xf32, #tpu.memory_space<vmem>>, vector<1x64xf32>
    %add3A_29 = vector.broadcast %get3A_28 : vector<1x64xf32> to vector<1024x64xf32>
    %add3A_30 = arith.addf %dot_general3A_25, %add3A_29 : vector<1024x64xf32>
    %max3A_31 = arith.constant 0.000000e+00 : f32
    %max3A_32 = vector.broadcast %max3A_31 : f32 to vector<1024x64xf32>
    %max3A_33 = arith.maximumf %add3A_30, %max3A_32 : vector<1024x64xf32>
    %get3A_34 = arith.constant 0 : index
    %get3A_35 = arith.constant 0 : index
    %get3A_36 = vector.load %arg9[%get3A_34, %get3A_35] : memref<1x64xf32, #tpu.memory_space<vmem>>, vector<1x64xf32>
    %mul3A = vector.broadcast %get3A_36 : vector<1x64xf32> to vector<1024x64xf32>
    %mul3A_37 = arith.mulf %max3A_33, %mul3A : vector<1024x64xf32>
    %reduce_sum3A = arith.constant dense<0.000000e+00> : vector<1024xf32>
    %reduce_sum3A_38 = vector.multi_reduction <add>, %mul3A_37, %reduce_sum3A [1] : vector<1024x64xf32> to vector<1024xf32>
    %get3A_39 = arith.constant 0 : index
    %get3A_40 = memref.load %arg10[%get3A_39] : memref<1xf32, #tpu.memory_space<smem>>
    %add3A_41 = vector.broadcast %get3A_40 : f32 to vector<1024xf32>
    %add3A_42 = arith.addf %reduce_sum3A_38, %add3A_41 : vector<1024xf32>
    %get3A_43 = arith.constant 0 : index
    %get3A_44 = arith.constant 0 : index
    %get3A_45 = arith.constant 0 : index
    %get3A_46 = vector.load %arg3[%get3A_43, %get3A_44, %get3A_45] : memref<1x1x1024xf32, #tpu.memory_space<vmem>>, vector<1x1x1024xf32>
    %get3A_47 = vector.shape_cast %get3A_46 : vector<1x1x1024xf32> to vector<1024xf32>
    %sub3A = arith.subf %get3A_47, %add3A_42 : vector<1024xf32>
    %mul3A_48 = arith.mulf %sub3A, %sub3A : vector<1024xf32>
    %reduce_sum3A_49 = vector.shape_cast %mul3A_48 : vector<1024xf32> to vector<1x1024xf32>
    %reduce_sum3A_50 = arith.constant dense<0.000000e+00> : vector<1xf32>
    %reduce_sum3A_51 = vector.multi_reduction <add>, %reduce_sum3A_49, %reduce_sum3A_50 [1] : vector<1x1024xf32> to vector<1xf32>
    %reduce_sum3A_52 = vector.shape_cast %reduce_sum3A_51 : vector<1xf32> to vector<1x1xf32>
    %reduce_sum3A_53 = vector.extract %reduce_sum3A_52[0, 0] : f32 from vector<1x1xf32>
    %eq3A = arith.constant 0 : i32
    %eq3A_54 = arith.cmpi eq, %arg0, %eq3A : i32
    %convert_element_type3A = arith.extui %eq3A_54 : i1 to i32
    %cond3A = arith.constant 0 : i32
    %cond3A_55 = arith.cmpi ne, %convert_element_type3A, %cond3A : i32
    scf.if %cond3A_55 {
      %swap3A_60 = arith.constant 0.000000e+00 : f32
      %swap3A_61 = arith.constant 0 : index
      %swap3A_62 = memref.load %arg11[%swap3A_61] : memref<1xf32, #tpu.memory_space<smem>>
      memref.store %swap3A_60, %arg11[%swap3A_61] : memref<1xf32, #tpu.memory_space<smem>>
    } else {
    }
    %get3A_56 = arith.constant 0 : index
    %get3A_57 = memref.load %arg11[%get3A_56] : memref<1xf32, #tpu.memory_space<smem>>
    %add3A_58 = arith.addf %get3A_57, %reduce_sum3A_53 : f32
    %swap3A = arith.constant 0 : index
    %swap3A_59 = memref.load %arg11[%swap3A] : memref<1xf32, #tpu.memory_space<smem>>
    memref.store %add3A_58, %arg11[%swap3A] : memref<1xf32, #tpu.memory_space<smem>>
    return
  }
  func.func @transform_0(%arg0: i32) -> (i32, i32) {
    %c0_i32 = arith.constant 0 : i32
    %c0_i32_0 = arith.constant 0 : i32
    return %arg0, %c0_i32 : i32, i32
  }
  func.func @transform_1(%arg0: i32) -> (i32, i32) {
    %c0_i32 = arith.constant 0 : i32
    %c0_i32_0 = arith.constant 0 : i32
    return %arg0, %c0_i32 : i32, i32
  }
  func.func @transform_2(%arg0: i32) -> (i32, i32, i32) {
    %c0_i32 = arith.constant 0 : i32
    %c0_i32_0 = arith.constant 0 : i32
    %c0_i32_1 = arith.constant 0 : i32
    return %arg0, %c0_i32, %c0_i32_0 : i32, i32, i32
  }
  func.func @transform_3(%arg0: i32) -> (i32, i32) {
    %c0_i32 = arith.constant 0 : i32
    %c0_i32_0 = arith.constant 0 : i32
    %c0_i32_1 = arith.constant 0 : i32
    return %c0_i32, %c0_i32_0 : i32, i32
  }
  func.func @transform_4(%arg0: i32) -> (i32, i32) {
    %c0_i32 = arith.constant 0 : i32
    %c0_i32_0 = arith.constant 0 : i32
    %c0_i32_1 = arith.constant 0 : i32
    return %c0_i32, %c0_i32_0 : i32, i32
  }
  func.func @transform_5(%arg0: i32) -> (i32, i32) {
    %c0_i32 = arith.constant 0 : i32
    %c0_i32_0 = arith.constant 0 : i32
    %c0_i32_1 = arith.constant 0 : i32
    return %c0_i32, %c0_i32_0 : i32, i32
  }
  func.func @transform_6(%arg0: i32) -> (i32, i32) {
    %c0_i32 = arith.constant 0 : i32
    %c0_i32_0 = arith.constant 0 : i32
    %c0_i32_1 = arith.constant 0 : i32
    return %c0_i32, %c0_i32_0 : i32, i32
  }
  func.func @transform_7(%arg0: i32) -> (i32, i32) {
    %c0_i32 = arith.constant 0 : i32
    %c0_i32_0 = arith.constant 0 : i32
    %c0_i32_1 = arith.constant 0 : i32
    return %c0_i32, %c0_i32_0 : i32, i32
  }
  func.func @transform_8(%arg0: i32) -> (i32, i32) {
    %c0_i32 = arith.constant 0 : i32
    %c0_i32_0 = arith.constant 0 : i32
    %c0_i32_1 = arith.constant 0 : i32
    return %c0_i32, %c0_i32_0 : i32, i32
  }
  func.func @transform_9(%arg0: i32) -> i32 {
    %c0_i32 = arith.constant 0 : i32
    %c0_i32_0 = arith.constant 0 : i32
    return %c0_i32 : i32
  }
  func.func @transform_10(%arg0: i32) -> i32 {
    %c0_i32 = arith.constant 0 : i32
    %c0_i32_0 = arith.constant 0 : i32
    return %c0_i32 : i32
  }
}

</mosaic_0001>

<sc_bundles>
// kernel: kernel.4.cloned.1.call-start
scs
__scs_entry_jumppad:
0x0: {  	(pc) =	sbr.rel $0x88, $3  }
0x1: {  	(tag) =	ssettag $0x0;
	lr =	simm.s32 $0x1  }
0x2: {  	[smem:$0x3F96] =	sst lr;
	_ =	strace $0xD0000000  }
0x3: {  	_ = 	snop  }
0x4: {  	_ = 	snop  }
0x5: {  	_ = 	snop  }
0x6: {  	_ = 	snop  }
0x7: {  	_ = 	snop  }
__scs_overlays_trampoline_lowered:
0x8: {  	[smem:$0x3FA5] =	sst s0  }
0x9: {  	[smem:$0x3FA6] =	sst s1  }
0xa: {  	[smem:$0x3FA7] =	sst s2  }
0xb: {  	[smem:$0x3FA8] =	sst s3  }
0xc: {  	[smem:$0x3FA9] =	sst s4  }
0xd: {  	[smem:$0x3FAA] =	sst s5  }
0xe: {  	[smem:$0x3FAB] =	sst s6  }
0xf: {  	[smem:$0x3FAC] =	sst s7  }
0x10: {  	[smem:$0x3FAD] =	sst s8  }
0x11: {  	[smem:$0x3FAE] =	sst s9;
	s0 =	simm.s32 @!p0 $0x0  }
0x12: {  	s1 =	sld [smem:$0x3F94];
	s0 =	simm.s32 @p0 $0x1  }
0x13: {  	[smem:$0x3FAF] =	sst s0;
	s0 =	simm.s32 @!p1 $0x0  }
0x14: {  	s2 =	sld [smem:$0x3F93];
	s0 =	simm.s32 @p1 $0x1  }
0x15: {  	[smem:$0x3FB0] =	sst s0;
	s0 =	simm.s32 @!p2 $0x0  }
0x16: {  	s3 =	sld [smem:$0x3FDB];
	s0 =	simm.s32 @p2 $0x1  }
0x17: {  	s4 =	simm.s32 $0x1BF5;
	[smem:$0x3FB2] =	sst s0  }
0x18: {  	s0 =	sld [smem:$0x3F95];
	_ =	swait.ge [sflag:s4], $0x0  }
0x19: {  	s7 =	sld [smem:$0x3F96]  }
0x1a: {  	s8 =	sadd.s32 $0xFFFFE003, lr  }
0x1b: {  	s9 =	sadd.s32 $0xFFFFFEF7, lr;
	s5 =	simm.s32 $0xFFFFFFFF;
	p2 =	slt.u32 s8, $0xFFFFF086  }
0x1c: {  	p1 =	slt.u32 s9, $0xF7A;
	s5 =	simm.s32 @!p2 $0x0  }
0x1d: {  	s5 =	simm.s32 @p1 $0x1;
	p0 =	seq.s32 s7, s2  }
0x1e: {  	s7 =	smul.u32 @!p0 $0xF7A, s2;
	p2 =	seq.s32 @!p0 s5, $0x0  }
0x1f: {  	s9 =	smul.u32 $0xF7A, s1;
	s8 =	simm.s32 @!p0 $0x1BF5;
	p2 =	por !p2, p0  }
0x20: {  	[sflag:s8] =	ssyncset.s32 @!p0 $0xFFFFF086;
	s6 =	sadd.s32 @!p0 s3, s7;
	s7 =	simm.s32 @!p0 $0x108  }
0x21: {  	s3 =	sadd.s32 s3, s9;
	s6 =	sadd.s32 @!p0 $0x88, s6;
	s7 =	simm.s32 @p2 $0x1082  }
0x22: {  	[simem:s7], [sflag:s8] =	dma.local @!p0 [hbm:s6], $0xF7A  }
0x23: {  	s9 =	sor.u32 $0xD0000000, s2;
	s6 =	simm.s32 $0x108;
	_ =	swait.ge @!p0 [sflag:s8], $0x0  }
0x24: {  	s3 =	sadd.s32 $0x88, s3;
	s6 =	simm.s32 @!p1 $0x1082;
	[sflag:s4] =	ssyncset.s32 $0xFFFFF086  }
0x25: {  	[simem:s6], [sflag:s4] =	dma.local [hbm:s3], $0xF7A  }
0x26: {  	[smem:$0x3F96] =	sst s1;
	(tag) =	ssettag s2;
	_ =	strace s9  }
0x27: {  	s1 =	sld [smem:$0x3FA6]  }
0x28: {  	s2 =	sld [smem:$0x3FA7]  }
0x29: {  	s4 =	sld [smem:$0x3FA9]  }
0x2a: {  	p0 =	seq.s32 s5, $0x0;
	s5 =	sld [smem:$0x3FAA]  }
0x2b: {  	s6 =	sld [smem:$0x3FAB]  }
0x2c: {  	s7 =	sld [smem:$0x3FAC]  }
0x2d: {  	s3 =	simm.s32 $0x108;
	s8 =	sld [smem:$0x3FAD]  }
0x2e: {  	s3 =	simm.s32 @!p0 $0x1082;
	s9 =	sld [smem:$0x3FAE]  }
0x2f: {  	lr =	sadd.s32 s0, s3;
	s0 =	sld [smem:$0x3FA5]  }
0x30: {  	s3 =	sld [smem:$0x3FA8]  }
0x31: {  	[smem:$0x3FB1] =	sst s10  }
0x32: {  	s10 =	sld [smem:$0x3FAF];
	_ =	sdelay $0x3  }
0x33: {  	p0 =	seq.s32 s10, $0x1;
	s10 =	sld [smem:$0x3FB1];
	_ =	sdelay $0x3  }
0x34: {  	[smem:$0x3FB1] =	sst s10  }
0x35: {  	s10 =	sld [smem:$0x3FB0];
	_ =	sdelay $0x3  }
0x36: {  	p1 =	seq.s32 s10, $0x1;
	s10 =	sld [smem:$0x3FB1];
	_ =	sdelay $0x3  }
0x37: {  	[smem:$0x3FB1] =	sst s10  }
0x38: {  	s10 =	sld [smem:$0x3FB2]  }
0x39: {  	_ = 	snop;
	(pc) =	sbr.ind lr, $3  }
0x3a: {  	_ = 	snop  }
0x3b: {  	_ = 	snop  }
0x3c: {  	p2 =	seq.s32 s10, $0x1;
	s10 =	sld [smem:$0x3FB1]  }
0x3d: {  	_ =	shalt  }
0x3e: {  	_ =	shalt  }
0x3f: {  	_ =	shalt  }
0x40: {  	_ =	shalt  }
0x41: {  	_ =	shalt  }
0x42: {  	_ =	shalt  }
0x43: {  	_ =	shalt  }
0x44: {  	_ =	shalt  }
0x45: {  	_ =	shalt  }
0x46: {  	_ =	shalt  }
0x47: {  	_ =	shalt  }
0x48: {  	_ =	shalt  }
0x49: {  	_ =	shalt  }
0x4a: {  	_ =	shalt  }
0x4b: {  	_ =	shalt  }
0x4c: {  	_ =	shalt  }
0x4d: {  	_ =	shalt  }
0x4e: {  	_ =	shalt  }
0x4f: {  	_ =	shalt  }
0x50: {  	_ =	shalt  }
0x51: {  	_ =	shalt  }
0x52: {  	_ =	shalt  }
0x53: {  	_ =	shalt  }
0x54: {  	_ =	shalt  }
0x55: {  	_ =	shalt  }
0x56: {  	_ =	shalt  }
0x57: {  	_ =	shalt  }
0x58: {  	_ =	shalt  }
0x59: {  	_ =	shalt  }
0x5a: {  	_ =	shalt  }
0x5b: {  	_ =	shalt  }
0x5c: {  	_ =	shalt  }
0x5d: {  	_ =	shalt  }
0x5e: {  	_ =	shalt  }
0x5f: {  	_ =	shalt  }
0x60: {  	_ =	shalt  }
0x61: {  	_ =	shalt  }
0x62: {  	_ =	shalt  }
0x63: {  	_ =	shalt  }
0x64: {  	_ =	shalt  }
0x65: {  	_ =	shalt  }
0x66: {  	_ =	shalt  }
0x67: {  	_ =	shalt  }
0x68: {  	_ =	shalt  }
0x69: {  	_ =	shalt  }
0x6a: {  	_ =	shalt  }
0x6b: {  	_ =	shalt  }
0x6c: {  	_ =	shalt  }
0x6d: {  	_ =	shalt  }
0x6e: {  	_ =	shalt  }
0x6f: {  	_ =	shalt  }
0x70: {  	_ =	shalt  }
0x71: {  	_ =	shalt  }
0x72: {  	_ =	shalt  }
0x73: {  	_ =	shalt  }
0x74: {  	_ =	shalt  }
0x75: {  	_ =	shalt  }
0x76: {  	_ =	shalt  }
0x77: {  	_ =	shalt  }
0x78: {  	_ =	shalt  }
0x79: {  	_ =	shalt  }
0x7a: {  	_ =	shalt  }
0x7b: {  	_ =	shalt  }
0x7c: {  	_ =	shalt  }
0x7d: {  	_ =	shalt  }
0x7e: {  	_ =	shalt  }
0x7f: {  	_ =	shalt  }
0x80: {  	_ =	shalt  }
0x81: {  	_ =	shalt  }
0x82: {  	_ =	shalt  }
0x83: {  	_ =	shalt  }
0x84: {  	_ =	shalt  }
0x85: {  	_ =	shalt  }
0x86: {  	_ =	shalt  }
0x87: {  	_ =	shalt  }
.Lfunc_end0:
.L_simem_size_0:
called_computation_lowered:
.L_overlay_start_0:
0x88: {  	s2 =	sld [smem:$0x3FD9]  }
0x89: {  	s3 =	sld [smem:$0x3FFE];
	_ =	sdelay $0x1  }
0x8a: {  	s1 =	srdreg.scid  }
0x8b: {  	s0 =	sand.u32 $0x1, s1  }
0x8c: {  	s17 =	sshll.u32 s0, $0xA;
	s2 =	sadd.s32 s3, s2  }
0x8d: {  	s2 =	sadd.s32 s2, s17  }
0x8e: {  	[smem:$0x3FBD] =	sst s2  }
0x8f: {  	_ = 	snop  }
0x90: {  	s2 =	sld [smem:$0x3FC9]  }
0x91: {  	s18 =	sld [smem:$0x3FC8];
	(tm) =	ssettm $0x1  }
0x92: {  	s4 =	sld [smem:$0x3FFB];
	_ =	sdelay $0x3  }
0x93: {  	_ =	strace s4  }
0x94: {  	s4 =	sld [smem:$0x3FFC];
	_ =	sdelay $0x3  }
0x95: {  	_ =	strace s4  }
0x96: {  	s4 =	sld [smem:$0x3FFD];
	_ =	sdelay $0x3  }
0x97: {  	_ =	strace s4  }
0x98: {  	_ =	strace $0x8FFFFFFF  }
0x99: {  	s19 =	sld [smem:$0x3FDB];
	_ =	sdelay $0x1  }
0x9a: {  	s5 =	simm.s32 $_scs_section_size  }
0x9b: {  	s6 =	simm.s32 $_size__tile_overlayer_lowered;
	s7 =	simm.s32 $_tile_overlayer_lowered  }
0x9c: {  	s22 =	simm.s32 $0x1BFF;
	s21 =	sshll.u32 s7, $0x1;
	s4 =	sadd.s32 s5, s19  }
0x9d: {  	s8 =	simm.s32 $0x0;
	s20 =	sshll.u32 s6, $0x1;
	s6 =	sadd.s32 s21, s4  }
0x9e: {  	[timem:s8], [sflag:s22] =	dma.local [hbm:s6], s20  }
0x9f: {  	_ =	swait.ge [sflag:s22], s20  }
0xa0: {  	s5 =	ssub.s32 $0x0, s20;
	[sflag:s22] =	ssyncset.done $0x0  }
0xa1: {  	[sflag:s22] =	ssyncadd.s32 s5;
	_ =	sdelay $0x1  }
0xa2: {  	s23 =	simm.s32 $0x1B8B  }
0xa3: {  	_ =	swait.ge [sflag:s23], $0x1  }
0xa4: {  	[sflag:s23] =	ssyncset.done $0x0  }
0xa5: {  	s25 =	simm.s32 $0x1B8E;
	s24 =	sld [smem:$0x3FFE];
	[sflag:s23] =	ssyncadd.s32 $0xFFFFFFFF  }
0xa6: {  	s26 =	simm.s32 $execute0_lowered;
	[smem:$0x3FD2] =	sst s25  }
0xa7: {  	s6 =	sshll.u32 s26, $0x1;
	_ =	strace $0x80000046;
	[dreg:$0x1] =	wrdreg $0xFFFFFFFF  }
0xa8: {  	s28 =	simm.s32 $_size_execute0_lowered;
	s4 =	sadd.s32 s4, s6;
	[dreg:$0x0] =	wrdreg $0x0  }
0xa9: {  	s6 =	sshll.u32 s28, $0x1;
	[dreg:$0x2] =	wrdreg s4  }
0xaa: {  	[dreg:$0x3] =	wrdreg s6  }
0xab: {  	[dreg:$0x4] =	wrdreg $0xC0  }
0xac: {  	_ =	task [dreg:s8], $0x5FFFF  }
0xad: {  	[dreg:$0x1] =	wrdreg $0xFFFFFFFF  }
0xae: {  	[dreg:$0x0] =	wrdreg $0x60  }
0xaf: {  	[dreg:$0x2] =	wrdreg s2  }
0xb0: {  	[dreg:$0x3] =	wrdreg s18  }
0xb1: {  	[dreg:$0x4] =	wrdreg s24  }
0xb2: {  	[dreg:$0x5] =	wrdreg $0x9  }
0xb3: {  	_ =	task.clear_ibuf [dreg:s8], $0x6FFFF;
	_ =	strace $0x90000046  }
0xb4: {  	s29 =	simm.s32 $0x9;
	_ =	strace $0x80000048  }
0xb5: {  	_ =	swait.ge [sflag:s29], $0x1  }
0xb6: {  	[sflag:s29] =	ssyncadd.s32 $0xFFFFFFFF  }
0xb7: {  	_ =	strace $0x90000048  }
0xb8: {  	_ =	sfence  }
0xb9: {  	s30 =	sld [smem:$0x0];
	_ =	sdelay $0x2  }
0xba: {  	s31 =	sshll.u32 s1, $0xD;
	s1 =	sshrl.u32 s1, $0x2  }
0xbb: {  	s3 =	sand.u32 $0x4000, s31;
	s1 =	sadd.s32 s1, s30  }
0xbc: {  	s0 =	sor.u32 s3, s0;
	s1 =	sshll.u32 s1, $0x11  }
0xbd: {  	s0 =	sor.u32 s1, s0  }
0xbe: {  	s0 =	sadd.s32 $0x8F2B, s0  }
0xbf: {  	[sflag:s0] =	ssyncadd.remote.s32 $0x1  }
0xc0: {  	_ =	sfence.sel $0xFFFF  }
0xc1: {  	[dreg:$0x0] =	wrdreg $0xFFFFFFFF;
	(pc) =	sbr.abs _section_cstart, $3  }
0xc2: {  	[dreg:$0x1] =	wrdreg $0xFFFFFFFF  }
0xc3: {  	_ =	task.clear_ibuf [dreg:s8], $0x2FFFF;
	_ =	strace $0x9FFFFFFF  }
0xc4: {  	(tm) =	ssettm $0x7FFFFFFF  }
0xc5: {  	_ =	shalt  }
tec
execute0_lowered:
.L_overlay_start_1:
0x0: {  	(tag) =	ssettag $0x1  }
0x1: {  	s5 =	rddreg [dreg:$0x0]  }
0x2: {  	s6 =	rddreg [dreg:$0x1]  }
0x3: {  	s7 =	rddreg [dreg:$0x2]  }
0x4: {  	s0 =	rddreg [dreg:$0x3];
	s1 =	simm.s32 $0x0  }
0x5: {  	s2 =	simm.s32 $0x400;
	[smem:$0x7FF] =	sst s1  }
0x6: {  	s21 =	simm.s32 $0x800;
	_ =	strace $0x80000047;
	[dreg:$0x4] =	wrdreg s2  }
0x7: {  	s22 =	simm.s32 $0xC00;
	[dreg:$0x5] =	wrdreg s21  }
0x8: {  	s23 =	simm.s32 $0x1000;
	[dreg:$0x6] =	wrdreg s22  }
0x9: {  	s24 =	simm.s32 $0x1400;
	[dreg:$0x7] =	wrdreg s23  }
0xa: {  	s25 =	simm.s32 $0x1800;
	[dreg:$0x8] =	wrdreg s24  }
0xb: {  	s26 =	simm.s32 $0x1C00;
	[dreg:$0x9] =	wrdreg s25  }
0xc: {  	s28 =	simm.s32 $0x2000;
	[dreg:$0xa] =	wrdreg s26  }
0xd: {  	s29 =	simm.s32 $0x2400;
	[dreg:$0xb] =	wrdreg s28  }
0xe: {  	s3 =	simm.s32 $0x2800;
	[dreg:$0xc] =	wrdreg s29  }
0xf: {  	s30 =	simm.s32 $0x2C00;
	[dreg:$0xd] =	wrdreg s3  }
0x10: {  	s8 =	simm.s32 $0x3000;
	[dreg:$0xe] =	wrdreg s30  }
0x11: {  	s31 =	simm.s32 $0x3400;
	[dreg:$0xf] =	wrdreg s8  }
0x12: {  	s10 =	simm.s32 $0x3800;
	[dreg:$0x10] =	wrdreg s31  }
0x13: {  	s11 =	simm.s32 $0x3C00;
	[dreg:$0x11] =	wrdreg s10  }
0x14: {  	s13 =	simm.s32 $0x4000;
	[dreg:$0x12] =	wrdreg s11  }
0x15: {  	s14 =	simm.s32 $0x4400;
	[dreg:$0x13] =	wrdreg s13  }
0x16: {  	s15 =	simm.s32 $0x4800;
	[dreg:$0x14] =	wrdreg s14  }
0x17: {  	s16 =	simm.s32 $0x4C00;
	[dreg:$0x15] =	wrdreg s15  }
0x18: {  	s17 =	simm.s32 $0x5000;
	[dreg:$0x16] =	wrdreg s16  }
0x19: {  	s19 =	simm.s32 $0x5400;
	[dreg:$0x17] =	wrdreg s17  }
0x1a: {  	s20 =	simm.s32 $0x5800;
	[dreg:$0x18] =	wrdreg s19  }
0x1b: {  	[dreg:$0x19] =	wrdreg s20;
	s21 =	simm.s32 $0x5C00  }
0x1c: {  	s22 =	simm.s32 $0x6000;
	[dreg:$0x1a] =	wrdreg s21  }
0x1d: {  	s23 =	simm.s32 $0x6400;
	[dreg:$0x1b] =	wrdreg s22  }
0x1e: {  	s12 =	srdreg.scid;
	s24 =	simm.s32 $0x6800;
	[dreg:$0x1c] =	wrdreg s23  }
0x1f: {  	s4 =	sadd.s32 $0xF44000, s7;
	s25 =	simm.s32 $0x6C00;
	[dreg:$0x1d] =	wrdreg s24  }
0x20: {  	s2 =	sadd.s32 $0x1C00, s7;
	s26 =	simm.s32 $0x7000;
	[dreg:$0x1e] =	wrdreg s25  }
0x21: {  	s3 =	stileid.u32;
	s28 =	simm.s32 $0x7400;
	[dreg:$0x1f] =	wrdreg s26  }
0x22: {  	s8 =	sand.u32 $0x1, s12;
	s29 =	simm.s32 $0x7800;
	[smem:$0x7F8] =	sst s28  }
0x23: {  	s30 =	simm.s32 $0x7C00;
	s31 =	simm.s32 $0x8000;
	[smem:$0x7F9] =	sst s29  }
0x24: {  	s13 =	simm.s32 $0x8400;
	s14 =	simm.s32 $0x8C00;
	[smem:$0x7FA] =	sst s30  }
0x25: {  	s9 =	sshll.u32 s3, $0xE;
	s10 =	ssub.s32 $0x2, s8;
	[smem:$0x7FB] =	sst s31  }
0x26: {  	s18 =	sshll.u32 s3, $0xA;
	s12 =	sshll.u32 s8, $0x9;
	[smem:$0x7FC] =	sst s13  }
0x27: {  	s8 =	sshll.u32 s8, $0xD;
	s13 =	simm.s32 $0x2;
	[smem:$0x7FD] =	sst s14  }
0x28: {  	s14 =	simm.s32 $0x0;
	s9 =	sadd.s32 s9, s7;
	s11 =	sshrl.u32 s10, $0x1  }
0x29: {  	s10 =	ssub.s32 s10, s11;
	s11 =	sor.u32 s12, s18;
	s9 =	sadd.s32 s8, s9  }
0x2a: {  	s12 =	simm.s32 $0x1;
	s11 =	sshrl.u32 s11, $0x3;
	s7 =	smax.u32 s10, $0x1  }
0x2b: {  	s8 =	sadd.s32 $0x10CAA00, s9;
	s9 =	sadd.s32 $0x110AA00, s9;
	s10 =	simm.s32 $0x3  }
0x2c: {  	s5 =	sadd.s32 s5, s11;
	s6 =	sadd.s32 s6, s11;
	s11 =	simm.s32 $0x200  }
.LBB2_1:
0x2d: {  	[tilespmem:s1], [sflag:$0x3] =	stream.linear.gather [hbm4b:s5+s1], $0x200, $0x38;
	[tilespmem:$0x9400] =	vst v63  }
0x2e: {  	_ =	swait.ge [sflag:s10], $0x200  }
0x2f: {  	[sflag:s10] =	ssyncset.done $0x0  }
0x30: {  	[sflag:s10] =	ssyncadd.s32 $0xFFFFFE00  }
0x31: {  	[tilespmem:s11], [sflag:$0x3] =	stream.linear.gather [hbm4b:s6+s1], $0x200, $0x38;
	[tilespmem:$0x9400] =	vst v63  }
0x32: {  	_ =	swait.ge [sflag:s10], $0x200  }
0x33: {  	s15 =	smov.u32 s9;
	[sflag:s10] =	ssyncset.done $0x0  }
0x34: {  	s16 =	smov.u32 s8;
	s17 =	simm.s32 $0x0;
	[sflag:s10] =	ssyncadd.s32 $0xFFFFFE00  }
.LBB2_2:
0x35: {  	s18 =	sshra.s32 s17, $0x2  }
0x36: {  	v1 =	vld [tilespmem:s18+$0x0];
	_ =	sdelay $0x4  }
0x37: {  	v0 =	vshrl.u32 v1, $0x3  }
0x38: {  	v2 =	vshll.u32 v0, $0x7  }
0x39: {  	(v2sf) =	vpush v2, $0x0;
	_ =	sdelay $0x1  }
0x3a: {  	(v2sf) =	vpush v2, $0x1;
	_ =	sdelay $0x1  }
0x3b: {  	(v2sf) =	vpush v2, $0x2;
	_ =	sdelay $0x2  }
0x3c: {  	(v2sf) =	vpush v2, $0x3;
	_ =	sdelay $0x7  }
0x3d: {  	s19 =	spop (v2sf);
	(v2sf) =	vpush v2, $0x4;
	_ =	sdelay $0x1  }
0x3e: {  	s28 =	spop (v2sf);
	(v2sf) =	vpush v2, $0x5;
	_ =	sdelay $0x1  }
0x3f: {  	s30 =	spop (v2sf);
	(v2sf) =	vpush v2, $0x6;
	_ =	sdelay $0x1  }
0x40: {  	s19 =	sand.u32 $0x1FFFFF80, s19  }
0x41: {  	s26 =	sadd.s32 s2, s19;
	s19 =	spop (v2sf);
	(v2sf) =	vpush v2, $0x7;
	_ =	sdelay $0x7  }
0x42: {  	s20 =	rddreg [dreg:$0x4];
	v58 =	vld [tilespmem:s18+$0x200];
	s18 =	sand.u32 $0x1FFFFF80, s28;
	s21 =	spop (v2sf);
	(v2sf) =	vpush v2, $0x8  }
0x43: {  	[tilespmem:s20], [sflag:$0x1] =	stream.linear.gather [hbm4b:s26+s1], $0x400, $0x38;
	[tilespmem:$0x9400] =	vst v63  }
0x44: {  	s29 =	rddreg [dreg:$0x5];
	s18 =	sadd.s32 s2, s18;
	s23 =	spop (v2sf);
	(v2sf) =	vpush v2, $0x9  }
0x45: {  	[tilespmem:s29], [sflag:$0x1] =	stream.linear.gather [hbm4b:s18+s1], $0x400, $0x38;
	[tilespmem:$0x9400] =	vst v63  }
0x46: {  	s18 =	sand.u32 $0x1FFFFF80, s30;
	s25 =	spop (v2sf);
	(v2sf) =	vpush v2, $0xA  }
0x47: {  	s31 =	rddreg [dreg:$0x6];
	s18 =	sadd.s32 s2, s18  }
0x48: {  	[tilespmem:s31], [sflag:$0x1] =	stream.linear.gather [hbm4b:s18+s1], $0x400, $0x38;
	[tilespmem:$0x9400] =	vst v63  }
0x49: {  	s28 =	spop (v2sf);
	(v2sf) =	vpush v2, $0xB  }
0x4a: {  	s18 =	sand.u32 $0x1FFFFF80, s19  }
0x4b: {  	s20 =	rddreg [dreg:$0x7];
	s18 =	sadd.s32 s2, s18  }
0x4c: {  	[tilespmem:s20], [sflag:$0x1] =	stream.linear.gather [hbm4b:s18+s1], $0x400, $0x38;
	[tilespmem:$0x9400] =	vst v63  }
0x4d: {  	s18 =	sand.u32 $0x1FFFFF80, s21  }
0x4e: {  	s22 =	rddreg [dreg:$0x8];
	s18 =	sadd.s32 s2, s18  }
0x4f: {  	[tilespmem:s22], [sflag:$0x1] =	stream.linear.gather [hbm4b:s18+s1], $0x400, $0x38;
	[tilespmem:$0x9400] =	vst v63  }
0x50: {  	s18 =	sand.u32 $0x1FFFFF80, s23  }
0x51: {  	s24 =	rddreg [dreg:$0x9];
	s18 =	sadd.s32 s2, s18;
	s30 =	spop (v2sf);
	(v2sf) =	vpush v2, $0xC  }
0x52: {  	[tilespmem:s24], [sflag:$0x1] =	stream.linear.gather [hbm4b:s18+s1], $0x400, $0x38;
	[tilespmem:$0x9400] =	vst v63  }
0x53: {  	s19 =	spop (v2sf);
	(v2sf) =	vpush v2, $0xD  }
0x54: {  	s18 =	sand.u32 $0x1FFFFF80, s25  }
0x55: {  	s26 =	rddreg [dreg:$0xa];
	s18 =	sadd.s32 s2, s18;
	s21 =	spop (v2sf);
	(v2sf) =	vpush v2, $0xE  }
0x56: {  	[tilespmem:s26], [sflag:$0x1] =	stream.linear.gather [hbm4b:s18+s1], $0x400, $0x38;
	[tilespmem:$0x9400] =	vst v63  }
0x57: {  	s18 =	sand.u32 $0x1FFFFF80, s28  }
0x58: {  	s29 =	rddreg [dreg:$0xb];
	s18 =	sadd.s32 s2, s18;
	s23 =	spop (v2sf);
	(v2sf) =	vpush v2, $0xF  }
0x59: {  	[tilespmem:s29], [sflag:$0x1] =	stream.linear.gather [hbm4b:s18+s1], $0x400, $0x38;
	[tilespmem:$0x9400] =	vst v63  }
0x5a: {  	s18 =	sand.u32 $0x1FFFFF80, s30  }
0x5b: {  	s31 =	rddreg [dreg:$0xc];
	s18 =	sadd.s32 s2, s18  }
0x5c: {  	[tilespmem:s31], [sflag:$0x1] =	stream.linear.gather [hbm4b:s18+s1], $0x400, $0x38;
	[tilespmem:$0x9400] =	vst v63  }
0x5d: {  	s18 =	sand.u32 $0x1FFFFF80, s19  }
0x5e: {  	v59 =	vshrl.u32 v58, $0x3;
	s20 =	rddreg [dreg:$0xd];
	s18 =	sadd.s32 s2, s18  }
0x5f: {  	v2 =	vshll.u32 v59, $0x7;
	[tilespmem:s20], [sflag:$0x1] =	stream.linear.gather [hbm4b:s18+s1], $0x400, $0x38;
	[tilespmem:$0x9400] =	vst v63  }
0x60: {  	s25 =	spop (v2sf);
	(v2sf) =	vpush v2, $0x0  }
0x61: {  	s18 =	sand.u32 $0x1FFFFF80, s21  }
0x62: {  	s22 =	rddreg [dreg:$0xe];
	s18 =	sadd.s32 s2, s18;
	s28 =	spop (v2sf);
	(v2sf) =	vpush v2, $0x1  }
0x63: {  	[tilespmem:s22], [sflag:$0x1] =	stream.linear.gather [hbm4b:s18+s1], $0x400, $0x38;
	[tilespmem:$0x9400] =	vst v63  }
0x64: {  	s18 =	sand.u32 $0x1FFFFF80, s23;
	s30 =	spop (v2sf);
	(v2sf) =	vpush v2, $0x2  }
0x65: {  	s24 =	rddreg [dreg:$0xf];
	s18 =	sadd.s32 s2, s18  }
0x66: {  	[tilespmem:s24], [sflag:$0x1] =	stream.linear.gather [hbm4b:s18+s1], $0x400, $0x38;
	[tilespmem:$0x9400] =	vst v63  }
0x67: {  	s19 =	spop (v2sf);
	(v2sf) =	vpush v2, $0x3  }
0x68: {  	s18 =	sand.u32 $0x1FFFFF80, s25  }
0x69: {  	s26 =	rddreg [dreg:$0x10];
	s18 =	sadd.s32 s2, s18  }
0x6a: {  	[tilespmem:s26], [sflag:$0x1] =	stream.linear.gather [hbm4b:s18+s1], $0x400, $0x38;
	[tilespmem:$0x9400] =	vst v63  }
0x6b: {  	s18 =	sand.u32 $0x1FFFFF80, s28  }
0x6c: {  	s29 =	rddreg [dreg:$0x11];
	s18 =	sadd.s32 s2, s18  }
0x6d: {  	[tilespmem:s29], [sflag:$0x1] =	stream.linear.gather [hbm4b:s18+s1], $0x400, $0x38;
	[tilespmem:$0x9400] =	vst v63  }
0x6e: {  	s18 =	sand.u32 $0x1FFFFF80, s30  }
0x6f: {  	s31 =	rddreg [dreg:$0x12];
	s18 =	sadd.s32 s2, s18;
	s21 =	spop (v2sf);
	(v2sf) =	vpush v2, $0x4  }
0x70: {  	[tilespmem:s31], [sflag:$0x1] =	stream.linear.gather [hbm4b:s18+s1], $0x400, $0x38;
	[tilespmem:$0x9400] =	vst v63  }
0x71: {  	s23 =	spop (v2sf);
	(v2sf) =	vpush v2, $0x5  }
0x72: {  	s18 =	sand.u32 $0x1FFFFF80, s19  }
0x73: {  	s20 =	rddreg [dreg:$0x13];
	s18 =	sadd.s32 s2, s18;
	s25 =	spop (v2sf);
	(v2sf) =	vpush v2, $0x6  }
0x74: {  	[tilespmem:s20], [sflag:$0x1] =	stream.linear.gather [hbm4b:s18+s1], $0x400, $0x38;
	[tilespmem:$0x9400] =	vst v63  }
0x75: {  	s18 =	sand.u32 $0x1FFFFF80, s21  }
0x76: {  	s22 =	rddreg [dreg:$0x14];
	s18 =	sadd.s32 s4, s18;
	s28 =	spop (v2sf);
	(v2sf) =	vpush v2, $0x7  }
0x77: {  	[tilespmem:s22], [sflag:$0x2] =	stream.linear.gather [hbm4b:s18+s1], $0x400, $0x38;
	[tilespmem:$0x9400] =	vst v63  }
0x78: {  	s18 =	sand.u32 $0x1FFFFF80, s23  }
0x79: {  	s24 =	rddreg [dreg:$0x15];
	s18 =	sadd.s32 s4, s18  }
0x7a: {  	[tilespmem:s24], [sflag:$0x2] =	stream.linear.gather [hbm4b:s18+s1], $0x400, $0x38;
	[tilespmem:$0x9400] =	vst v63  }
0x7b: {  	s18 =	sand.u32 $0x1FFFFF80, s25  }
0x7c: {  	s26 =	rddreg [dreg:$0x16];
	s18 =	sadd.s32 s4, s18  }
0x7d: {  	[tilespmem:s26], [sflag:$0x2] =	stream.linear.gather [hbm4b:s18+s1], $0x400, $0x38;
	[tilespmem:$0x9400] =	vst v63  }
0x7e: {  	s30 =	spop (v2sf);
	(v2sf) =	vpush v2, $0x8  }
0x7f: {  	s18 =	sand.u32 $0x1FFFFF80, s28  }
0x80: {  	s29 =	rddreg [dreg:$0x17];
	s18 =	sadd.s32 s4, s18;
	s19 =	spop (v2sf);
	(v2sf) =	vpush v2, $0x9  }
0x81: {  	[tilespmem:s29], [sflag:$0x2] =	stream.linear.gather [hbm4b:s18+s1], $0x400, $0x38;
	[tilespmem:$0x9400] =	vst v63  }
0x82: {  	s18 =	sand.u32 $0x1FFFFF80, s30;
	s21 =	spop (v2sf);
	(v2sf) =	vpush v2, $0xA  }
0x83: {  	s31 =	rddreg [dreg:$0x18];
	s18 =	sadd.s32 s4, s18  }
0x84: {  	[tilespmem:s31], [sflag:$0x2] =	stream.linear.gather [hbm4b:s18+s1], $0x400, $0x38;
	[tilespmem:$0x9400] =	vst v63  }
0x85: {  	s23 =	spop (v2sf);
	(v2sf) =	vpush v2, $0xB  }
0x86: {  	s18 =	sand.u32 $0x1FFFFF80, s19  }
0x87: {  	s20 =	rddreg [dreg:$0x19];
	s18 =	sadd.s32 s4, s18  }
0x88: {  	[tilespmem:s20], [sflag:$0x2] =	stream.linear.gather [hbm4b:s18+s1], $0x400, $0x38;
	[tilespmem:$0x9400] =	vst v63  }
0x89: {  	s18 =	sand.u32 $0x1FFFFF80, s21  }
0x8a: {  	s22 =	rddreg [dreg:$0x1a];
	s18 =	sadd.s32 s4, s18  }
0x8b: {  	[tilespmem:s22], [sflag:$0x2] =	stream.linear.gather [hbm4b:s18+s1], $0x400, $0x38;
	[tilespmem:$0x9400] =	vst v63  }
0x8c: {  	s18 =	sand.u32 $0x1FFFFF80, s23  }
0x8d: {  	s24 =	rddreg [dreg:$0x1b];
	s18 =	sadd.s32 s4, s18;
	s25 =	spop (v2sf);
	(v2sf) =	vpush v2, $0xC  }
0x8e: {  	[tilespmem:s24], [sflag:$0x2] =	stream.linear.gather [hbm4b:s18+s1], $0x400, $0x38;
	[tilespmem:$0x9400] =	vst v63  }
0x8f: {  	s28 =	spop (v2sf);
	(v2sf) =	vpush v2, $0xD  }
0x90: {  	s18 =	sand.u32 $0x1FFFFF80, s25  }
0x91: {  	s26 =	rddreg [dreg:$0x1c];
	s18 =	sadd.s32 s4, s18;
	s30 =	spop (v2sf)  }
0x92: {  	(v2sf) =	vpush v2, $0xE;
	[tilespmem:s26], [sflag:$0x2] =	stream.linear.gather [hbm4b:s18+s1], $0x400, $0x38;
	[tilespmem:$0x9400] =	vst v63  }
0x93: {  	s18 =	sand.u32 $0x1FFFFF80, s28  }
0x94: {  	s29 =	rddreg [dreg:$0x1d];
	s20 =	spop (v2sf);
	s18 =	sadd.s32 s4, s18  }
0x95: {  	(v2sf) =	vpush v2, $0xF;
	[tilespmem:s29], [sflag:$0x2] =	stream.linear.gather [hbm4b:s18+s1], $0x400, $0x38;
	[tilespmem:$0x9400] =	vst v63  }
0x96: {  	s18 =	sand.u32 $0x1FFFFF80, s30  }
0x97: {  	s31 =	rddreg [dreg:$0x1e];
	s18 =	sadd.s32 s4, s18  }
0x98: {  	[tilespmem:s31], [sflag:$0x2] =	stream.linear.gather [hbm4b:s18+s1], $0x400, $0x38;
	[tilespmem:$0x9400] =	vst v63  }
0x99: {  	s18 =	sand.u32 $0x1FFFFF80, s20  }
0x9a: {  	s21 =	rddreg [dreg:$0x1f];
	s18 =	sadd.s32 s4, s18  }
0x9b: {  	[tilespmem:s21], [sflag:$0x2] =	stream.linear.gather [hbm4b:s18+s1], $0x400, $0x38;
	[tilespmem:$0x9400] =	vst v63  }
0x9c: {  	s23 =	sld [smem:$0x7F8];
	s22 =	spop (v2sf)  }
0x9d: {  	s18 =	sand.u32 $0x1FFFFF80, s22  }
0x9e: {  	s25 =	sld [smem:$0x7F9];
	s24 =	spop (v2sf);
	s18 =	sadd.s32 s4, s18  }
0x9f: {  	[tilespmem:s23], [sflag:$0x2] =	stream.linear.gather [hbm4b:s18+s1], $0x400, $0x38;
	[tilespmem:$0x9400] =	vst v63  }
0xa0: {  	s18 =	sand.u32 $0x1FFFFF80, s24  }
0xa1: {  	s28 =	sld [smem:$0x7FA];
	s26 =	spop (v2sf);
	s18 =	sadd.s32 s4, s18  }
0xa2: {  	[tilespmem:s25], [sflag:$0x2] =	stream.linear.gather [hbm4b:s18+s1], $0x400, $0x38;
	[tilespmem:$0x9400] =	vst v63  }
0xa3: {  	s18 =	sand.u32 $0x1FFFFF80, s26  }
0xa4: {  	s30 =	sld [smem:$0x7FB];
	s29 =	spop (v2sf);
	s18 =	sadd.s32 s4, s18  }
0xa5: {  	[tilespmem:s28], [sflag:$0x2] =	stream.linear.gather [hbm4b:s18+s1], $0x400, $0x38;
	[tilespmem:$0x9400] =	vst v63  }
0xa6: {  	s18 =	sand.u32 $0x1FFFFF80, s29  }
0xa7: {  	s18 =	sadd.s32 s4, s18  }
0xa8: {  	[tilespmem:s30], [sflag:$0x2] =	stream.linear.gather [hbm4b:s18+s1], $0x400, $0x38;
	[tilespmem:$0x9400] =	vst v63  }
0xa9: {  	_ =	swait.ge [sflag:s12], $0x400  }
0xaa: {  	[sflag:s12] =	ssyncset.done $0x0  }
0xab: {  	[sflag:s12] =	ssyncadd.s32 $0xFFFFFC00  }
0xac: {  	_ =	swait.ge [sflag:s12], $0x400  }
0xad: {  	[sflag:s12] =	ssyncset.done $0x0  }
0xae: {  	[sflag:s12] =	ssyncadd.s32 $0xFFFFFC00  }
0xaf: {  	_ =	swait.ge [sflag:s12], $0x400  }
0xb0: {  	[sflag:s12] =	ssyncset.done $0x0  }
0xb1: {  	[sflag:s12] =	ssyncadd.s32 $0xFFFFFC00  }
0xb2: {  	_ =	swait.ge [sflag:s12], $0x400  }
0xb3: {  	[sflag:s12] =	ssyncset.done $0x0  }
0xb4: {  	[sflag:s12] =	ssyncadd.s32 $0xFFFFFC00  }
0xb5: {  	_ =	swait.ge [sflag:s12], $0x400  }
0xb6: {  	[sflag:s12] =	ssyncset.done $0x0  }
0xb7: {  	[sflag:s12] =	ssyncadd.s32 $0xFFFFFC00  }
0xb8: {  	_ =	swait.ge [sflag:s12], $0x400  }
0xb9: {  	[sflag:s12] =	ssyncset.done $0x0  }
0xba: {  	[sflag:s12] =	ssyncadd.s32 $0xFFFFFC00  }
0xbb: {  	_ =	swait.ge [sflag:s12], $0x400  }
0xbc: {  	[sflag:s12] =	ssyncset.done $0x0  }
0xbd: {  	[sflag:s12] =	ssyncadd.s32 $0xFFFFFC00  }
0xbe: {  	_ =	swait.ge [sflag:s12], $0x400  }
0xbf: {  	[sflag:s12] =	ssyncset.done $0x0  }
0xc0: {  	[sflag:s12] =	ssyncadd.s32 $0xFFFFFC00  }
0xc1: {  	_ =	swait.ge [sflag:s12], $0x400  }
0xc2: {  	[sflag:s12] =	ssyncset.done $0x0  }
0xc3: {  	[sflag:s12] =	ssyncadd.s32 $0xFFFFFC00  }
0xc4: {  	_ =	swait.ge [sflag:s12], $0x400  }
0xc5: {  	[sflag:s12] =	ssyncset.done $0x0  }
0xc6: {  	[sflag:s12] =	ssyncadd.s32 $0xFFFFFC00  }
0xc7: {  	_ =	swait.ge [sflag:s12], $0x400  }
0xc8: {  	[sflag:s12] =	ssyncset.done $0x0  }
0xc9: {  	[sflag:s12] =	ssyncadd.s32 $0xFFFFFC00  }
0xca: {  	_ =	swait.ge [sflag:s12], $0x400  }
0xcb: {  	[sflag:s12] =	ssyncset.done $0x0  }
0xcc: {  	[sflag:s12] =	ssyncadd.s32 $0xFFFFFC00  }
0xcd: {  	_ =	swait.ge [sflag:s12], $0x400  }
0xce: {  	[sflag:s12] =	ssyncset.done $0x0  }
0xcf: {  	[sflag:s12] =	ssyncadd.s32 $0xFFFFFC00  }
0xd0: {  	_ =	swait.ge [sflag:s12], $0x400  }
0xd1: {  	[sflag:s12] =	ssyncset.done $0x0  }
0xd2: {  	[sflag:s12] =	ssyncadd.s32 $0xFFFFFC00  }
0xd3: {  	_ =	swait.ge [sflag:s12], $0x400  }
0xd4: {  	[sflag:s12] =	ssyncset.done $0x0  }
0xd5: {  	v1 =	vand.u32 $0x7, v1;
	[sflag:s12] =	ssyncadd.s32 $0xFFFFFC00  }
0xd6: {  	v1 =	vshll.u32 v1, $0x7;
	_ =	swait.ge [sflag:s12], $0x400  }
0xd7: {  	(v2sf) =	vpush v1, $0x1  }
0xd8: {  	(v2sf) =	vpush v1, $0x0;
	_ =	sdelay $0xd  }
0xd9: {  	[sflag:s12] =	ssyncset.done $0x0;
	s31 =	spop (v2sf)  }
0xda: {  	[sflag:s12] =	ssyncadd.s32 $0xFFFFFC00;
	s20 =	spop (v2sf)  }
0xdb: {  	v60 =	vld [tilespmem:s20+$0x400];
	_ =	sdelay $0x4  }
0xdc: {  	[tilespmem:$0x8400] =	vst v60  }
0xdd: {  	v2 =	vld [tilespmem:s20+$0x410]  }
0xde: {  	(v2sf) =	vpush v1, $0x3  }
0xdf: {  	(v2sf) =	vpush v1, $0x2;
	_ =	sdelay $0x2  }
0xe0: {  	[tilespmem:$0x8410] =	vst v2  }
0xe1: {  	v2 =	vld [tilespmem:s31+$0x800];
	_ =	sdelay $0x4  }
0xe2: {  	[tilespmem:$0x8480] =	vst v2  }
0xe3: {  	v2 =	vld [tilespmem:s31+$0x810];
	_ =	sdelay $0x3  }
0xe4: {  	s21 =	spop (v2sf)  }
0xe5: {  	s22 =	spop (v2sf);
	[tilespmem:$0x8490] =	vst v2  }
0xe6: {  	v2 =	vld [tilespmem:s22+$0xC00];
	_ =	sdelay $0x4  }
0xe7: {  	[tilespmem:$0x8500] =	vst v2  }
0xe8: {  	v2 =	vld [tilespmem:s22+$0xC10]  }
0xe9: {  	(v2sf) =	vpush v1, $0x5  }
0xea: {  	(v2sf) =	vpush v1, $0x4;
	_ =	sdelay $0x2  }
0xeb: {  	[tilespmem:$0x8510] =	vst v2  }
0xec: {  	v2 =	vld [tilespmem:s21+$0x1000];
	_ =	sdelay $0x4  }
0xed: {  	[tilespmem:$0x8580] =	vst v2  }
0xee: {  	v2 =	vld [tilespmem:s21+$0x1010];
	_ =	sdelay $0x3  }
0xef: {  	s23 =	spop (v2sf)  }
0xf0: {  	s24 =	spop (v2sf);
	[tilespmem:$0x8590] =	vst v2  }
0xf1: {  	v2 =	vld [tilespmem:s24+$0x1400];
	_ =	sdelay $0x4  }
0xf2: {  	[tilespmem:$0x8600] =	vst v2  }
0xf3: {  	v2 =	vld [tilespmem:s24+$0x1410]  }
0xf4: {  	(v2sf) =	vpush v1, $0x7  }
0xf5: {  	(v2sf) =	vpush v1, $0x6;
	_ =	sdelay $0x2  }
0xf6: {  	[tilespmem:$0x8610] =	vst v2  }
0xf7: {  	v2 =	vld [tilespmem:s23+$0x1800];
	_ =	sdelay $0x4  }
0xf8: {  	[tilespmem:$0x8680] =	vst v2  }
0xf9: {  	v2 =	vld [tilespmem:s23+$0x1810];
	_ =	sdelay $0x3  }
0xfa: {  	s25 =	spop (v2sf)  }
0xfb: {  	s26 =	spop (v2sf);
	[tilespmem:$0x8690] =	vst v2  }
0xfc: {  	v2 =	vld [tilespmem:s26+$0x1C00];
	_ =	sdelay $0x4  }
0xfd: {  	[tilespmem:$0x8700] =	vst v2  }
0xfe: {  	v2 =	vld [tilespmem:s26+$0x1C10]  }
0xff: {  	(v2sf) =	vpush v1, $0x9  }
0x100: {  	(v2sf) =	vpush v1, $0x8;
	_ =	sdelay $0x2  }
0x101: {  	[tilespmem:$0x8710] =	vst v2  }
0x102: {  	v2 =	vld [tilespmem:s25+$0x2000];
	_ =	sdelay $0x4  }
0x103: {  	[tilespmem:$0x8780] =	vst v2  }
0x104: {  	v2 =	vld [tilespmem:s25+$0x2010];
	_ =	sdelay $0x3  }
0x105: {  	s28 =	spop (v2sf)  }
0x106: {  	s29 =	spop (v2sf);
	[tilespmem:$0x8790] =	vst v2  }
0x107: {  	v2 =	vld [tilespmem:s29+$0x2400];
	_ =	sdelay $0x4  }
0x108: {  	[tilespmem:$0x8800] =	vst v2  }
0x109: {  	v2 =	vld [tilespmem:s29+$0x2410]  }
0x10a: {  	(v2sf) =	vpush v1, $0xB  }
0x10b: {  	(v2sf) =	vpush v1, $0xA;
	_ =	sdelay $0x2  }
0x10c: {  	[tilespmem:$0x8810] =	vst v2  }
0x10d: {  	v2 =	vld [tilespmem:s28+$0x2800];
	_ =	sdelay $0x4  }
0x10e: {  	[tilespmem:$0x8880] =	vst v2  }
0x10f: {  	v2 =	vld [tilespmem:s28+$0x2810];
	_ =	sdelay $0x3  }
0x110: {  	s30 =	spop (v2sf)  }
0x111: {  	s31 =	spop (v2sf);
	[tilespmem:$0x8890] =	vst v2  }
0x112: {  	v2 =	vld [tilespmem:s31+$0x2C00];
	_ =	sdelay $0x4  }
0x113: {  	[tilespmem:$0x8900] =	vst v2  }
0x114: {  	v2 =	vld [tilespmem:s31+$0x2C10]  }
0x115: {  	(v2sf) =	vpush v1, $0xD  }
0x116: {  	(v2sf) =	vpush v1, $0xC;
	_ =	sdelay $0x2  }
0x117: {  	[tilespmem:$0x8910] =	vst v2  }
0x118: {  	v2 =	vld [tilespmem:s30+$0x3000];
	_ =	sdelay $0x4  }
0x119: {  	[tilespmem:$0x8980] =	vst v2  }
0x11a: {  	v2 =	vld [tilespmem:s30+$0x3010];
	_ =	sdelay $0x3  }
0x11b: {  	s20 =	spop (v2sf)  }
0x11c: {  	s21 =	spop (v2sf);
	[tilespmem:$0x8990] =	vst v2  }
0x11d: {  	v2 =	vld [tilespmem:s21+$0x3400];
	_ =	sdelay $0x4  }
0x11e: {  	[tilespmem:$0x8A00] =	vst v2  }
0x11f: {  	v2 =	vld [tilespmem:s21+$0x3410]  }
0x120: {  	(v2sf) =	vpush v1, $0xF  }
0x121: {  	(v2sf) =	vpush v1, $0xE;
	_ =	sdelay $0x2  }
0x122: {  	[tilespmem:$0x8A10] =	vst v2  }
0x123: {  	v61 =	vld [tilespmem:s20+$0x3800];
	_ =	sdelay $0x4  }
0x124: {  	[tilespmem:$0x8A80] =	vst v61  }
0x125: {  	v1 =	vld [tilespmem:s20+$0x3810];
	_ =	sdelay $0x3  }
0x126: {  	s22 =	spop (v2sf)  }
0x127: {  	s23 =	spop (v2sf);
	[tilespmem:$0x8A90] =	vst v1  }
0x128: {  	v1 =	vld [tilespmem:s23+$0x3C00];
	_ =	sdelay $0x4  }
0x129: {  	[tilespmem:$0x8B00] =	vst v1  }
0x12a: {  	v1 =	vld [tilespmem:s23+$0x3C10];
	_ =	sdelay $0x4  }
0x12b: {  	[tilespmem:$0x8B10] =	vst v1  }
0x12c: {  	v1 =	vld [tilespmem:s22+$0x4000];
	_ =	sdelay $0x4  }
0x12d: {  	[tilespmem:$0x8B80] =	vst v1  }
0x12e: {  	v1 =	vld [tilespmem:s22+$0x4010];
	_ =	sdelay $0x2  }
0x12f: {  	s24 =	sld [smem:$0x7FC];
	_ =	sdelay $0x1  }
0x130: {  	[tilespmem:$0x8B90] =	vst v1  }
0x131: {  	[hbm4b:s16+s1] =	stream.linear.scatter [tilespmem:s24], [sflag:$0x3], $0x800, $0x38;
	[tilespmem:$0x9400] =	vst v63  }
0x132: {  	_ =	swait.ge [sflag:s10], $0x800  }
0x133: {  	[sflag:s10] =	ssyncset.done $0x0  }
0x134: {  	[sflag:s10] =	ssyncadd.s32 $0xFFFFF800  }
0x135: {  	_ =	swait.ge [sflag:s13], $0x400  }
0x136: {  	[sflag:s13] =	ssyncset.done $0x0  }
0x137: {  	[sflag:s13] =	ssyncadd.s32 $0xFFFFFC00  }
0x138: {  	_ =	swait.ge [sflag:s13], $0x400  }
0x139: {  	[sflag:s13] =	ssyncset.done $0x0  }
0x13a: {  	[sflag:s13] =	ssyncadd.s32 $0xFFFFFC00  }
0x13b: {  	_ =	swait.ge [sflag:s13], $0x400  }
0x13c: {  	[sflag:s13] =	ssyncset.done $0x0  }
0x13d: {  	[sflag:s13] =	ssyncadd.s32 $0xFFFFFC00  }
0x13e: {  	_ =	swait.ge [sflag:s13], $0x400  }
0x13f: {  	[sflag:s13] =	ssyncset.done $0x0  }
0x140: {  	[sflag:s13] =	ssyncadd.s32 $0xFFFFFC00  }
0x141: {  	_ =	swait.ge [sflag:s13], $0x400  }
0x142: {  	[sflag:s13] =	ssyncset.done $0x0  }
0x143: {  	[sflag:s13] =	ssyncadd.s32 $0xFFFFFC00  }
0x144: {  	_ =	swait.ge [sflag:s13], $0x400  }
0x145: {  	[sflag:s13] =	ssyncset.done $0x0  }
0x146: {  	[sflag:s13] =	ssyncadd.s32 $0xFFFFFC00  }
0x147: {  	_ =	swait.ge [sflag:s13], $0x400  }
0x148: {  	[sflag:s13] =	ssyncset.done $0x0  }
0x149: {  	[sflag:s13] =	ssyncadd.s32 $0xFFFFFC00  }
0x14a: {  	_ =	swait.ge [sflag:s13], $0x400  }
0x14b: {  	[sflag:s13] =	ssyncset.done $0x0  }
0x14c: {  	[sflag:s13] =	ssyncadd.s32 $0xFFFFFC00  }
0x14d: {  	_ =	swait.ge [sflag:s13], $0x400  }
0x14e: {  	[sflag:s13] =	ssyncset.done $0x0  }
0x14f: {  	[sflag:s13] =	ssyncadd.s32 $0xFFFFFC00  }
0x150: {  	_ =	swait.ge [sflag:s13], $0x400  }
0x151: {  	[sflag:s13] =	ssyncset.done $0x0  }
0x152: {  	[sflag:s13] =	ssyncadd.s32 $0xFFFFFC00  }
0x153: {  	_ =	swait.ge [sflag:s13], $0x400  }
0x154: {  	[sflag:s13] =	ssyncset.done $0x0  }
0x155: {  	[sflag:s13] =	ssyncadd.s32 $0xFFFFFC00  }
0x156: {  	_ =	swait.ge [sflag:s13], $0x400  }
0x157: {  	[sflag:s13] =	ssyncset.done $0x0  }
0x158: {  	[sflag:s13] =	ssyncadd.s32 $0xFFFFFC00  }
0x159: {  	_ =	swait.ge [sflag:s13], $0x400  }
0x15a: {  	[sflag:s13] =	ssyncset.done $0x0  }
0x15b: {  	[sflag:s13] =	ssyncadd.s32 $0xFFFFFC00  }
0x15c: {  	_ =	swait.ge [sflag:s13], $0x400  }
0x15d: {  	[sflag:s13] =	ssyncset.done $0x0  }
0x15e: {  	[sflag:s13] =	ssyncadd.s32 $0xFFFFFC00  }
0x15f: {  	_ =	swait.ge [sflag:s13], $0x400  }
0x160: {  	[sflag:s13] =	ssyncset.done $0x0  }
0x161: {  	v0 =	vand.u32 $0x7, v58;
	[sflag:s13] =	ssyncadd.s32 $0xFFFFFC00  }
0x162: {  	v0 =	vshll.u32 v0, $0x7;
	_ =	swait.ge [sflag:s13], $0x400  }
0x163: {  	(v2sf) =	vpush v0, $0x1  }
0x164: {  	(v2sf) =	vpush v0, $0x0;
	_ =	sdelay $0xd  }
0x165: {  	[sflag:s13] =	ssyncset.done $0x0;
	s25 =	spop (v2sf)  }
0x166: {  	[sflag:s13] =	ssyncadd.s32 $0xFFFFFC00;
	s26 =	spop (v2sf)  }
0x167: {  	v62 =	vld [tilespmem:s26+$0x4400];
	_ =	sdelay $0x4  }
0x168: {  	[tilespmem:$0x8C00] =	vst v62  }
0x169: {  	v1 =	vld [tilespmem:s26+$0x4410]  }
0x16a: {  	(v2sf) =	vpush v0, $0x3  }
0x16b: {  	(v2sf) =	vpush v0, $0x2;
	_ =	sdelay $0x2  }
0x16c: {  	[tilespmem:$0x8C10] =	vst v1  }
0x16d: {  	v1 =	vld [tilespmem:s25+$0x4800];
	_ =	sdelay $0x4  }
0x16e: {  	[tilespmem:$0x8C80] =	vst v1  }
0x16f: {  	v1 =	vld [tilespmem:s25+$0x4810];
	_ =	sdelay $0x3  }
0x170: {  	s28 =	spop (v2sf)  }
0x171: {  	s29 =	spop (v2sf);
	[tilespmem:$0x8C90] =	vst v1  }
0x172: {  	v1 =	vld [tilespmem:s29+$0x4C00];
	_ =	sdelay $0x4  }
0x173: {  	[tilespmem:$0x8D00] =	vst v1  }
0x174: {  	v1 =	vld [tilespmem:s29+$0x4C10]  }
0x175: {  	(v2sf) =	vpush v0, $0x5  }
0x176: {  	(v2sf) =	vpush v0, $0x4;
	_ =	sdelay $0x2  }
0x177: {  	[tilespmem:$0x8D10] =	vst v1  }
0x178: {  	v1 =	vld [tilespmem:s28+$0x5000];
	_ =	sdelay $0x4  }
0x179: {  	[tilespmem:$0x8D80] =	vst v1  }
0x17a: {  	v1 =	vld [tilespmem:s28+$0x5010];
	_ =	sdelay $0x3  }
0x17b: {  	s30 =	spop (v2sf)  }
0x17c: {  	s31 =	spop (v2sf);
	[tilespmem:$0x8D90] =	vst v1  }
0x17d: {  	v1 =	vld [tilespmem:s31+$0x5400];
	_ =	sdelay $0x4  }
0x17e: {  	[tilespmem:$0x8E00] =	vst v1  }
0x17f: {  	v1 =	vld [tilespmem:s31+$0x5410]  }
0x180: {  	(v2sf) =	vpush v0, $0x7  }
0x181: {  	(v2sf) =	vpush v0, $0x6;
	_ =	sdelay $0x2  }
0x182: {  	[tilespmem:$0x8E10] =	vst v1  }
0x183: {  	v1 =	vld [tilespmem:s30+$0x5800];
	_ =	sdelay $0x4  }
0x184: {  	[tilespmem:$0x8E80] =	vst v1  }
0x185: {  	v1 =	vld [tilespmem:s30+$0x5810];
	_ =	sdelay $0x3  }
0x186: {  	s20 =	spop (v2sf)  }
0x187: {  	s21 =	spop (v2sf);
	[tilespmem:$0x8E90] =	vst v1  }
0x188: {  	v1 =	vld [tilespmem:s21+$0x5C00];
	_ =	sdelay $0x4  }
0x189: {  	[tilespmem:$0x8F00] =	vst v1  }
0x18a: {  	v1 =	vld [tilespmem:s21+$0x5C10]  }
0x18b: {  	(v2sf) =	vpush v0, $0x9  }
0x18c: {  	(v2sf) =	vpush v0, $0x8;
	_ =	sdelay $0x2  }
0x18d: {  	[tilespmem:$0x8F10] =	vst v1  }
0x18e: {  	v1 =	vld [tilespmem:s20+$0x6000];
	_ =	sdelay $0x4  }
0x18f: {  	[tilespmem:$0x8F80] =	vst v1  }
0x190: {  	v1 =	vld [tilespmem:s20+$0x6010];
	_ =	sdelay $0x3  }
0x191: {  	s22 =	spop (v2sf)  }
0x192: {  	s23 =	spop (v2sf);
	[tilespmem:$0x8F90] =	vst v1  }
0x193: {  	v1 =	vld [tilespmem:s23+$0x6400];
	_ =	sdelay $0x4  }
0x194: {  	[tilespmem:$0x9000] =	vst v1  }
0x195: {  	v1 =	vld [tilespmem:s23+$0x6410]  }
0x196: {  	(v2sf) =	vpush v0, $0xB  }
0x197: {  	(v2sf) =	vpush v0, $0xA;
	_ =	sdelay $0x2  }
0x198: {  	[tilespmem:$0x9010] =	vst v1  }
0x199: {  	v1 =	vld [tilespmem:s22+$0x6800];
	_ =	sdelay $0x4  }
0x19a: {  	[tilespmem:$0x9080] =	vst v1  }
0x19b: {  	v1 =	vld [tilespmem:s22+$0x6810];
	_ =	sdelay $0x3  }
0x19c: {  	s24 =	spop (v2sf)  }
0x19d: {  	s25 =	spop (v2sf);
	[tilespmem:$0x9090] =	vst v1  }
0x19e: {  	v1 =	vld [tilespmem:s25+$0x6C00];
	_ =	sdelay $0x4  }
0x19f: {  	[tilespmem:$0x9100] =	vst v1  }
0x1a0: {  	v1 =	vld [tilespmem:s25+$0x6C10]  }
0x1a1: {  	(v2sf) =	vpush v0, $0xD  }
0x1a2: {  	(v2sf) =	vpush v0, $0xC;
	_ =	sdelay $0x2  }
0x1a3: {  	[tilespmem:$0x9110] =	vst v1  }
0x1a4: {  	v1 =	vld [tilespmem:s24+$0x7000];
	_ =	sdelay $0x4  }
0x1a5: {  	[tilespmem:$0x9180] =	vst v1  }
0x1a6: {  	v1 =	vld [tilespmem:s24+$0x7010];
	_ =	sdelay $0x3  }
0x1a7: {  	s26 =	spop (v2sf)  }
0x1a8: {  	s28 =	spop (v2sf);
	[tilespmem:$0x9190] =	vst v1  }
0x1a9: {  	v1 =	vld [tilespmem:s28+$0x7400];
	_ =	sdelay $0x4  }
0x1aa: {  	[tilespmem:$0x9200] =	vst v1  }
0x1ab: {  	v1 =	vld [tilespmem:s28+$0x7410]  }
0x1ac: {  	(v2sf) =	vpush v0, $0xF  }
0x1ad: {  	(v2sf) =	vpush v0, $0xE;
	_ =	sdelay $0x2  }
0x1ae: {  	[tilespmem:$0x9210] =	vst v1  }
0x1af: {  	v63 =	vld [tilespmem:s26+$0x7800];
	_ =	sdelay $0x4  }
0x1b0: {  	[tilespmem:$0x9280] =	vst v63  }
0x1b1: {  	v0 =	vld [tilespmem:s26+$0x7810];
	_ =	sdelay $0x3  }
0x1b2: {  	s29 =	spop (v2sf)  }
0x1b3: {  	s30 =	spop (v2sf);
	[tilespmem:$0x9290] =	vst v0  }
0x1b4: {  	v0 =	vld [tilespmem:s30+$0x7C00];
	_ =	sdelay $0x4  }
0x1b5: {  	[tilespmem:$0x9300] =	vst v0  }
0x1b6: {  	v0 =	vld [tilespmem:s30+$0x7C10];
	_ =	sdelay $0x4  }
0x1b7: {  	[tilespmem:$0x9310] =	vst v0  }
0x1b8: {  	v0 =	vld [tilespmem:s29+$0x8000];
	_ =	sdelay $0x4  }
0x1b9: {  	[tilespmem:$0x9380] =	vst v0  }
0x1ba: {  	v0 =	vld [tilespmem:s29+$0x8010];
	_ =	sdelay $0x2  }
0x1bb: {  	s31 =	sld [smem:$0x7FD]  }
0x1bc: {  	p0 =	sne.s32 s17, $0x7C0  }
.Ltmp0:
0x1bd: {  	[tilespmem:$0x9390] =	vst v0;
	(pc) =	sbr.rel @p0 .LBB2_2-.Ltmp0, $4  }
0x1be: {  	[hbm4b:s15+s1] =	stream.linear.scatter [tilespmem:s31], [sflag:$0x3], $0x800, $0x38;
	[tilespmem:$0x9400] =	vst v63  }
0x1bf: {  	_ =	swait.ge [sflag:s10], $0x800  }
0x1c0: {  	s17 =	sadd.s32 $0x40, s17;
	[sflag:s10] =	ssyncset.done $0x0  }
0x1c1: {  	s16 =	sadd.s32 $0x100, s16;
	s15 =	sadd.s32 $0x100, s15;
	[sflag:s10] =	ssyncadd.s32 $0xFFFFF800  }
0x1c2: {  	s14 =	sadd.s32 $0x1, s14  }
0x1c3: {  	p0 =	sne.s32 s14, s7  }
.Ltmp1:
0x1c4: {  	_ = 	snop;
	(pc) =	sbr.rel @p0 .LBB2_1-.Ltmp1, $1  }
0x1c5: {  	_ =	sdelay $0x3  }
0x1c6: {  	_ =	sfence.sel $0x180000  }
0x1c7: {  	[bflag:$0x0] =	sbarrier.arrive $0xFFFF  }
0x1c8: {  	p0 =	sne.s32 s3, $0x0;
	_ =	strace $0x90000047  }
0x1c9: {  	s0 =	sadd.s32 @!p0 $0x100000, s0;
	[bflag:$0x2] =	sbarrier.arrive $0xFFFF  }
0x1ca: {  	[sflag:s0] =	ssyncadd.tile.s32 @!p0 $0x1;
	_ =	shalt  }
.Lfunc_end2:
_tile_overlayer_lowered:
.L_overlay_start_2:
0x1cb: {  	(tag) =	ssettag $0x2  }
0x1cc: {  	s0 =	rddreg [dreg:$0x0];
	s2 =	stileid.u32  }
0x1cd: {  	s1 =	rddreg [dreg:$0x1];
	p0 =	sne.s32 s2, $0x0  }
0x1ce: {  	s3 =	rddreg [dreg:$0x2];
	[bflag:$0x3] =	sbarrier.arrive $0xFFFF;
	s2 =	simm.s32 @!p0 $0x1C03  }
0x1cf: {  	[timem:s3], [sflag:s2] =	dma.local @!p0 [hbm:s0], s1  }
0x1d0: {  	s0 =	simm.s32 @!p0 $0x3  }
0x1d1: {  	_ =	swait.ge @!p0 [sflag:s0], s1  }
0x1d2: {  	s1 =	ssub.s32 @!p0 $0x0, s1;
	[sflag:s0] =	ssyncset.done @!p0 $0x0  }
0x1d3: {  	[sflag:s0] =	ssyncadd.s32 @!p0 s1  }
0x1d4: {  	[bflag:$0x3] =	sbarrier.arrive $0xFFFF  }
0x1d5: {  	_ =	shalt  }

</sc_bundles>
